<compile_context>
chip_gen: v7x
topology: tpu7x:2x2x1
jax: 0.10.2.dev20260603
libtpu: 0.0.44.dev20260713+nightly
codegen_flags: <defaults>
</compile_context>

<pallas_src>
import functools

import jax
import jax.numpy as jnp
from jax import lax
from jax.experimental import pallas as pl
from jax.experimental.pallas import tpu as pltpu
from jax.experimental.pallas import tpu_sc as plsc

N_E = 1024
E_DIM = 64
BETA = 0.25
B = 32
T = 16
BT = B * T
NCOL = N_E + 1
NPAD = 1040
BIG = 1e30



def _tc_dist(z_ref, w_ref, d_ref, w128_ref):
    z3 = z_ref[...]
    z2d = z3.reshape(BT, E_DIM)
    w = w_ref[...]
    wpad = jnp.concatenate(
        [w, jnp.zeros((NPAD - NCOL, E_DIM), jnp.float32)], axis=0)
    z2 = jnp.sum(z2d * z2d, axis=1, keepdims=True)
    ww = wpad * wpad
    w2r = lax.dot_general(jnp.ones((1, E_DIM), jnp.float32), ww,
                          (((1,), (1,)), ((), ())),
                          preferred_element_type=jnp.float32)
    colr = lax.broadcasted_iota(jnp.int32, (1, NPAD), 1)
    w2r = jnp.where(colr < NCOL, w2r, BIG)
    zw = lax.dot_general(z2d, wpad, (((1,), (1,)), ((), ())),
                         preferred_element_type=jnp.float32)
    d = (z2 + w2r) - 2.0 * zw
    d_ref[...] = d.reshape(B, T, NPAD)
    w128_ref[...] = jnp.concatenate(
        [w, jnp.zeros((NCOL, 128 - E_DIM), jnp.float32)], axis=1)



_sc_mesh = plsc.VectorSubcoreMesh(core_axis_name="c", subcore_axis_name="s")


@functools.partial(
    pl.kernel,
    mesh=_sc_mesh,
    compiler_params=pltpu.CompilerParams(needs_layout_passes=False),
    out_type=(
        jax.ShapeDtypeStruct((B, T, E_DIM), jnp.float32),
        jax.ShapeDtypeStruct((B, T), jnp.int32),
        jax.ShapeDtypeStruct((B, T, 16), jnp.float32),
    ),
    scratch_types=[
        pltpu.VMEM((T, NPAD), jnp.float32),
        pltpu.VMEM((T, E_DIM), jnp.float32),
        pltpu.VMEM((T, 128), jnp.float32),
        pltpu.VMEM((16,), jnp.int32),
        pltpu.VMEM((T, 16), jnp.float32),
        pltpu.VMEM((16,), jnp.float32),
        pltpu.VMEM((16,), jnp.int32),
        pltpu.VMEM((16,), jnp.float32),
        pltpu.SemaphoreType.DMA,
        pltpu.SemaphoreType.DMA,
        pltpu.SemaphoreType.DMA,
    ],
)
def _sc_scan(d_hbm, z_hbm, w_hbm, zq_hbm, ind_hbm, dsel_hbm,
             dv, zv, wrows, idxv, dsp, bval, bidx, dselr, sem, sem2, sem3):
    wid = lax.axis_index("s") * 2 + lax.axis_index("c")
    cp_d = pltpu.async_copy(d_hbm.at[wid], dv, sem)
    cp_z = pltpu.async_copy(z_hbm.at[wid], zv, sem2)
    cp_d.wait()
    iota = lax.broadcasted_iota(jnp.int32, (16,), 0)
    zero16 = jnp.zeros((16,), jnp.int32)

    best = dv[0, pl.ds(0, 16)]
    besti = iota
    for c in range(1, NPAD // 16):
        vv = dv[0, pl.ds(c * 16, 16)]
        ci = iota + c * 16
        take = vv < best
        best = jnp.where(take, vv, best)
        besti = jnp.where(take, ci, besti)
    for k in (1, 2, 4, 8):
        bval[...] = best
        bidx[...] = besti
        partner = iota ^ k
        gv = plsc.load_gather(bval, [partner])
        gi = plsc.load_gather(bidx, [partner])
        take = (gv < best) | ((gv == best) & (gi < besti))
        best = jnp.where(take, gv, best)
        besti = jnp.where(take, gi, besti)
    indv = jnp.minimum(besti, N_E - 1)

    dselv = plsc.load_gather(dv, [zero16, indv])
    dsel_row = jnp.where(iota == 0, dselv, 0.0)
    ind_row = jnp.where(iota == 0, indv, 0)
    for t in range(1, T):
        tv = jnp.full((16,), t, jnp.int32)
        indnv = jnp.minimum(indv + 1, N_E - 1)
        gh = plsc.load_gather(dv, [tv, indv])
        gn = plsc.load_gather(dv, [tv, indnv])
        keep = gh <= gn
        indv = jnp.where(keep, indv, indnv)
        dsel = jnp.where(keep, gh, gn)
        mask = iota == t
        ind_row = jnp.where(mask, indv, ind_row)
        dsel_row = jnp.where(mask, dsel, dsel_row)

    idxv[...] = ind_row
    dselr[...] = dsel_row
    pltpu.sync_copy(idxv, ind_hbm.at[wid])
    for tt in range(T):
        dsp[tt, pl.ds(0, 16)] = plsc.load_gather(
            dselr, [jnp.full((16,), tt, jnp.int32)])
    pltpu.sync_copy(dsp, dsel_hbm.at[wid])

    pltpu.async_copy(w_hbm.at[idxv], wrows, sem3).wait()
    cp_z.wait()
    for tt in range(T):
        for e in range(E_DIM // 16):
            zz = zv[tt, pl.ds(e * 16, 16)]
            wv = wrows[tt, pl.ds(e * 16, 16)]
            zv[tt, pl.ds(e * 16, 16)] = zz + (wv - zz)
    pltpu.sync_copy(zv, zq_hbm.at[wid])



def _tc_loss(d_ref, dsel_ref, ind_ref, loss_ref, v_ref):
    d = d_ref[...].reshape(BT, NPAD)
    dsel = dsel_ref[...].reshape(BT, 16)[:, 0:1]
    eps = 1e-06 / N_E
    terms = jnp.maximum((dsel - d) + eps, 0.0)
    lc = jnp.sum(jnp.sum(terms, axis=1, keepdims=True), axis=0,
                 keepdims=True) / float(BT * NCOL)
    loss_ref[...] = BETA * lc + lc
    ind = ind_ref[...]
    rng = (jnp.max(ind, axis=1, keepdims=True)
           - jnp.min(ind, axis=1, keepdims=True))
    v_ref[...] = jnp.max(rng, axis=0, keepdims=True)


def kernel(z, W):
    d, w128 = pl.pallas_call(
        _tc_dist,
        out_shape=[
            jax.ShapeDtypeStruct((B, T, NPAD), jnp.float32),
            jax.ShapeDtypeStruct((NCOL, 128), jnp.float32),
        ],
    )(z, W)
    zq, ind, dsel = _sc_scan(d, z, w128)
    loss, v = pl.pallas_call(
        _tc_loss,
        out_shape=[
            jax.ShapeDtypeStruct((1, 1), jnp.float32),
            jax.ShapeDtypeStruct((1, 1), jnp.int32),
        ],
    )(d, dsel, ind)
    return (zq, loss.reshape(()), ind, v.reshape(()))

# --- scband reference (transcript-rebuilt; emitter-appended) ---
"""Pipeline reference for scband-vqelastic-26405458936344 (READ-ONLY COPY).

The authoritative reference and input builder live on the scoring server;
editing this copy changes nothing except your own understanding.
"""

import jax, jax.numpy as jnp
import numpy as np

N_E = 1024
E_DIM = 64
BETA = 0.25
PERSISTENCE = 0.0


def setup_inputs(seed: int = 0) -> dict:
    key = jax.random.key(seed)
    k1, k2 = jax.random.split(key)
    z = jax.random.normal(k1, (32, 16, E_DIM), dtype=jnp.float32)
    W = jax.random.uniform(k2, (N_E + 1, E_DIM), dtype=jnp.float32, minval=-1.0 / N_E, maxval=1.0 / N_E)
    return {"z": z, "W": W}


def _loss_contrast(z, ind, book):
    z_q = book[ind]
    loss_indices = jnp.sum((z - z_q) ** 2, axis=-1)
    loss_all = jnp.sum((z[:, :, None, :] - book[None, None, :, :]) ** 2, axis=-1)
    loss_contrast = loss_indices[..., None] - loss_all + 1e-06 / N_E
    loss_contrast = jnp.maximum(loss_contrast, jnp.zeros_like(loss_contrast))
    return loss_contrast.mean()


def reference(z, W):
    B, T = z.shape[0], z.shape[1]
    z_flattened = z.reshape(-1, E_DIM)
    d = (jnp.sum(z_flattened ** 2, axis=1, keepdims=True)
         + jnp.sum(W ** 2, axis=1)
         - 2.0 * jnp.einsum('bd,dn->bn', z_flattened, W.T))
    d = d.reshape(B, T, -1)
    encoding_indices = jnp.clip(jnp.argmin(d[:, 0, :], axis=1), 0, N_E - 1)
    encoding_indices = encoding_indices[:, None]
    coe_persistence = jnp.zeros((B, 1), dtype=jnp.float32)
    for t in range(0, T - 1):
        d_t = d[:, t + 1, :]
        ind_here = encoding_indices[:, t:t + 1]
        d_here = jnp.take_along_axis(d_t, ind_here, axis=1)
        ind_next = jnp.clip(ind_here + 1, 0, N_E - 1)
        d_next = jnp.take_along_axis(d_t, ind_next, axis=1)
        d_choice_mask = d_here <= (d_next - coe_persistence)
        ind_new = jnp.where(d_choice_mask, ind_here, ind_next)
        coe_persistence = jnp.where(d_choice_mask, coe_persistence + PERSISTENCE / float(N_E), 0.0)
        encoding_indices = jnp.concatenate([encoding_indices, ind_new], axis=1)
    z_q = W[encoding_indices.reshape(-1)].reshape(z.shape)
    # legacy=False branch
    loss = (BETA * _loss_contrast(z, encoding_indices, jax.lax.stop_gradient(W))
            + _loss_contrast(jax.lax.stop_gradient(z), encoding_indices, W))
    z_q = z + jax.lax.stop_gradient(z_q - z)
    min_indices = jnp.min(encoding_indices, axis=1)
    max_indices = jnp.max(encoding_indices, axis=1)
    v = jnp.max(max_indices - min_indices)
    return (z_q, loss, encoding_indices, v)

if __name__ == "__main__":
    import jax
    _d = setup_inputs()
    print(jax.jit(kernel)(*tuple(_d.values())))

</pallas_src>

<mosaic_0001>
#map = affine_map<(d0, d1) -> (0, 0, 0)>
#map1 = affine_map<(d0, d1) -> (0, 0)>
module attributes {stable_mosaic.version = 14 : i64} {
  func.func @_sc_scan(%arg0: i32, %arg1: i32, %arg2: memref<32x16x1040xf32, #tpu.memory_space<hbm>>, %arg3: memref<32x16x64xf32, #tpu.memory_space<hbm>>, %arg4: memref<1025x128xf32, #tpu.memory_space<hbm>>, %arg5: memref<32x16x64xf32, #tpu.memory_space<hbm>>, %arg6: memref<32x16xi32, #tpu.memory_space<hbm>>, %arg7: memref<32x16x16xf32, #tpu.memory_space<hbm>>, %arg8: memref<16x1040xf32, #tpu.memory_space<vmem>>, %arg9: memref<16x64xf32, #tpu.memory_space<vmem>>, %arg10: memref<16x128xf32, #tpu.memory_space<vmem>>, %arg11: memref<16xi32, #tpu.memory_space<vmem>>, %arg12: memref<16x16xf32, #tpu.memory_space<vmem>>, %arg13: memref<16xf32, #tpu.memory_space<vmem>>, %arg14: memref<16xi32, #tpu.memory_space<vmem>>, %arg15: memref<16xf32, #tpu.memory_space<vmem>>, %arg16: memref<!tpu.dma_semaphore, #tpu.memory_space<semaphore_mem>>, %arg17: memref<!tpu.dma_semaphore, #tpu.memory_space<semaphore_mem>>, %arg18: memref<!tpu.dma_semaphore, #tpu.memory_space<semaphore_mem>>) attributes {dimension_semantics = [#tpu.dimension_semantics<core_parallel>, #tpu.dimension_semantics<subcore_parallel>], iteration_bounds = array<i64: 2, 16>, scalar_prefetch = 0 : i64, scratch_operands = 11 : i64, tpu.core_type = #tpu.core_type<sc_vector_subcore>, window_params = [{transform_indices = #map}, {transform_indices = #map}, {transform_indices = #map1}, {transform_indices = #map}, {transform_indices = #map1}, {transform_indices = #map}]} {
    %mul3A = arith.constant 2 : i32
    %mul3A_0 = arith.muli %arg1, %mul3A : i32
    %add3A = arith.addi %mul3A_0, %arg0 : i32
    %dma_start3A = arith.constant 0 : i32
    %dma_start3A_1 = arith.constant 0 : i32
    %dma_start3A_2 = tpu.memref_slice %arg2[%add3A, %dma_start3A, %dma_start3A_1] : memref<32x16x1040xf32, #tpu.memory_space<hbm>> -> memref<1x16x1040xf32, #tpu.memory_space<hbm>>
    %dma_start3A_3 = tpu.memref_squeeze %dma_start3A_2 : memref<1x16x1040xf32, #tpu.memory_space<hbm>> -> memref<16x1040xf32, #tpu.memory_space<hbm>>
    %dma_start3A_4 = arith.constant 0 : i32
    %dma_start3A_5 = arith.constant 0 : i32
    %dma_start3A_6 = tpu.memref_slice %arg2[%add3A, %dma_start3A_4, %dma_start3A_5] : memref<32x16x1040xf32, #tpu.memory_space<hbm>> -> memref<1x16x1040xf32, #tpu.memory_space<hbm>>
    %dma_start3A_7 = tpu.memref_squeeze %dma_start3A_6 : memref<1x16x1040xf32, #tpu.memory_space<hbm>> -> memref<16x1040xf32, #tpu.memory_space<hbm>>
    tpu.enqueue_dma source(%dma_start3A_7 : memref<16x1040xf32, #tpu.memory_space<hbm>>) target(%arg8 : memref<16x1040xf32, #tpu.memory_space<vmem>>) target_semaphore(%arg16 : memref<!tpu.dma_semaphore, #tpu.memory_space<semaphore_mem>>)
    %dma_start3A_8 = arith.constant 0 : i32
    %dma_start3A_9 = arith.constant 0 : i32
    %dma_start3A_10 = tpu.memref_slice %arg3[%add3A, %dma_start3A_8, %dma_start3A_9] : memref<32x16x64xf32, #tpu.memory_space<hbm>> -> memref<1x16x64xf32, #tpu.memory_space<hbm>>
    %dma_start3A_11 = tpu.memref_squeeze %dma_start3A_10 : memref<1x16x64xf32, #tpu.memory_space<hbm>> -> memref<16x64xf32, #tpu.memory_space<hbm>>
    %dma_start3A_12 = arith.constant 0 : i32
    %dma_start3A_13 = arith.constant 0 : i32
    %dma_start3A_14 = tpu.memref_slice %arg3[%add3A, %dma_start3A_12, %dma_start3A_13] : memref<32x16x64xf32, #tpu.memory_space<hbm>> -> memref<1x16x64xf32, #tpu.memory_space<hbm>>
    %dma_start3A_15 = tpu.memref_squeeze %dma_start3A_14 : memref<1x16x64xf32, #tpu.memory_space<hbm>> -> memref<16x64xf32, #tpu.memory_space<hbm>>
    tpu.enqueue_dma source(%dma_start3A_15 : memref<16x64xf32, #tpu.memory_space<hbm>>) target(%arg9 : memref<16x64xf32, #tpu.memory_space<vmem>>) target_semaphore(%arg17 : memref<!tpu.dma_semaphore, #tpu.memory_space<semaphore_mem>>)
    %dma_wait3A = arith.constant 0 : i32
    %dma_wait3A_16 = arith.constant 0 : i32
    %dma_wait3A_17 = tpu.memref_slice %arg2[%add3A, %dma_wait3A, %dma_wait3A_16] : memref<32x16x1040xf32, #tpu.memory_space<hbm>> -> memref<1x16x1040xf32, #tpu.memory_space<hbm>>
    %dma_wait3A_18 = tpu.memref_squeeze %dma_wait3A_17 : memref<1x16x1040xf32, #tpu.memory_space<hbm>> -> memref<16x1040xf32, #tpu.memory_space<hbm>>
    %dma_wait3A_19 = arith.constant 0 : i32
    %dma_wait3A_20 = arith.constant 0 : i32
    %dma_wait3A_21 = tpu.memref_slice %arg2[%add3A, %dma_wait3A_19, %dma_wait3A_20] : memref<32x16x1040xf32, #tpu.memory_space<hbm>> -> memref<1x16x1040xf32, #tpu.memory_space<hbm>>
    %dma_wait3A_22 = tpu.memref_squeeze %dma_wait3A_21 : memref<1x16x1040xf32, #tpu.memory_space<hbm>> -> memref<16x1040xf32, #tpu.memory_space<hbm>>
    tpu.wait_dma2 semaphore(%arg16 : memref<!tpu.dma_semaphore, #tpu.memory_space<semaphore_mem>>) src(%dma_wait3A_22 : memref<16x1040xf32, #tpu.memory_space<hbm>>) dst(%arg8 : memref<16x1040xf32, #tpu.memory_space<vmem>>)
    %iota3A = tpu.iota {dimensions = array<i32: 0>} : vector<16xi32>
    %broadcast_in_dim3A = arith.constant 0 : i32
    %broadcast_in_dim3A_23 = vector.broadcast %broadcast_in_dim3A : i32 to vector<16xi32>
    %get3A = arith.constant 0 : i32
    %get3A_24 = arith.index_cast %get3A : i32 to index
    %get3A_25 = arith.constant 0 : index
    %get3A_26 = tpu.vector_load %arg8[%get3A_24, %get3A_25] {strides = array<i32>} : memref<16x1040xf32, #tpu.memory_space<vmem>>, vector<16xf32>,
    %get3A_27 = arith.constant 0 : i32
    %get3A_28 = arith.index_cast %get3A_27 : i32 to index
    %get3A_29 = arith.constant 16 : index
    %get3A_30 = tpu.vector_load %arg8[%get3A_28, %get3A_29] {strides = array<i32>} : memref<16x1040xf32, #tpu.memory_space<vmem>>, vector<16xf32>,
    %add3A_31 = arith.constant 16 : i32
    %add3A_32 = vector.broadcast %add3A_31 : i32 to vector<16xi32>
    %add3A_33 = arith.addi %iota3A, %add3A_32 : vector<16xi32>
    %lt3A = arith.cmpf olt, %get3A_30, %get3A_26 : vector<16xf32>
    %select_n3A = arith.select %lt3A, %get3A_30, %get3A_26 : vector<16xi1>, vector<16xf32>
    %select_n3A_34 = arith.select %lt3A, %add3A_33, %iota3A : vector<16xi1>, vector<16xi32>
    %get3A_35 = arith.constant 0 : i32
    %get3A_36 = arith.index_cast %get3A_35 : i32 to index
    %get3A_37 = arith.constant 32 : index
    %get3A_38 = tpu.vector_load %arg8[%get3A_36, %get3A_37] {strides = array<i32>} : memref<16x1040xf32, #tpu.memory_space<vmem>>, vector<16xf32>,
    %add3A_39 = arith.constant 32 : i32
    %add3A_40 = vector.broadcast %add3A_39 : i32 to vector<16xi32>
    %add3A_41 = arith.addi %iota3A, %add3A_40 : vector<16xi32>
    %lt3A_42 = arith.cmpf olt, %get3A_38, %select_n3A : vector<16xf32>
    %select_n3A_43 = arith.select %lt3A_42, %get3A_38, %select_n3A : vector<16xi1>, vector<16xf32>
    %select_n3A_44 = arith.select %lt3A_42, %add3A_41, %select_n3A_34 : vector<16xi1>, vector<16xi32>
    %get3A_45 = arith.constant 0 : i32
    %get3A_46 = arith.index_cast %get3A_45 : i32 to index
    %get3A_47 = arith.constant 48 : index
    %get3A_48 = tpu.vector_load %arg8[%get3A_46, %get3A_47] {strides = array<i32>} : memref<16x1040xf32, #tpu.memory_space<vmem>>, vector<16xf32>,
    %add3A_49 = arith.constant 48 : i32
    %add3A_50 = vector.broadcast %add3A_49 : i32 to vector<16xi32>
    %add3A_51 = arith.addi %iota3A, %add3A_50 : vector<16xi32>
    %lt3A_52 = arith.cmpf olt, %get3A_48, %select_n3A_43 : vector<16xf32>
    %select_n3A_53 = arith.select %lt3A_52, %get3A_48, %select_n3A_43 : vector<16xi1>, vector<16xf32>
    %select_n3A_54 = arith.select %lt3A_52, %add3A_51, %select_n3A_44 : vector<16xi1>, vector<16xi32>
    %get3A_55 = arith.constant 0 : i32
    %get3A_56 = arith.index_cast %get3A_55 : i32 to index
    %get3A_57 = arith.constant 64 : index
    %get3A_58 = tpu.vector_load %arg8[%get3A_56, %get3A_57] {strides = array<i32>} : memref<16x1040xf32, #tpu.memory_space<vmem>>, vector<16xf32>,
    %add3A_59 = arith.constant 64 : i32
    %add3A_60 = vector.broadcast %add3A_59 : i32 to vector<16xi32>
    %add3A_61 = arith.addi %iota3A, %add3A_60 : vector<16xi32>
    %lt3A_62 = arith.cmpf olt, %get3A_58, %select_n3A_53 : vector<16xf32>
    %select_n3A_63 = arith.select %lt3A_62, %get3A_58, %select_n3A_53 : vector<16xi1>, vector<16xf32>
    %select_n3A_64 = arith.select %lt3A_62, %add3A_61, %select_n3A_54 : vector<16xi1>, vector<16xi32>
    %get3A_65 = arith.constant 0 : i32
    %get3A_66 = arith.index_cast %get3A_65 : i32 to index
    %get3A_67 = arith.constant 80 : index
    %get3A_68 = tpu.vector_load %arg8[%get3A_66, %get3A_67] {strides = array<i32>} : memref<16x1040xf32, #tpu.memory_space<vmem>>, vector<16xf32>,
    %add3A_69 = arith.constant 80 : i32
    %add3A_70 = vector.broadcast %add3A_69 : i32 to vector<16xi32>
    %add3A_71 = arith.addi %iota3A, %add3A_70 : vector<16xi32>
    %lt3A_72 = arith.cmpf olt, %get3A_68, %select_n3A_63 : vector<16xf32>
    %select_n3A_73 = arith.select %lt3A_72, %get3A_68, %select_n3A_63 : vector<16xi1>, vector<16xf32>
    %select_n3A_74 = arith.select %lt3A_72, %add3A_71, %select_n3A_64 : vector<16xi1>, vector<16xi32>
    %get3A_75 = arith.constant 0 : i32
    %get3A_76 = arith.index_cast %get3A_75 : i32 to index
    %get3A_77 = arith.constant 96 : index
    %get3A_78 = tpu.vector_load %arg8[%get3A_76, %get3A_77] {strides = array<i32>} : memref<16x1040xf32, #tpu.memory_space<vmem>>, vector<16xf32>,
    %add3A_79 = arith.constant 96 : i32
    %add3A_80 = vector.broadcast %add3A_79 : i32 to vector<16xi32>
    %add3A_81 = arith.addi %iota3A, %add3A_80 : vector<16xi32>
    %lt3A_82 = arith.cmpf olt, %get3A_78, %select_n3A_73 : vector<16xf32>
    %select_n3A_83 = arith.select %lt3A_82, %get3A_78, %select_n3A_73 : vector<16xi1>, vector<16xf32>
    %select_n3A_84 = arith.select %lt3A_82, %add3A_81, %select_n3A_74 : vector<16xi1>, vector<16xi32>
    %get3A_85 = arith.constant 0 : i32
    %get3A_86 = arith.index_cast %get3A_85 : i32 to index
    %get3A_87 = arith.constant 112 : index
    %get3A_88 = tpu.vector_load %arg8[%get3A_86, %get3A_87] {strides = array<i32>} : memref<16x1040xf32, #tpu.memory_space<vmem>>, vector<16xf32>,
    %add3A_89 = arith.constant 112 : i32
    %add3A_90 = vector.broadcast %add3A_89 : i32 to vector<16xi32>
    %add3A_91 = arith.addi %iota3A, %add3A_90 : vector<16xi32>
    %lt3A_92 = arith.cmpf olt, %get3A_88, %select_n3A_83 : vector<16xf32>
    %select_n3A_93 = arith.select %lt3A_92, %get3A_88, %select_n3A_83 : vector<16xi1>, vector<16xf32>
    %select_n3A_94 = arith.select %lt3A_92, %add3A_91, %select_n3A_84 : vector<16xi1>, vector<16xi32>
    %get3A_95 = arith.constant 0 : i32
    %get3A_96 = arith.index_cast %get3A_95 : i32 to index
    %get3A_97 = arith.constant 128 : index
    %get3A_98 = tpu.vector_load %arg8[%get3A_96, %get3A_97] {strides = array<i32>} : memref<16x1040xf32, #tpu.memory_space<vmem>>, vector<16xf32>,
    %add3A_99 = arith.constant 128 : i32
    %add3A_100 = vector.broadcast %add3A_99 : i32 to vector<16xi32>
    %add3A_101 = arith.addi %iota3A, %add3A_100 : vector<16xi32>
    %lt3A_102 = arith.cmpf olt, %get3A_98, %select_n3A_93 : vector<16xf32>
    %select_n3A_103 = arith.select %lt3A_102, %get3A_98, %select_n3A_93 : vector<16xi1>, vector<16xf32>
    %select_n3A_104 = arith.select %lt3A_102, %add3A_101, %select_n3A_94 : vector<16xi1>, vector<16xi32>
    %get3A_105 = arith.constant 0 : i32
    %get3A_106 = arith.index_cast %get3A_105 : i32 to index
    %get3A_107 = arith.constant 144 : index
    %get3A_108 = tpu.vector_load %arg8[%get3A_106, %get3A_107] {strides = array<i32>} : memref<16x1040xf32, #tpu.memory_space<vmem>>, vector<16xf32>,
    %add3A_109 = arith.constant 144 : i32
    %add3A_110 = vector.broadcast %add3A_109 : i32 to vector<16xi32>
    %add3A_111 = arith.addi %iota3A, %add3A_110 : vector<16xi32>
    %lt3A_112 = arith.cmpf olt, %get3A_108, %select_n3A_103 : vector<16xf32>
    %select_n3A_113 = arith.select %lt3A_112, %get3A_108, %select_n3A_103 : vector<16xi1>, vector<16xf32>
    %select_n3A_114 = arith.select %lt3A_112, %add3A_111, %select_n3A_104 : vector<16xi1>, vector<16xi32>
    %get3A_115 = arith.constant 0 : i32
    %get3A_116 = arith.index_cast %get3A_115 : i32 to index
    %get3A_117 = arith.constant 160 : index
    %get3A_118 = tpu.vector_load %arg8[%get3A_116, %get3A_117] {strides = array<i32>} : memref<16x1040xf32, #tpu.memory_space<vmem>>, vector<16xf32>,
    %add3A_119 = arith.constant 160 : i32
    %add3A_120 = vector.broadcast %add3A_119 : i32 to vector<16xi32>
    %add3A_121 = arith.addi %iota3A, %add3A_120 : vector<16xi32>
    %lt3A_122 = arith.cmpf olt, %get3A_118, %select_n3A_113 : vector<16xf32>
    %select_n3A_123 = arith.select %lt3A_122, %get3A_118, %select_n3A_113 : vector<16xi1>, vector<16xf32>
    %select_n3A_124 = arith.select %lt3A_122, %add3A_121, %select_n3A_114 : vector<16xi1>, vector<16xi32>
    %get3A_125 = arith.constant 0 : i32
    %get3A_126 = arith.index_cast %get3A_125 : i32 to index
    %get3A_127 = arith.constant 176 : index
    %get3A_128 = tpu.vector_load %arg8[%get3A_126, %get3A_127] {strides = array<i32>} : memref<16x1040xf32, #tpu.memory_space<vmem>>, vector<16xf32>,
    %add3A_129 = arith.constant 176 : i32
    %add3A_130 = vector.broadcast %add3A_129 : i32 to vector<16xi32>
    %add3A_131 = arith.addi %iota3A, %add3A_130 : vector<16xi32>
    %lt3A_132 = arith.cmpf olt, %get3A_128, %select_n3A_123 : vector<16xf32>
    %select_n3A_133 = arith.select %lt3A_132, %get3A_128, %select_n3A_123 : vector<16xi1>, vector<16xf32>
    %select_n3A_134 = arith.select %lt3A_132, %add3A_131, %select_n3A_124 : vector<16xi1>, vector<16xi32>
    %get3A_135 = arith.constant 0 : i32
    %get3A_136 = arith.index_cast %get3A_135 : i32 to index
    %get3A_137 = arith.constant 192 : index
    %get3A_138 = tpu.vector_load %arg8[%get3A_136, %get3A_137] {strides = array<i32>} : memref<16x1040xf32, #tpu.memory_space<vmem>>, vector<16xf32>,
    %add3A_139 = arith.constant 192 : i32
    %add3A_140 = vector.broadcast %add3A_139 : i32 to vector<16xi32>
    %add3A_141 = arith.addi %iota3A, %add3A_140 : vector<16xi32>
    %lt3A_142 = arith.cmpf olt, %get3A_138, %select_n3A_133 : vector<16xf32>
    %select_n3A_143 = arith.select %lt3A_142, %get3A_138, %select_n3A_133 : vector<16xi1>, vector<16xf32>
    %select_n3A_144 = arith.select %lt3A_142, %add3A_141, %select_n3A_134 : vector<16xi1>, vector<16xi32>
    %get3A_145 = arith.constant 0 : i32
    %get3A_146 = arith.index_cast %get3A_145 : i32 to index
    %get3A_147 = arith.constant 208 : index
    %get3A_148 = tpu.vector_load %arg8[%get3A_146, %get3A_147] {strides = array<i32>} : memref<16x1040xf32, #tpu.memory_space<vmem>>, vector<16xf32>,
    %add3A_149 = arith.constant 208 : i32
    %add3A_150 = vector.broadcast %add3A_149 : i32 to vector<16xi32>
    %add3A_151 = arith.addi %iota3A, %add3A_150 : vector<16xi32>
    %lt3A_152 = arith.cmpf olt, %get3A_148, %select_n3A_143 : vector<16xf32>
    %select_n3A_153 = arith.select %lt3A_152, %get3A_148, %select_n3A_143 : vector<16xi1>, vector<16xf32>
    %select_n3A_154 = arith.select %lt3A_152, %add3A_151, %select_n3A_144 : vector<16xi1>, vector<16xi32>
    %get3A_155 = arith.constant 0 : i32
    %get3A_156 = arith.index_cast %get3A_155 : i32 to index
    %get3A_157 = arith.constant 224 : index
    %get3A_158 = tpu.vector_load %arg8[%get3A_156, %get3A_157] {strides = array<i32>} : memref<16x1040xf32, #tpu.memory_space<vmem>>, vector<16xf32>,
    %add3A_159 = arith.constant 224 : i32
    %add3A_160 = vector.broadcast %add3A_159 : i32 to vector<16xi32>
    %add3A_161 = arith.addi %iota3A, %add3A_160 : vector<16xi32>
    %lt3A_162 = arith.cmpf olt, %get3A_158, %select_n3A_153 : vector<16xf32>
    %select_n3A_163 = arith.select %lt3A_162, %get3A_158, %select_n3A_153 : vector<16xi1>, vector<16xf32>
    %select_n3A_164 = arith.select %lt3A_162, %add3A_161, %select_n3A_154 : vector<16xi1>, vector<16xi32>
    %get3A_165 = arith.constant 0 : i32
    %get3A_166 = arith.index_cast %get3A_165 : i32 to index
    %get3A_167 = arith.constant 240 : index
    %get3A_168 = tpu.vector_load %arg8[%get3A_166, %get3A_167] {strides = array<i32>} : memref<16x1040xf32, #tpu.memory_space<vmem>>, vector<16xf32>,
    %add3A_169 = arith.constant 240 : i32
    %add3A_170 = vector.broadcast %add3A_169 : i32 to vector<16xi32>
    %add3A_171 = arith.addi %iota3A, %add3A_170 : vector<16xi32>
    %lt3A_172 = arith.cmpf olt, %get3A_168, %select_n3A_163 : vector<16xf32>
    %select_n3A_173 = arith.select %lt3A_172, %get3A_168, %select_n3A_163 : vector<16xi1>, vector<16xf32>
    %select_n3A_174 = arith.select %lt3A_172, %add3A_171, %select_n3A_164 : vector<16xi1>, vector<16xi32>
    %get3A_175 = arith.constant 0 : i32
    %get3A_176 = arith.index_cast %get3A_175 : i32 to index
    %get3A_177 = arith.constant 256 : index
    %get3A_178 = tpu.vector_load %arg8[%get3A_176, %get3A_177] {strides = array<i32>} : memref<16x1040xf32, #tpu.memory_space<vmem>>, vector<16xf32>,
    %add3A_179 = arith.constant 256 : i32
    %add3A_180 = vector.broadcast %add3A_179 : i32 to vector<16xi32>
    %add3A_181 = arith.addi %iota3A, %add3A_180 : vector<16xi32>
    %lt3A_182 = arith.cmpf olt, %get3A_178, %select_n3A_173 : vector<16xf32>
    %select_n3A_183 = arith.select %lt3A_182, %get3A_178, %select_n3A_173 : vector<16xi1>, vector<16xf32>
    %select_n3A_184 = arith.select %lt3A_182, %add3A_181, %select_n3A_174 : vector<16xi1>, vector<16xi32>
    %get3A_185 = arith.constant 0 : i32
    %get3A_186 = arith.index_cast %get3A_185 : i32 to index
    %get3A_187 = arith.constant 272 : index
    %get3A_188 = tpu.vector_load %arg8[%get3A_186, %get3A_187] {strides = array<i32>} : memref<16x1040xf32, #tpu.memory_space<vmem>>, vector<16xf32>,
    %add3A_189 = arith.constant 272 : i32
    %add3A_190 = vector.broadcast %add3A_189 : i32 to vector<16xi32>
    %add3A_191 = arith.addi %iota3A, %add3A_190 : vector<16xi32>
    %lt3A_192 = arith.cmpf olt, %get3A_188, %select_n3A_183 : vector<16xf32>
    %select_n3A_193 = arith.select %lt3A_192, %get3A_188, %select_n3A_183 : vector<16xi1>, vector<16xf32>
    %select_n3A_194 = arith.select %lt3A_192, %add3A_191, %select_n3A_184 : vector<16xi1>, vector<16xi32>
    %get3A_195 = arith.constant 0 : i32
    %get3A_196 = arith.index_cast %get3A_195 : i32 to index
    %get3A_197 = arith.constant 288 : index
    %get3A_198 = tpu.vector_load %arg8[%get3A_196, %get3A_197] {strides = array<i32>} : memref<16x1040xf32, #tpu.memory_space<vmem>>, vector<16xf32>,
    %add3A_199 = arith.constant 288 : i32
    %add3A_200 = vector.broadcast %add3A_199 : i32 to vector<16xi32>
    %add3A_201 = arith.addi %iota3A, %add3A_200 : vector<16xi32>
    %lt3A_202 = arith.cmpf olt, %get3A_198, %select_n3A_193 : vector<16xf32>
    %select_n3A_203 = arith.select %lt3A_202, %get3A_198, %select_n3A_193 : vector<16xi1>, vector<16xf32>
    %select_n3A_204 = arith.select %lt3A_202, %add3A_201, %select_n3A_194 : vector<16xi1>, vector<16xi32>
    %get3A_205 = arith.constant 0 : i32
    %get3A_206 = arith.index_cast %get3A_205 : i32 to index
    %get3A_207 = arith.constant 304 : index
    %get3A_208 = tpu.vector_load %arg8[%get3A_206, %get3A_207] {strides = array<i32>} : memref<16x1040xf32, #tpu.memory_space<vmem>>, vector<16xf32>,
    %add3A_209 = arith.constant 304 : i32
    %add3A_210 = vector.broadcast %add3A_209 : i32 to vector<16xi32>
    %add3A_211 = arith.addi %iota3A, %add3A_210 : vector<16xi32>
    %lt3A_212 = arith.cmpf olt, %get3A_208, %select_n3A_203 : vector<16xf32>
    %select_n3A_213 = arith.select %lt3A_212, %get3A_208, %select_n3A_203 : vector<16xi1>, vector<16xf32>
    %select_n3A_214 = arith.select %lt3A_212, %add3A_211, %select_n3A_204 : vector<16xi1>, vector<16xi32>
    %get3A_215 = arith.constant 0 : i32
    %get3A_216 = arith.index_cast %get3A_215 : i32 to index
    %get3A_217 = arith.constant 320 : index
    %get3A_218 = tpu.vector_load %arg8[%get3A_216, %get3A_217] {strides = array<i32>} : memref<16x1040xf32, #tpu.memory_space<vmem>>, vector<16xf32>,
    %add3A_219 = arith.constant 320 : i32
    %add3A_220 = vector.broadcast %add3A_219 : i32 to vector<16xi32>
    %add3A_221 = arith.addi %iota3A, %add3A_220 : vector<16xi32>
    %lt3A_222 = arith.cmpf olt, %get3A_218, %select_n3A_213 : vector<16xf32>
    %select_n3A_223 = arith.select %lt3A_222, %get3A_218, %select_n3A_213 : vector<16xi1>, vector<16xf32>
    %select_n3A_224 = arith.select %lt3A_222, %add3A_221, %select_n3A_214 : vector<16xi1>, vector<16xi32>
    %get3A_225 = arith.constant 0 : i32
    %get3A_226 = arith.index_cast %get3A_225 : i32 to index
    %get3A_227 = arith.constant 336 : index
    %get3A_228 = tpu.vector_load %arg8[%get3A_226, %get3A_227] {strides = array<i32>} : memref<16x1040xf32, #tpu.memory_space<vmem>>, vector<16xf32>,
    %add3A_229 = arith.constant 336 : i32
    %add3A_230 = vector.broadcast %add3A_229 : i32 to vector<16xi32>
    %add3A_231 = arith.addi %iota3A, %add3A_230 : vector<16xi32>
    %lt3A_232 = arith.cmpf olt, %get3A_228, %select_n3A_223 : vector<16xf32>
    %select_n3A_233 = arith.select %lt3A_232, %get3A_228, %select_n3A_223 : vector<16xi1>, vector<16xf32>
    %select_n3A_234 = arith.select %lt3A_232, %add3A_231, %select_n3A_224 : vector<16xi1>, vector<16xi32>
    %get3A_235 = arith.constant 0 : i32
    %get3A_236 = arith.index_cast %get3A_235 : i32 to index
    %get3A_237 = arith.constant 352 : index
    %get3A_238 = tpu.vector_load %arg8[%get3A_236, %get3A_237] {strides = array<i32>} : memref<16x1040xf32, #tpu.memory_space<vmem>>, vector<16xf32>,
    %add3A_239 = arith.constant 352 : i32
    %add3A_240 = vector.broadcast %add3A_239 : i32 to vector<16xi32>
    %add3A_241 = arith.addi %iota3A, %add3A_240 : vector<16xi32>
    %lt3A_242 = arith.cmpf olt, %get3A_238, %select_n3A_233 : vector<16xf32>
    %select_n3A_243 = arith.select %lt3A_242, %get3A_238, %select_n3A_233 : vector<16xi1>, vector<16xf32>
    %select_n3A_244 = arith.select %lt3A_242, %add3A_241, %select_n3A_234 : vector<16xi1>, vector<16xi32>
    %get3A_245 = arith.constant 0 : i32
    %get3A_246 = arith.index_cast %get3A_245 : i32 to index
    %get3A_247 = arith.constant 368 : index
    %get3A_248 = tpu.vector_load %arg8[%get3A_246, %get3A_247] {strides = array<i32>} : memref<16x1040xf32, #tpu.memory_space<vmem>>, vector<16xf32>,
    %add3A_249 = arith.constant 368 : i32
    %add3A_250 = vector.broadcast %add3A_249 : i32 to vector<16xi32>
    %add3A_251 = arith.addi %iota3A, %add3A_250 : vector<16xi32>
    %lt3A_252 = arith.cmpf olt, %get3A_248, %select_n3A_243 : vector<16xf32>
    %select_n3A_253 = arith.select %lt3A_252, %get3A_248, %select_n3A_243 : vector<16xi1>, vector<16xf32>
    %select_n3A_254 = arith.select %lt3A_252, %add3A_251, %select_n3A_244 : vector<16xi1>, vector<16xi32>
    %get3A_255 = arith.constant 0 : i32
    %get3A_256 = arith.index_cast %get3A_255 : i32 to index
    %get3A_257 = arith.constant 384 : index
    %get3A_258 = tpu.vector_load %arg8[%get3A_256, %get3A_257] {strides = array<i32>} : memref<16x1040xf32, #tpu.memory_space<vmem>>, vector<16xf32>,
    %add3A_259 = arith.constant 384 : i32
    %add3A_260 = vector.broadcast %add3A_259 : i32 to vector<16xi32>
    %add3A_261 = arith.addi %iota3A, %add3A_260 : vector<16xi32>
    %lt3A_262 = arith.cmpf olt, %get3A_258, %select_n3A_253 : vector<16xf32>
    %select_n3A_263 = arith.select %lt3A_262, %get3A_258, %select_n3A_253 : vector<16xi1>, vector<16xf32>
    %select_n3A_264 = arith.select %lt3A_262, %add3A_261, %select_n3A_254 : vector<16xi1>, vector<16xi32>
    %get3A_265 = arith.constant 0 : i32
    %get3A_266 = arith.index_cast %get3A_265 : i32 to index
    %get3A_267 = arith.constant 400 : index
    %get3A_268 = tpu.vector_load %arg8[%get3A_266, %get3A_267] {strides = array<i32>} : memref<16x1040xf32, #tpu.memory_space<vmem>>, vector<16xf32>,
    %add3A_269 = arith.constant 400 : i32
    %add3A_270 = vector.broadcast %add3A_269 : i32 to vector<16xi32>
    %add3A_271 = arith.addi %iota3A, %add3A_270 : vector<16xi32>
    %lt3A_272 = arith.cmpf olt, %get3A_268, %select_n3A_263 : vector<16xf32>
    %select_n3A_273 = arith.select %lt3A_272, %get3A_268, %select_n3A_263 : vector<16xi1>, vector<16xf32>
    %select_n3A_274 = arith.select %lt3A_272, %add3A_271, %select_n3A_264 : vector<16xi1>, vector<16xi32>
    %get3A_275 = arith.constant 0 : i32
    %get3A_276 = arith.index_cast %get3A_275 : i32 to index
    %get3A_277 = arith.constant 416 : index
    %get3A_278 = tpu.vector_load %arg8[%get3A_276, %get3A_277] {strides = array<i32>} : memref<16x1040xf32, #tpu.memory_space<vmem>>, vector<16xf32>,
    %add3A_279 = arith.constant 416 : i32
    %add3A_280 = vector.broadcast %add3A_279 : i32 to vector<16xi32>
    %add3A_281 = arith.addi %iota3A, %add3A_280 : vector<16xi32>
    %lt3A_282 = arith.cmpf olt, %get3A_278, %select_n3A_273 : vector<16xf32>
    %select_n3A_283 = arith.select %lt3A_282, %get3A_278, %select_n3A_273 : vector<16xi1>, vector<16xf32>
    %select_n3A_284 = arith.select %lt3A_282, %add3A_281, %select_n3A_274 : vector<16xi1>, vector<16xi32>
    %get3A_285 = arith.constant 0 : i32
    %get3A_286 = arith.index_cast %get3A_285 : i32 to index
    %get3A_287 = arith.constant 432 : index
    %get3A_288 = tpu.vector_load %arg8[%get3A_286, %get3A_287] {strides = array<i32>} : memref<16x1040xf32, #tpu.memory_space<vmem>>, vector<16xf32>,
    %add3A_289 = arith.constant 432 : i32
    %add3A_290 = vector.broadcast %add3A_289 : i32 to vector<16xi32>
    %add3A_291 = arith.addi %iota3A, %add3A_290 : vector<16xi32>
    %lt3A_292 = arith.cmpf olt, %get3A_288, %select_n3A_283 : vector<16xf32>
    %select_n3A_293 = arith.select %lt3A_292, %get3A_288, %select_n3A_283 : vector<16xi1>, vector<16xf32>
    %select_n3A_294 = arith.select %lt3A_292, %add3A_291, %select_n3A_284 : vector<16xi1>, vector<16xi32>
    %get3A_295 = arith.constant 0 : i32
    %get3A_296 = arith.index_cast %get3A_295 : i32 to index
    %get3A_297 = arith.constant 448 : index
    %get3A_298 = tpu.vector_load %arg8[%get3A_296, %get3A_297] {strides = array<i32>} : memref<16x1040xf32, #tpu.memory_space<vmem>>, vector<16xf32>,
    %add3A_299 = arith.constant 448 : i32
    %add3A_300 = vector.broadcast %add3A_299 : i32 to vector<16xi32>
    %add3A_301 = arith.addi %iota3A, %add3A_300 : vector<16xi32>
    %lt3A_302 = arith.cmpf olt, %get3A_298, %select_n3A_293 : vector<16xf32>
    %select_n3A_303 = arith.select %lt3A_302, %get3A_298, %select_n3A_293 : vector<16xi1>, vector<16xf32>
    %select_n3A_304 = arith.select %lt3A_302, %add3A_301, %select_n3A_294 : vector<16xi1>, vector<16xi32>
    %get3A_305 = arith.constant 0 : i32
    %get3A_306 = arith.index_cast %get3A_305 : i32 to index
    %get3A_307 = arith.constant 464 : index
    %get3A_308 = tpu.vector_load %arg8[%get3A_306, %get3A_307] {strides = array<i32>} : memref<16x1040xf32, #tpu.memory_space<vmem>>, vector<16xf32>,
    %add3A_309 = arith.constant 464 : i32
    %add3A_310 = vector.broadcast %add3A_309 : i32 to vector<16xi32>
    %add3A_311 = arith.addi %iota3A, %add3A_310 : vector<16xi32>
    %lt3A_312 = arith.cmpf olt, %get3A_308, %select_n3A_303 : vector<16xf32>
    %select_n3A_313 = arith.select %lt3A_312, %get3A_308, %select_n3A_303 : vector<16xi1>, vector<16xf32>
    %select_n3A_314 = arith.select %lt3A_312, %add3A_311, %select_n3A_304 : vector<16xi1>, vector<16xi32>
    %get3A_315 = arith.constant 0 : i32
    %get3A_316 = arith.index_cast %get3A_315 : i32 to index
    %get3A_317 = arith.constant 480 : index
    %get3A_318 = tpu.vector_load %arg8[%get3A_316, %get3A_317] {strides = array<i32>} : memref<16x1040xf32, #tpu.memory_space<vmem>>, vector<16xf32>,
    %add3A_319 = arith.constant 480 : i32
    %add3A_320 = vector.broadcast %add3A_319 : i32 to vector<16xi32>
    %add3A_321 = arith.addi %iota3A, %add3A_320 : vector<16xi32>
    %lt3A_322 = arith.cmpf olt, %get3A_318, %select_n3A_313 : vector<16xf32>
    %select_n3A_323 = arith.select %lt3A_322, %get3A_318, %select_n3A_313 : vector<16xi1>, vector<16xf32>
    %select_n3A_324 = arith.select %lt3A_322, %add3A_321, %select_n3A_314 : vector<16xi1>, vector<16xi32>
    %get3A_325 = arith.constant 0 : i32
    %get3A_326 = arith.index_cast %get3A_325 : i32 to index
    %get3A_327 = arith.constant 496 : index
    %get3A_328 = tpu.vector_load %arg8[%get3A_326, %get3A_327] {strides = array<i32>} : memref<16x1040xf32, #tpu.memory_space<vmem>>, vector<16xf32>,
    %add3A_329 = arith.constant 496 : i32
    %add3A_330 = vector.broadcast %add3A_329 : i32 to vector<16xi32>
    %add3A_331 = arith.addi %iota3A, %add3A_330 : vector<16xi32>
    %lt3A_332 = arith.cmpf olt, %get3A_328, %select_n3A_323 : vector<16xf32>
    %select_n3A_333 = arith.select %lt3A_332, %get3A_328, %select_n3A_323 : vector<16xi1>, vector<16xf32>
    %select_n3A_334 = arith.select %lt3A_332, %add3A_331, %select_n3A_324 : vector<16xi1>, vector<16xi32>
    %get3A_335 = arith.constant 0 : i32
    %get3A_336 = arith.index_cast %get3A_335 : i32 to index
    %get3A_337 = arith.constant 512 : index
    %get3A_338 = tpu.vector_load %arg8[%get3A_336, %get3A_337] {strides = array<i32>} : memref<16x1040xf32, #tpu.memory_space<vmem>>, vector<16xf32>,
    %add3A_339 = arith.constant 512 : i32
    %add3A_340 = vector.broadcast %add3A_339 : i32 to vector<16xi32>
    %add3A_341 = arith.addi %iota3A, %add3A_340 : vector<16xi32>
    %lt3A_342 = arith.cmpf olt, %get3A_338, %select_n3A_333 : vector<16xf32>
    %select_n3A_343 = arith.select %lt3A_342, %get3A_338, %select_n3A_333 : vector<16xi1>, vector<16xf32>
    %select_n3A_344 = arith.select %lt3A_342, %add3A_341, %select_n3A_334 : vector<16xi1>, vector<16xi32>
    %get3A_345 = arith.constant 0 : i32
    %get3A_346 = arith.index_cast %get3A_345 : i32 to index
    %get3A_347 = arith.constant 528 : index
    %get3A_348 = tpu.vector_load %arg8[%get3A_346, %get3A_347] {strides = array<i32>} : memref<16x1040xf32, #tpu.memory_space<vmem>>, vector<16xf32>,
    %add3A_349 = arith.constant 528 : i32
    %add3A_350 = vector.broadcast %add3A_349 : i32 to vector<16xi32>
    %add3A_351 = arith.addi %iota3A, %add3A_350 : vector<16xi32>
    %lt3A_352 = arith.cmpf olt, %get3A_348, %select_n3A_343 : vector<16xf32>
    %select_n3A_353 = arith.select %lt3A_352, %get3A_348, %select_n3A_343 : vector<16xi1>, vector<16xf32>
    %select_n3A_354 = arith.select %lt3A_352, %add3A_351, %select_n3A_344 : vector<16xi1>, vector<16xi32>
    %get3A_355 = arith.constant 0 : i32
    %get3A_356 = arith.index_cast %get3A_355 : i32 to index
    %get3A_357 = arith.constant 544 : index
    %get3A_358 = tpu.vector_load %arg8[%get3A_356, %get3A_357] {strides = array<i32>} : memref<16x1040xf32, #tpu.memory_space<vmem>>, vector<16xf32>,
    %add3A_359 = arith.constant 544 : i32
    %add3A_360 = vector.broadcast %add3A_359 : i32 to vector<16xi32>
    %add3A_361 = arith.addi %iota3A, %add3A_360 : vector<16xi32>
    %lt3A_362 = arith.cmpf olt, %get3A_358, %select_n3A_353 : vector<16xf32>
    %select_n3A_363 = arith.select %lt3A_362, %get3A_358, %select_n3A_353 : vector<16xi1>, vector<16xf32>
    %select_n3A_364 = arith.select %lt3A_362, %add3A_361, %select_n3A_354 : vector<16xi1>, vector<16xi32>
    %get3A_365 = arith.constant 0 : i32
    %get3A_366 = arith.index_cast %get3A_365 : i32 to index
    %get3A_367 = arith.constant 560 : index
    %get3A_368 = tpu.vector_load %arg8[%get3A_366, %get3A_367] {strides = array<i32>} : memref<16x1040xf32, #tpu.memory_space<vmem>>, vector<16xf32>,
    %add3A_369 = arith.constant 560 : i32
    %add3A_370 = vector.broadcast %add3A_369 : i32 to vector<16xi32>
    %add3A_371 = arith.addi %iota3A, %add3A_370 : vector<16xi32>
    %lt3A_372 = arith.cmpf olt, %get3A_368, %select_n3A_363 : vector<16xf32>
    %select_n3A_373 = arith.select %lt3A_372, %get3A_368, %select_n3A_363 : vector<16xi1>, vector<16xf32>
    %select_n3A_374 = arith.select %lt3A_372, %add3A_371, %select_n3A_364 : vector<16xi1>, vector<16xi32>
    %get3A_375 = arith.constant 0 : i32
    %get3A_376 = arith.index_cast %get3A_375 : i32 to index
    %get3A_377 = arith.constant 576 : index
    %get3A_378 = tpu.vector_load %arg8[%get3A_376, %get3A_377] {strides = array<i32>} : memref<16x1040xf32, #tpu.memory_space<vmem>>, vector<16xf32>,
    %add3A_379 = arith.constant 576 : i32
    %add3A_380 = vector.broadcast %add3A_379 : i32 to vector<16xi32>
    %add3A_381 = arith.addi %iota3A, %add3A_380 : vector<16xi32>
    %lt3A_382 = arith.cmpf olt, %get3A_378, %select_n3A_373 : vector<16xf32>
    %select_n3A_383 = arith.select %lt3A_382, %get3A_378, %select_n3A_373 : vector<16xi1>, vector<16xf32>
    %select_n3A_384 = arith.select %lt3A_382, %add3A_381, %select_n3A_374 : vector<16xi1>, vector<16xi32>
    %get3A_385 = arith.constant 0 : i32
    %get3A_386 = arith.index_cast %get3A_385 : i32 to index
    %get3A_387 = arith.constant 592 : index
    %get3A_388 = tpu.vector_load %arg8[%get3A_386, %get3A_387] {strides = array<i32>} : memref<16x1040xf32, #tpu.memory_space<vmem>>, vector<16xf32>,
    %add3A_389 = arith.constant 592 : i32
    %add3A_390 = vector.broadcast %add3A_389 : i32 to vector<16xi32>
    %add3A_391 = arith.addi %iota3A, %add3A_390 : vector<16xi32>
    %lt3A_392 = arith.cmpf olt, %get3A_388, %select_n3A_383 : vector<16xf32>
    %select_n3A_393 = arith.select %lt3A_392, %get3A_388, %select_n3A_383 : vector<16xi1>, vector<16xf32>
    %select_n3A_394 = arith.select %lt3A_392, %add3A_391, %select_n3A_384 : vector<16xi1>, vector<16xi32>
    %get3A_395 = arith.constant 0 : i32
    %get3A_396 = arith.index_cast %get3A_395 : i32 to index
    %get3A_397 = arith.constant 608 : index
    %get3A_398 = tpu.vector_load %arg8[%get3A_396, %get3A_397] {strides = array<i32>} : memref<16x1040xf32, #tpu.memory_space<vmem>>, vector<16xf32>,
    %add3A_399 = arith.constant 608 : i32
    %add3A_400 = vector.broadcast %add3A_399 : i32 to vector<16xi32>
    %add3A_401 = arith.addi %iota3A, %add3A_400 : vector<16xi32>
    %lt3A_402 = arith.cmpf olt, %get3A_398, %select_n3A_393 : vector<16xf32>
    %select_n3A_403 = arith.select %lt3A_402, %get3A_398, %select_n3A_393 : vector<16xi1>, vector<16xf32>
    %select_n3A_404 = arith.select %lt3A_402, %add3A_401, %select_n3A_394 : vector<16xi1>, vector<16xi32>
    %get3A_405 = arith.constant 0 : i32
    %get3A_406 = arith.index_cast %get3A_405 : i32 to index
    %get3A_407 = arith.constant 624 : index
    %get3A_408 = tpu.vector_load %arg8[%get3A_406, %get3A_407] {strides = array<i32>} : memref<16x1040xf32, #tpu.memory_space<vmem>>, vector<16xf32>,
    %add3A_409 = arith.constant 624 : i32
    %add3A_410 = vector.broadcast %add3A_409 : i32 to vector<16xi32>
    %add3A_411 = arith.addi %iota3A, %add3A_410 : vector<16xi32>
    %lt3A_412 = arith.cmpf olt, %get3A_408, %select_n3A_403 : vector<16xf32>
    %select_n3A_413 = arith.select %lt3A_412, %get3A_408, %select_n3A_403 : vector<16xi1>, vector<16xf32>
    %select_n3A_414 = arith.select %lt3A_412, %add3A_411, %select_n3A_404 : vector<16xi1>, vector<16xi32>
    %get3A_415 = arith.constant 0 : i32
    %get3A_416 = arith.index_cast %get3A_415 : i32 to index
    %get3A_417 = arith.constant 640 : index
    %get3A_418 = tpu.vector_load %arg8[%get3A_416, %get3A_417] {strides = array<i32>} : memref<16x1040xf32, #tpu.memory_space<vmem>>, vector<16xf32>,
    %add3A_419 = arith.constant 640 : i32
    %add3A_420 = vector.broadcast %add3A_419 : i32 to vector<16xi32>
    %add3A_421 = arith.addi %iota3A, %add3A_420 : vector<16xi32>
    %lt3A_422 = arith.cmpf olt, %get3A_418, %select_n3A_413 : vector<16xf32>
    %select_n3A_423 = arith.select %lt3A_422, %get3A_418, %select_n3A_413 : vector<16xi1>, vector<16xf32>
    %select_n3A_424 = arith.select %lt3A_422, %add3A_421, %select_n3A_414 : vector<16xi1>, vector<16xi32>
    %get3A_425 = arith.constant 0 : i32
    %get3A_426 = arith.index_cast %get3A_425 : i32 to index
    %get3A_427 = arith.constant 656 : index
    %get3A_428 = tpu.vector_load %arg8[%get3A_426, %get3A_427] {strides = array<i32>} : memref<16x1040xf32, #tpu.memory_space<vmem>>, vector<16xf32>,
    %add3A_429 = arith.constant 656 : i32
    %add3A_430 = vector.broadcast %add3A_429 : i32 to vector<16xi32>
    %add3A_431 = arith.addi %iota3A, %add3A_430 : vector<16xi32>
    %lt3A_432 = arith.cmpf olt, %get3A_428, %select_n3A_423 : vector<16xf32>
    %select_n3A_433 = arith.select %lt3A_432, %get3A_428, %select_n3A_423 : vector<16xi1>, vector<16xf32>
    %select_n3A_434 = arith.select %lt3A_432, %add3A_431, %select_n3A_424 : vector<16xi1>, vector<16xi32>
    %get3A_435 = arith.constant 0 : i32
    %get3A_436 = arith.index_cast %get3A_435 : i32 to index
    %get3A_437 = arith.constant 672 : index
    %get3A_438 = tpu.vector_load %arg8[%get3A_436, %get3A_437] {strides = array<i32>} : memref<16x1040xf32, #tpu.memory_space<vmem>>, vector<16xf32>,
    %add3A_439 = arith.constant 672 : i32
    %add3A_440 = vector.broadcast %add3A_439 : i32 to vector<16xi32>
    %add3A_441 = arith.addi %iota3A, %add3A_440 : vector<16xi32>
    %lt3A_442 = arith.cmpf olt, %get3A_438, %select_n3A_433 : vector<16xf32>
    %select_n3A_443 = arith.select %lt3A_442, %get3A_438, %select_n3A_433 : vector<16xi1>, vector<16xf32>
    %select_n3A_444 = arith.select %lt3A_442, %add3A_441, %select_n3A_434 : vector<16xi1>, vector<16xi32>
    %get3A_445 = arith.constant 0 : i32
    %get3A_446 = arith.index_cast %get3A_445 : i32 to index
    %get3A_447 = arith.constant 688 : index
    %get3A_448 = tpu.vector_load %arg8[%get3A_446, %get3A_447] {strides = array<i32>} : memref<16x1040xf32, #tpu.memory_space<vmem>>, vector<16xf32>,
    %add3A_449 = arith.constant 688 : i32
    %add3A_450 = vector.broadcast %add3A_449 : i32 to vector<16xi32>
    %add3A_451 = arith.addi %iota3A, %add3A_450 : vector<16xi32>
    %lt3A_452 = arith.cmpf olt, %get3A_448, %select_n3A_443 : vector<16xf32>
    %select_n3A_453 = arith.select %lt3A_452, %get3A_448, %select_n3A_443 : vector<16xi1>, vector<16xf32>
    %select_n3A_454 = arith.select %lt3A_452, %add3A_451, %select_n3A_444 : vector<16xi1>, vector<16xi32>
    %get3A_455 = arith.constant 0 : i32
    %get3A_456 = arith.index_cast %get3A_455 : i32 to index
    %get3A_457 = arith.constant 704 : index
    %get3A_458 = tpu.vector_load %arg8[%get3A_456, %get3A_457] {strides = array<i32>} : memref<16x1040xf32, #tpu.memory_space<vmem>>, vector<16xf32>,
    %add3A_459 = arith.constant 704 : i32
    %add3A_460 = vector.broadcast %add3A_459 : i32 to vector<16xi32>
    %add3A_461 = arith.addi %iota3A, %add3A_460 : vector<16xi32>
    %lt3A_462 = arith.cmpf olt, %get3A_458, %select_n3A_453 : vector<16xf32>
    %select_n3A_463 = arith.select %lt3A_462, %get3A_458, %select_n3A_453 : vector<16xi1>, vector<16xf32>
    %select_n3A_464 = arith.select %lt3A_462, %add3A_461, %select_n3A_454 : vector<16xi1>, vector<16xi32>
    %get3A_465 = arith.constant 0 : i32
    %get3A_466 = arith.index_cast %get3A_465 : i32 to index
    %get3A_467 = arith.constant 720 : index
    %get3A_468 = tpu.vector_load %arg8[%get3A_466, %get3A_467] {strides = array<i32>} : memref<16x1040xf32, #tpu.memory_space<vmem>>, vector<16xf32>,
    %add3A_469 = arith.constant 720 : i32
    %add3A_470 = vector.broadcast %add3A_469 : i32 to vector<16xi32>
    %add3A_471 = arith.addi %iota3A, %add3A_470 : vector<16xi32>
    %lt3A_472 = arith.cmpf olt, %get3A_468, %select_n3A_463 : vector<16xf32>
    %select_n3A_473 = arith.select %lt3A_472, %get3A_468, %select_n3A_463 : vector<16xi1>, vector<16xf32>
    %select_n3A_474 = arith.select %lt3A_472, %add3A_471, %select_n3A_464 : vector<16xi1>, vector<16xi32>
    %get3A_475 = arith.constant 0 : i32
    %get3A_476 = arith.index_cast %get3A_475 : i32 to index
    %get3A_477 = arith.constant 736 : index
    %get3A_478 = tpu.vector_load %arg8[%get3A_476, %get3A_477] {strides = array<i32>} : memref<16x1040xf32, #tpu.memory_space<vmem>>, vector<16xf32>,
    %add3A_479 = arith.constant 736 : i32
    %add3A_480 = vector.broadcast %add3A_479 : i32 to vector<16xi32>
    %add3A_481 = arith.addi %iota3A, %add3A_480 : vector<16xi32>
    %lt3A_482 = arith.cmpf olt, %get3A_478, %select_n3A_473 : vector<16xf32>
    %select_n3A_483 = arith.select %lt3A_482, %get3A_478, %select_n3A_473 : vector<16xi1>, vector<16xf32>
    %select_n3A_484 = arith.select %lt3A_482, %add3A_481, %select_n3A_474 : vector<16xi1>, vector<16xi32>
    %get3A_485 = arith.constant 0 : i32
    %get3A_486 = arith.index_cast %get3A_485 : i32 to index
    %get3A_487 = arith.constant 752 : index
    %get3A_488 = tpu.vector_load %arg8[%get3A_486, %get3A_487] {strides = array<i32>} : memref<16x1040xf32, #tpu.memory_space<vmem>>, vector<16xf32>,
    %add3A_489 = arith.constant 752 : i32
    %add3A_490 = vector.broadcast %add3A_489 : i32 to vector<16xi32>
    %add3A_491 = arith.addi %iota3A, %add3A_490 : vector<16xi32>
    %lt3A_492 = arith.cmpf olt, %get3A_488, %select_n3A_483 : vector<16xf32>
    %select_n3A_493 = arith.select %lt3A_492, %get3A_488, %select_n3A_483 : vector<16xi1>, vector<16xf32>
    %select_n3A_494 = arith.select %lt3A_492, %add3A_491, %select_n3A_484 : vector<16xi1>, vector<16xi32>
    %get3A_495 = arith.constant 0 : i32
    %get3A_496 = arith.index_cast %get3A_495 : i32 to index
    %get3A_497 = arith.constant 768 : index
    %get3A_498 = tpu.vector_load %arg8[%get3A_496, %get3A_497] {strides = array<i32>} : memref<16x1040xf32, #tpu.memory_space<vmem>>, vector<16xf32>,
    %add3A_499 = arith.constant 768 : i32
    %add3A_500 = vector.broadcast %add3A_499 : i32 to vector<16xi32>
    %add3A_501 = arith.addi %iota3A, %add3A_500 : vector<16xi32>
    %lt3A_502 = arith.cmpf olt, %get3A_498, %select_n3A_493 : vector<16xf32>
    %select_n3A_503 = arith.select %lt3A_502, %get3A_498, %select_n3A_493 : vector<16xi1>, vector<16xf32>
    %select_n3A_504 = arith.select %lt3A_502, %add3A_501, %select_n3A_494 : vector<16xi1>, vector<16xi32>
    %get3A_505 = arith.constant 0 : i32
    %get3A_506 = arith.index_cast %get3A_505 : i32 to index
    %get3A_507 = arith.constant 784 : index
    %get3A_508 = tpu.vector_load %arg8[%get3A_506, %get3A_507] {strides = array<i32>} : memref<16x1040xf32, #tpu.memory_space<vmem>>, vector<16xf32>,
    %add3A_509 = arith.constant 784 : i32
    %add3A_510 = vector.broadcast %add3A_509 : i32 to vector<16xi32>
    %add3A_511 = arith.addi %iota3A, %add3A_510 : vector<16xi32>
    %lt3A_512 = arith.cmpf olt, %get3A_508, %select_n3A_503 : vector<16xf32>
    %select_n3A_513 = arith.select %lt3A_512, %get3A_508, %select_n3A_503 : vector<16xi1>, vector<16xf32>
    %select_n3A_514 = arith.select %lt3A_512, %add3A_511, %select_n3A_504 : vector<16xi1>, vector<16xi32>
    %get3A_515 = arith.constant 0 : i32
    %get3A_516 = arith.index_cast %get3A_515 : i32 to index
    %get3A_517 = arith.constant 800 : index
    %get3A_518 = tpu.vector_load %arg8[%get3A_516, %get3A_517] {strides = array<i32>} : memref<16x1040xf32, #tpu.memory_space<vmem>>, vector<16xf32>,
    %add3A_519 = arith.constant 800 : i32
    %add3A_520 = vector.broadcast %add3A_519 : i32 to vector<16xi32>
    %add3A_521 = arith.addi %iota3A, %add3A_520 : vector<16xi32>
    %lt3A_522 = arith.cmpf olt, %get3A_518, %select_n3A_513 : vector<16xf32>
    %select_n3A_523 = arith.select %lt3A_522, %get3A_518, %select_n3A_513 : vector<16xi1>, vector<16xf32>
    %select_n3A_524 = arith.select %lt3A_522, %add3A_521, %select_n3A_514 : vector<16xi1>, vector<16xi32>
    %get3A_525 = arith.constant 0 : i32
    %get3A_526 = arith.index_cast %get3A_525 : i32 to index
    %get3A_527 = arith.constant 816 : index
    %get3A_528 = tpu.vector_load %arg8[%get3A_526, %get3A_527] {strides = array<i32>} : memref<16x1040xf32, #tpu.memory_space<vmem>>, vector<16xf32>,
    %add3A_529 = arith.constant 816 : i32
    %add3A_530 = vector.broadcast %add3A_529 : i32 to vector<16xi32>
    %add3A_531 = arith.addi %iota3A, %add3A_530 : vector<16xi32>
    %lt3A_532 = arith.cmpf olt, %get3A_528, %select_n3A_523 : vector<16xf32>
    %select_n3A_533 = arith.select %lt3A_532, %get3A_528, %select_n3A_523 : vector<16xi1>, vector<16xf32>
    %select_n3A_534 = arith.select %lt3A_532, %add3A_531, %select_n3A_524 : vector<16xi1>, vector<16xi32>
    %get3A_535 = arith.constant 0 : i32
    %get3A_536 = arith.index_cast %get3A_535 : i32 to index
    %get3A_537 = arith.constant 832 : index
    %get3A_538 = tpu.vector_load %arg8[%get3A_536, %get3A_537] {strides = array<i32>} : memref<16x1040xf32, #tpu.memory_space<vmem>>, vector<16xf32>,
    %add3A_539 = arith.constant 832 : i32
    %add3A_540 = vector.broadcast %add3A_539 : i32 to vector<16xi32>
    %add3A_541 = arith.addi %iota3A, %add3A_540 : vector<16xi32>
    %lt3A_542 = arith.cmpf olt, %get3A_538, %select_n3A_533 : vector<16xf32>
    %select_n3A_543 = arith.select %lt3A_542, %get3A_538, %select_n3A_533 : vector<16xi1>, vector<16xf32>
    %select_n3A_544 = arith.select %lt3A_542, %add3A_541, %select_n3A_534 : vector<16xi1>, vector<16xi32>
    %get3A_545 = arith.constant 0 : i32
    %get3A_546 = arith.index_cast %get3A_545 : i32 to index
    %get3A_547 = arith.constant 848 : index
    %get3A_548 = tpu.vector_load %arg8[%get3A_546, %get3A_547] {strides = array<i32>} : memref<16x1040xf32, #tpu.memory_space<vmem>>, vector<16xf32>,
    %add3A_549 = arith.constant 848 : i32
    %add3A_550 = vector.broadcast %add3A_549 : i32 to vector<16xi32>
    %add3A_551 = arith.addi %iota3A, %add3A_550 : vector<16xi32>
    %lt3A_552 = arith.cmpf olt, %get3A_548, %select_n3A_543 : vector<16xf32>
    %select_n3A_553 = arith.select %lt3A_552, %get3A_548, %select_n3A_543 : vector<16xi1>, vector<16xf32>
    %select_n3A_554 = arith.select %lt3A_552, %add3A_551, %select_n3A_544 : vector<16xi1>, vector<16xi32>
    %get3A_555 = arith.constant 0 : i32
    %get3A_556 = arith.index_cast %get3A_555 : i32 to index
    %get3A_557 = arith.constant 864 : index
    %get3A_558 = tpu.vector_load %arg8[%get3A_556, %get3A_557] {strides = array<i32>} : memref<16x1040xf32, #tpu.memory_space<vmem>>, vector<16xf32>,
    %add3A_559 = arith.constant 864 : i32
    %add3A_560 = vector.broadcast %add3A_559 : i32 to vector<16xi32>
    %add3A_561 = arith.addi %iota3A, %add3A_560 : vector<16xi32>
    %lt3A_562 = arith.cmpf olt, %get3A_558, %select_n3A_553 : vector<16xf32>
    %select_n3A_563 = arith.select %lt3A_562, %get3A_558, %select_n3A_553 : vector<16xi1>, vector<16xf32>
    %select_n3A_564 = arith.select %lt3A_562, %add3A_561, %select_n3A_554 : vector<16xi1>, vector<16xi32>
    %get3A_565 = arith.constant 0 : i32
    %get3A_566 = arith.index_cast %get3A_565 : i32 to index
    %get3A_567 = arith.constant 880 : index
    %get3A_568 = tpu.vector_load %arg8[%get3A_566, %get3A_567] {strides = array<i32>} : memref<16x1040xf32, #tpu.memory_space<vmem>>, vector<16xf32>,
    %add3A_569 = arith.constant 880 : i32
    %add3A_570 = vector.broadcast %add3A_569 : i32 to vector<16xi32>
    %add3A_571 = arith.addi %iota3A, %add3A_570 : vector<16xi32>
    %lt3A_572 = arith.cmpf olt, %get3A_568, %select_n3A_563 : vector<16xf32>
    %select_n3A_573 = arith.select %lt3A_572, %get3A_568, %select_n3A_563 : vector<16xi1>, vector<16xf32>
    %select_n3A_574 = arith.select %lt3A_572, %add3A_571, %select_n3A_564 : vector<16xi1>, vector<16xi32>
    %get3A_575 = arith.constant 0 : i32
    %get3A_576 = arith.index_cast %get3A_575 : i32 to index
    %get3A_577 = arith.constant 896 : index
    %get3A_578 = tpu.vector_load %arg8[%get3A_576, %get3A_577] {strides = array<i32>} : memref<16x1040xf32, #tpu.memory_space<vmem>>, vector<16xf32>,
    %add3A_579 = arith.constant 896 : i32
    %add3A_580 = vector.broadcast %add3A_579 : i32 to vector<16xi32>
    %add3A_581 = arith.addi %iota3A, %add3A_580 : vector<16xi32>
    %lt3A_582 = arith.cmpf olt, %get3A_578, %select_n3A_573 : vector<16xf32>
    %select_n3A_583 = arith.select %lt3A_582, %get3A_578, %select_n3A_573 : vector<16xi1>, vector<16xf32>
    %select_n3A_584 = arith.select %lt3A_582, %add3A_581, %select_n3A_574 : vector<16xi1>, vector<16xi32>
    %get3A_585 = arith.constant 0 : i32
    %get3A_586 = arith.index_cast %get3A_585 : i32 to index
    %get3A_587 = arith.constant 912 : index
    %get3A_588 = tpu.vector_load %arg8[%get3A_586, %get3A_587] {strides = array<i32>} : memref<16x1040xf32, #tpu.memory_space<vmem>>, vector<16xf32>,
    %add3A_589 = arith.constant 912 : i32
    %add3A_590 = vector.broadcast %add3A_589 : i32 to vector<16xi32>
    %add3A_591 = arith.addi %iota3A, %add3A_590 : vector<16xi32>
    %lt3A_592 = arith.cmpf olt, %get3A_588, %select_n3A_583 : vector<16xf32>
    %select_n3A_593 = arith.select %lt3A_592, %get3A_588, %select_n3A_583 : vector<16xi1>, vector<16xf32>
    %select_n3A_594 = arith.select %lt3A_592, %add3A_591, %select_n3A_584 : vector<16xi1>, vector<16xi32>
    %get3A_595 = arith.constant 0 : i32
    %get3A_596 = arith.index_cast %get3A_595 : i32 to index
    %get3A_597 = arith.constant 928 : index
    %get3A_598 = tpu.vector_load %arg8[%get3A_596, %get3A_597] {strides = array<i32>} : memref<16x1040xf32, #tpu.memory_space<vmem>>, vector<16xf32>,
    %add3A_599 = arith.constant 928 : i32
    %add3A_600 = vector.broadcast %add3A_599 : i32 to vector<16xi32>
    %add3A_601 = arith.addi %iota3A, %add3A_600 : vector<16xi32>
    %lt3A_602 = arith.cmpf olt, %get3A_598, %select_n3A_593 : vector<16xf32>
    %select_n3A_603 = arith.select %lt3A_602, %get3A_598, %select_n3A_593 : vector<16xi1>, vector<16xf32>
    %select_n3A_604 = arith.select %lt3A_602, %add3A_601, %select_n3A_594 : vector<16xi1>, vector<16xi32>
    %get3A_605 = arith.constant 0 : i32
    %get3A_606 = arith.index_cast %get3A_605 : i32 to index
    %get3A_607 = arith.constant 944 : index
    %get3A_608 = tpu.vector_load %arg8[%get3A_606, %get3A_607] {strides = array<i32>} : memref<16x1040xf32, #tpu.memory_space<vmem>>, vector<16xf32>,
    %add3A_609 = arith.constant 944 : i32
    %add3A_610 = vector.broadcast %add3A_609 : i32 to vector<16xi32>
    %add3A_611 = arith.addi %iota3A, %add3A_610 : vector<16xi32>
    %lt3A_612 = arith.cmpf olt, %get3A_608, %select_n3A_603 : vector<16xf32>
    %select_n3A_613 = arith.select %lt3A_612, %get3A_608, %select_n3A_603 : vector<16xi1>, vector<16xf32>
    %select_n3A_614 = arith.select %lt3A_612, %add3A_611, %select_n3A_604 : vector<16xi1>, vector<16xi32>
    %get3A_615 = arith.constant 0 : i32
    %get3A_616 = arith.index_cast %get3A_615 : i32 to index
    %get3A_617 = arith.constant 960 : index
    %get3A_618 = tpu.vector_load %arg8[%get3A_616, %get3A_617] {strides = array<i32>} : memref<16x1040xf32, #tpu.memory_space<vmem>>, vector<16xf32>,
    %add3A_619 = arith.constant 960 : i32
    %add3A_620 = vector.broadcast %add3A_619 : i32 to vector<16xi32>
    %add3A_621 = arith.addi %iota3A, %add3A_620 : vector<16xi32>
    %lt3A_622 = arith.cmpf olt, %get3A_618, %select_n3A_613 : vector<16xf32>
    %select_n3A_623 = arith.select %lt3A_622, %get3A_618, %select_n3A_613 : vector<16xi1>, vector<16xf32>
    %select_n3A_624 = arith.select %lt3A_622, %add3A_621, %select_n3A_614 : vector<16xi1>, vector<16xi32>
    %get3A_625 = arith.constant 0 : i32
    %get3A_626 = arith.index_cast %get3A_625 : i32 to index
    %get3A_627 = arith.constant 976 : index
    %get3A_628 = tpu.vector_load %arg8[%get3A_626, %get3A_627] {strides = array<i32>} : memref<16x1040xf32, #tpu.memory_space<vmem>>, vector<16xf32>,
    %add3A_629 = arith.constant 976 : i32
    %add3A_630 = vector.broadcast %add3A_629 : i32 to vector<16xi32>
    %add3A_631 = arith.addi %iota3A, %add3A_630 : vector<16xi32>
    %lt3A_632 = arith.cmpf olt, %get3A_628, %select_n3A_623 : vector<16xf32>
    %select_n3A_633 = arith.select %lt3A_632, %get3A_628, %select_n3A_623 : vector<16xi1>, vector<16xf32>
    %select_n3A_634 = arith.select %lt3A_632, %add3A_631, %select_n3A_624 : vector<16xi1>, vector<16xi32>
    %get3A_635 = arith.constant 0 : i32
    %get3A_636 = arith.index_cast %get3A_635 : i32 to index
    %get3A_637 = arith.constant 992 : index
    %get3A_638 = tpu.vector_load %arg8[%get3A_636, %get3A_637] {strides = array<i32>} : memref<16x1040xf32, #tpu.memory_space<vmem>>, vector<16xf32>,
    %add3A_639 = arith.constant 992 : i32
    %add3A_640 = vector.broadcast %add3A_639 : i32 to vector<16xi32>
    %add3A_641 = arith.addi %iota3A, %add3A_640 : vector<16xi32>
    %lt3A_642 = arith.cmpf olt, %get3A_638, %select_n3A_633 : vector<16xf32>
    %select_n3A_643 = arith.select %lt3A_642, %get3A_638, %select_n3A_633 : vector<16xi1>, vector<16xf32>
    %select_n3A_644 = arith.select %lt3A_642, %add3A_641, %select_n3A_634 : vector<16xi1>, vector<16xi32>
    %get3A_645 = arith.constant 0 : i32
    %get3A_646 = arith.index_cast %get3A_645 : i32 to index
    %get3A_647 = arith.constant 1008 : index
    %get3A_648 = tpu.vector_load %arg8[%get3A_646, %get3A_647] {strides = array<i32>} : memref<16x1040xf32, #tpu.memory_space<vmem>>, vector<16xf32>,
    %add3A_649 = arith.constant 1008 : i32
    %add3A_650 = vector.broadcast %add3A_649 : i32 to vector<16xi32>
    %add3A_651 = arith.addi %iota3A, %add3A_650 : vector<16xi32>
    %lt3A_652 = arith.cmpf olt, %get3A_648, %select_n3A_643 : vector<16xf32>
    %select_n3A_653 = arith.select %lt3A_652, %get3A_648, %select_n3A_643 : vector<16xi1>, vector<16xf32>
    %select_n3A_654 = arith.select %lt3A_652, %add3A_651, %select_n3A_644 : vector<16xi1>, vector<16xi32>
    %get3A_655 = arith.constant 0 : i32
    %get3A_656 = arith.index_cast %get3A_655 : i32 to index
    %get3A_657 = arith.constant 1024 : index
    %get3A_658 = tpu.vector_load %arg8[%get3A_656, %get3A_657] {strides = array<i32>} : memref<16x1040xf32, #tpu.memory_space<vmem>>, vector<16xf32>,
    %add3A_659 = arith.constant 1024 : i32
    %add3A_660 = vector.broadcast %add3A_659 : i32 to vector<16xi32>
    %add3A_661 = arith.addi %iota3A, %add3A_660 : vector<16xi32>
    %lt3A_662 = arith.cmpf olt, %get3A_658, %select_n3A_653 : vector<16xf32>
    %select_n3A_663 = arith.select %lt3A_662, %get3A_658, %select_n3A_653 : vector<16xi1>, vector<16xf32>
    %select_n3A_664 = arith.select %lt3A_662, %add3A_661, %select_n3A_654 : vector<16xi1>, vector<16xi32>
    %swap3A = arith.constant 0 : index
    %swap3A_665 = tpu.vector_load %arg13[%swap3A] {strides = array<i32>} : memref<16xf32, #tpu.memory_space<vmem>>, vector<16xf32>,
    tpu.vector_store %arg13[%swap3A], %select_n3A_663 {strides = array<i32>} : memref<16xf32, #tpu.memory_space<vmem>>, vector<16xf32>,
    %swap3A_666 = arith.constant 0 : index
    %swap3A_667 = tpu.vector_load %arg14[%swap3A_666] {strides = array<i32>} : memref<16xi32, #tpu.memory_space<vmem>>, vector<16xi32>,
    tpu.vector_store %arg14[%swap3A_666], %select_n3A_664 {strides = array<i32>} : memref<16xi32, #tpu.memory_space<vmem>>, vector<16xi32>,
    %xor3A = arith.constant 1 : i32
    %xor3A_668 = vector.broadcast %xor3A : i32 to vector<16xi32>
    %xor3A_669 = arith.xori %iota3A, %xor3A_668 : vector<16xi32>
    %gather3A = tpu.vector_load_idx %arg13[%xor3A_669] : memref<16xf32, #tpu.memory_space<vmem>>[vector<16xi32>], vector<16xf32>,
    %gather3A_670 = tpu.vector_load_idx %arg14[%xor3A_669] : memref<16xi32, #tpu.memory_space<vmem>>[vector<16xi32>], vector<16xi32>,
    %lt3A_671 = arith.cmpf olt, %gather3A, %select_n3A_663 : vector<16xf32>
    %eq3A = arith.cmpf oeq, %gather3A, %select_n3A_663 : vector<16xf32>
    %lt3A_672 = arith.cmpi slt, %gather3A_670, %select_n3A_664 : vector<16xi32>
    %and3A = arith.andi %eq3A, %lt3A_672 : vector<16xi1>
    %or3A = arith.ori %lt3A_671, %and3A : vector<16xi1>
    %select_n3A_673 = arith.select %or3A, %gather3A, %select_n3A_663 : vector<16xi1>, vector<16xf32>
    %select_n3A_674 = arith.select %or3A, %gather3A_670, %select_n3A_664 : vector<16xi1>, vector<16xi32>
    %swap3A_675 = arith.constant 0 : index
    %swap3A_676 = tpu.vector_load %arg13[%swap3A_675] {strides = array<i32>} : memref<16xf32, #tpu.memory_space<vmem>>, vector<16xf32>,
    tpu.vector_store %arg13[%swap3A_675], %select_n3A_673 {strides = array<i32>} : memref<16xf32, #tpu.memory_space<vmem>>, vector<16xf32>,
    %swap3A_677 = arith.constant 0 : index
    %swap3A_678 = tpu.vector_load %arg14[%swap3A_677] {strides = array<i32>} : memref<16xi32, #tpu.memory_space<vmem>>, vector<16xi32>,
    tpu.vector_store %arg14[%swap3A_677], %select_n3A_674 {strides = array<i32>} : memref<16xi32, #tpu.memory_space<vmem>>, vector<16xi32>,
    %xor3A_679 = arith.constant 2 : i32
    %xor3A_680 = vector.broadcast %xor3A_679 : i32 to vector<16xi32>
    %xor3A_681 = arith.xori %iota3A, %xor3A_680 : vector<16xi32>
    %gather3A_682 = tpu.vector_load_idx %arg13[%xor3A_681] : memref<16xf32, #tpu.memory_space<vmem>>[vector<16xi32>], vector<16xf32>,
    %gather3A_683 = tpu.vector_load_idx %arg14[%xor3A_681] : memref<16xi32, #tpu.memory_space<vmem>>[vector<16xi32>], vector<16xi32>,
    %lt3A_684 = arith.cmpf olt, %gather3A_682, %select_n3A_673 : vector<16xf32>
    %eq3A_685 = arith.cmpf oeq, %gather3A_682, %select_n3A_673 : vector<16xf32>
    %lt3A_686 = arith.cmpi slt, %gather3A_683, %select_n3A_674 : vector<16xi32>
    %and3A_687 = arith.andi %eq3A_685, %lt3A_686 : vector<16xi1>
    %or3A_688 = arith.ori %lt3A_684, %and3A_687 : vector<16xi1>
    %select_n3A_689 = arith.select %or3A_688, %gather3A_682, %select_n3A_673 : vector<16xi1>, vector<16xf32>
    %select_n3A_690 = arith.select %or3A_688, %gather3A_683, %select_n3A_674 : vector<16xi1>, vector<16xi32>
    %swap3A_691 = arith.constant 0 : index
    %swap3A_692 = tpu.vector_load %arg13[%swap3A_691] {strides = array<i32>} : memref<16xf32, #tpu.memory_space<vmem>>, vector<16xf32>,
    tpu.vector_store %arg13[%swap3A_691], %select_n3A_689 {strides = array<i32>} : memref<16xf32, #tpu.memory_space<vmem>>, vector<16xf32>,
    %swap3A_693 = arith.constant 0 : index
    %swap3A_694 = tpu.vector_load %arg14[%swap3A_693] {strides = array<i32>} : memref<16xi32, #tpu.memory_space<vmem>>, vector<16xi32>,
    tpu.vector_store %arg14[%swap3A_693], %select_n3A_690 {strides = array<i32>} : memref<16xi32, #tpu.memory_space<vmem>>, vector<16xi32>,
    %xor3A_695 = arith.constant 4 : i32
    %xor3A_696 = vector.broadcast %xor3A_695 : i32 to vector<16xi32>
    %xor3A_697 = arith.xori %iota3A, %xor3A_696 : vector<16xi32>
    %gather3A_698 = tpu.vector_load_idx %arg13[%xor3A_697] : memref<16xf32, #tpu.memory_space<vmem>>[vector<16xi32>], vector<16xf32>,
    %gather3A_699 = tpu.vector_load_idx %arg14[%xor3A_697] : memref<16xi32, #tpu.memory_space<vmem>>[vector<16xi32>], vector<16xi32>,
    %lt3A_700 = arith.cmpf olt, %gather3A_698, %select_n3A_689 : vector<16xf32>
    %eq3A_701 = arith.cmpf oeq, %gather3A_698, %select_n3A_689 : vector<16xf32>
    %lt3A_702 = arith.cmpi slt, %gather3A_699, %select_n3A_690 : vector<16xi32>
    %and3A_703 = arith.andi %eq3A_701, %lt3A_702 : vector<16xi1>
    %or3A_704 = arith.ori %lt3A_700, %and3A_703 : vector<16xi1>
    %select_n3A_705 = arith.select %or3A_704, %gather3A_698, %select_n3A_689 : vector<16xi1>, vector<16xf32>
    %select_n3A_706 = arith.select %or3A_704, %gather3A_699, %select_n3A_690 : vector<16xi1>, vector<16xi32>
    %swap3A_707 = arith.constant 0 : index
    %swap3A_708 = tpu.vector_load %arg13[%swap3A_707] {strides = array<i32>} : memref<16xf32, #tpu.memory_space<vmem>>, vector<16xf32>,
    tpu.vector_store %arg13[%swap3A_707], %select_n3A_705 {strides = array<i32>} : memref<16xf32, #tpu.memory_space<vmem>>, vector<16xf32>,
    %swap3A_709 = arith.constant 0 : index
    %swap3A_710 = tpu.vector_load %arg14[%swap3A_709] {strides = array<i32>} : memref<16xi32, #tpu.memory_space<vmem>>, vector<16xi32>,
    tpu.vector_store %arg14[%swap3A_709], %select_n3A_706 {strides = array<i32>} : memref<16xi32, #tpu.memory_space<vmem>>, vector<16xi32>,
    %xor3A_711 = arith.constant 8 : i32
    %xor3A_712 = vector.broadcast %xor3A_711 : i32 to vector<16xi32>
    %xor3A_713 = arith.xori %iota3A, %xor3A_712 : vector<16xi32>
    %gather3A_714 = tpu.vector_load_idx %arg13[%xor3A_713] : memref<16xf32, #tpu.memory_space<vmem>>[vector<16xi32>], vector<16xf32>,
    %gather3A_715 = tpu.vector_load_idx %arg14[%xor3A_713] : memref<16xi32, #tpu.memory_space<vmem>>[vector<16xi32>], vector<16xi32>,
    %lt3A_716 = arith.cmpf olt, %gather3A_714, %select_n3A_705 : vector<16xf32>
    %eq3A_717 = arith.cmpf oeq, %gather3A_714, %select_n3A_705 : vector<16xf32>
    %lt3A_718 = arith.cmpi slt, %gather3A_715, %select_n3A_706 : vector<16xi32>
    %and3A_719 = arith.andi %eq3A_717, %lt3A_718 : vector<16xi1>
    %or3A_720 = arith.ori %lt3A_716, %and3A_719 : vector<16xi1>
    %select_n3A_721 = arith.select %or3A_720, %gather3A_714, %select_n3A_705 : vector<16xi1>, vector<16xf32>
    %select_n3A_722 = arith.select %or3A_720, %gather3A_715, %select_n3A_706 : vector<16xi1>, vector<16xi32>
    %min3A = arith.constant 1023 : i32
    %min3A_723 = vector.broadcast %min3A : i32 to vector<16xi32>
    %min3A_724 = arith.minsi %select_n3A_722, %min3A_723 : vector<16xi32>
    %gather3A_725 = tpu.vector_load_idx %arg8[%broadcast_in_dim3A_23, %min3A_724] : memref<16x1040xf32, #tpu.memory_space<vmem>>[vector<16xi32>, vector<16xi32>], vector<16xf32>,
    %eq3A_726 = arith.constant 0 : i32
    %eq3A_727 = vector.broadcast %eq3A_726 : i32 to vector<16xi32>
    %eq3A_728 = arith.cmpi eq, %iota3A, %eq3A_727 : vector<16xi32>
    %jit3A = arith.constant 0.000000e+00 : f32
    %broadcast_in_dim3A_729 = vector.broadcast %jit3A : f32 to vector<16xf32>
    %select_n3A_730 = arith.select %eq3A_728, %gather3A_725, %broadcast_in_dim3A_729 : vector<16xi1>, vector<16xf32>
    %eq3A_731 = arith.constant 0 : i32
    %eq3A_732 = vector.broadcast %eq3A_731 : i32 to vector<16xi32>
    %eq3A_733 = arith.cmpi eq, %iota3A, %eq3A_732 : vector<16xi32>
    %jit3A_734 = arith.constant 0 : i32
    %broadcast_in_dim3A_735 = vector.broadcast %jit3A_734 : i32 to vector<16xi32>
    %select_n3A_736 = arith.select %eq3A_733, %min3A_724, %broadcast_in_dim3A_735 : vector<16xi1>, vector<16xi32>
    %broadcast_in_dim3A_737 = arith.constant 1 : i32
    %broadcast_in_dim3A_738 = vector.broadcast %broadcast_in_dim3A_737 : i32 to vector<16xi32>
    %add3A_739 = arith.constant 1 : i32
    %add3A_740 = vector.broadcast %add3A_739 : i32 to vector<16xi32>
    %add3A_741 = arith.addi %min3A_724, %add3A_740 : vector<16xi32>
    %min3A_742 = arith.constant 1023 : i32
    %min3A_743 = vector.broadcast %min3A_742 : i32 to vector<16xi32>
    %min3A_744 = arith.minsi %add3A_741, %min3A_743 : vector<16xi32>
    %gather3A_745 = tpu.vector_load_idx %arg8[%broadcast_in_dim3A_738, %min3A_724] : memref<16x1040xf32, #tpu.memory_space<vmem>>[vector<16xi32>, vector<16xi32>], vector<16xf32>,
    %gather3A_746 = tpu.vector_load_idx %arg8[%broadcast_in_dim3A_738, %min3A_744] : memref<16x1040xf32, #tpu.memory_space<vmem>>[vector<16xi32>, vector<16xi32>], vector<16xf32>,
    %le3A = arith.cmpf ole, %gather3A_745, %gather3A_746 : vector<16xf32>
    %select_n3A_747 = arith.select %le3A, %min3A_724, %min3A_744 : vector<16xi1>, vector<16xi32>
    %select_n3A_748 = arith.select %le3A, %gather3A_745, %gather3A_746 : vector<16xi1>, vector<16xf32>
    %eq3A_749 = arith.constant 1 : i32
    %eq3A_750 = vector.broadcast %eq3A_749 : i32 to vector<16xi32>
    %eq3A_751 = arith.cmpi eq, %iota3A, %eq3A_750 : vector<16xi32>
    %select_n3A_752 = arith.select %eq3A_751, %select_n3A_747, %select_n3A_736 : vector<16xi1>, vector<16xi32>
    %select_n3A_753 = arith.select %eq3A_751, %select_n3A_748, %select_n3A_730 : vector<16xi1>, vector<16xf32>
    %broadcast_in_dim3A_754 = arith.constant 2 : i32
    %broadcast_in_dim3A_755 = vector.broadcast %broadcast_in_dim3A_754 : i32 to vector<16xi32>
    %add3A_756 = arith.constant 1 : i32
    %add3A_757 = vector.broadcast %add3A_756 : i32 to vector<16xi32>
    %add3A_758 = arith.addi %select_n3A_747, %add3A_757 : vector<16xi32>
    %min3A_759 = arith.constant 1023 : i32
    %min3A_760 = vector.broadcast %min3A_759 : i32 to vector<16xi32>
    %min3A_761 = arith.minsi %add3A_758, %min3A_760 : vector<16xi32>
    %gather3A_762 = tpu.vector_load_idx %arg8[%broadcast_in_dim3A_755, %select_n3A_747] : memref<16x1040xf32, #tpu.memory_space<vmem>>[vector<16xi32>, vector<16xi32>], vector<16xf32>,
    %gather3A_763 = tpu.vector_load_idx %arg8[%broadcast_in_dim3A_755, %min3A_761] : memref<16x1040xf32, #tpu.memory_space<vmem>>[vector<16xi32>, vector<16xi32>], vector<16xf32>,
    %le3A_764 = arith.cmpf ole, %gather3A_762, %gather3A_763 : vector<16xf32>
    %select_n3A_765 = arith.select %le3A_764, %select_n3A_747, %min3A_761 : vector<16xi1>, vector<16xi32>
    %select_n3A_766 = arith.select %le3A_764, %gather3A_762, %gather3A_763 : vector<16xi1>, vector<16xf32>
    %eq3A_767 = arith.constant 2 : i32
    %eq3A_768 = vector.broadcast %eq3A_767 : i32 to vector<16xi32>
    %eq3A_769 = arith.cmpi eq, %iota3A, %eq3A_768 : vector<16xi32>
    %select_n3A_770 = arith.select %eq3A_769, %select_n3A_765, %select_n3A_752 : vector<16xi1>, vector<16xi32>
    %select_n3A_771 = arith.select %eq3A_769, %select_n3A_766, %select_n3A_753 : vector<16xi1>, vector<16xf32>
    %broadcast_in_dim3A_772 = arith.constant 3 : i32
    %broadcast_in_dim3A_773 = vector.broadcast %broadcast_in_dim3A_772 : i32 to vector<16xi32>
    %add3A_774 = arith.constant 1 : i32
    %add3A_775 = vector.broadcast %add3A_774 : i32 to vector<16xi32>
    %add3A_776 = arith.addi %select_n3A_765, %add3A_775 : vector<16xi32>
    %min3A_777 = arith.constant 1023 : i32
    %min3A_778 = vector.broadcast %min3A_777 : i32 to vector<16xi32>
    %min3A_779 = arith.minsi %add3A_776, %min3A_778 : vector<16xi32>
    %gather3A_780 = tpu.vector_load_idx %arg8[%broadcast_in_dim3A_773, %select_n3A_765] : memref<16x1040xf32, #tpu.memory_space<vmem>>[vector<16xi32>, vector<16xi32>], vector<16xf32>,
    %gather3A_781 = tpu.vector_load_idx %arg8[%broadcast_in_dim3A_773, %min3A_779] : memref<16x1040xf32, #tpu.memory_space<vmem>>[vector<16xi32>, vector<16xi32>], vector<16xf32>,
    %le3A_782 = arith.cmpf ole, %gather3A_780, %gather3A_781 : vector<16xf32>
    %select_n3A_783 = arith.select %le3A_782, %select_n3A_765, %min3A_779 : vector<16xi1>, vector<16xi32>
    %select_n3A_784 = arith.select %le3A_782, %gather3A_780, %gather3A_781 : vector<16xi1>, vector<16xf32>
    %eq3A_785 = arith.constant 3 : i32
    %eq3A_786 = vector.broadcast %eq3A_785 : i32 to vector<16xi32>
    %eq3A_787 = arith.cmpi eq, %iota3A, %eq3A_786 : vector<16xi32>
    %select_n3A_788 = arith.select %eq3A_787, %select_n3A_783, %select_n3A_770 : vector<16xi1>, vector<16xi32>
    %select_n3A_789 = arith.select %eq3A_787, %select_n3A_784, %select_n3A_771 : vector<16xi1>, vector<16xf32>
    %broadcast_in_dim3A_790 = arith.constant 4 : i32
    %broadcast_in_dim3A_791 = vector.broadcast %broadcast_in_dim3A_790 : i32 to vector<16xi32>
    %add3A_792 = arith.constant 1 : i32
    %add3A_793 = vector.broadcast %add3A_792 : i32 to vector<16xi32>
    %add3A_794 = arith.addi %select_n3A_783, %add3A_793 : vector<16xi32>
    %min3A_795 = arith.constant 1023 : i32
    %min3A_796 = vector.broadcast %min3A_795 : i32 to vector<16xi32>
    %min3A_797 = arith.minsi %add3A_794, %min3A_796 : vector<16xi32>
    %gather3A_798 = tpu.vector_load_idx %arg8[%broadcast_in_dim3A_791, %select_n3A_783] : memref<16x1040xf32, #tpu.memory_space<vmem>>[vector<16xi32>, vector<16xi32>], vector<16xf32>,
    %gather3A_799 = tpu.vector_load_idx %arg8[%broadcast_in_dim3A_791, %min3A_797] : memref<16x1040xf32, #tpu.memory_space<vmem>>[vector<16xi32>, vector<16xi32>], vector<16xf32>,
    %le3A_800 = arith.cmpf ole, %gather3A_798, %gather3A_799 : vector<16xf32>
    %select_n3A_801 = arith.select %le3A_800, %select_n3A_783, %min3A_797 : vector<16xi1>, vector<16xi32>
    %select_n3A_802 = arith.select %le3A_800, %gather3A_798, %gather3A_799 : vector<16xi1>, vector<16xf32>
    %eq3A_803 = arith.constant 4 : i32
    %eq3A_804 = vector.broadcast %eq3A_803 : i32 to vector<16xi32>
    %eq3A_805 = arith.cmpi eq, %iota3A, %eq3A_804 : vector<16xi32>
    %select_n3A_806 = arith.select %eq3A_805, %select_n3A_801, %select_n3A_788 : vector<16xi1>, vector<16xi32>
    %select_n3A_807 = arith.select %eq3A_805, %select_n3A_802, %select_n3A_789 : vector<16xi1>, vector<16xf32>
    %broadcast_in_dim3A_808 = arith.constant 5 : i32
    %broadcast_in_dim3A_809 = vector.broadcast %broadcast_in_dim3A_808 : i32 to vector<16xi32>
    %add3A_810 = arith.constant 1 : i32
    %add3A_811 = vector.broadcast %add3A_810 : i32 to vector<16xi32>
    %add3A_812 = arith.addi %select_n3A_801, %add3A_811 : vector<16xi32>
    %min3A_813 = arith.constant 1023 : i32
    %min3A_814 = vector.broadcast %min3A_813 : i32 to vector<16xi32>
    %min3A_815 = arith.minsi %add3A_812, %min3A_814 : vector<16xi32>
    %gather3A_816 = tpu.vector_load_idx %arg8[%broadcast_in_dim3A_809, %select_n3A_801] : memref<16x1040xf32, #tpu.memory_space<vmem>>[vector<16xi32>, vector<16xi32>], vector<16xf32>,
    %gather3A_817 = tpu.vector_load_idx %arg8[%broadcast_in_dim3A_809, %min3A_815] : memref<16x1040xf32, #tpu.memory_space<vmem>>[vector<16xi32>, vector<16xi32>], vector<16xf32>,
    %le3A_818 = arith.cmpf ole, %gather3A_816, %gather3A_817 : vector<16xf32>
    %select_n3A_819 = arith.select %le3A_818, %select_n3A_801, %min3A_815 : vector<16xi1>, vector<16xi32>
    %select_n3A_820 = arith.select %le3A_818, %gather3A_816, %gather3A_817 : vector<16xi1>, vector<16xf32>
    %eq3A_821 = arith.constant 5 : i32
    %eq3A_822 = vector.broadcast %eq3A_821 : i32 to vector<16xi32>
    %eq3A_823 = arith.cmpi eq, %iota3A, %eq3A_822 : vector<16xi32>
    %select_n3A_824 = arith.select %eq3A_823, %select_n3A_819, %select_n3A_806 : vector<16xi1>, vector<16xi32>
    %select_n3A_825 = arith.select %eq3A_823, %select_n3A_820, %select_n3A_807 : vector<16xi1>, vector<16xf32>
    %broadcast_in_dim3A_826 = arith.constant 6 : i32
    %broadcast_in_dim3A_827 = vector.broadcast %broadcast_in_dim3A_826 : i32 to vector<16xi32>
    %add3A_828 = arith.constant 1 : i32
    %add3A_829 = vector.broadcast %add3A_828 : i32 to vector<16xi32>
    %add3A_830 = arith.addi %select_n3A_819, %add3A_829 : vector<16xi32>
    %min3A_831 = arith.constant 1023 : i32
    %min3A_832 = vector.broadcast %min3A_831 : i32 to vector<16xi32>
    %min3A_833 = arith.minsi %add3A_830, %min3A_832 : vector<16xi32>
    %gather3A_834 = tpu.vector_load_idx %arg8[%broadcast_in_dim3A_827, %select_n3A_819] : memref<16x1040xf32, #tpu.memory_space<vmem>>[vector<16xi32>, vector<16xi32>], vector<16xf32>,
    %gather3A_835 = tpu.vector_load_idx %arg8[%broadcast_in_dim3A_827, %min3A_833] : memref<16x1040xf32, #tpu.memory_space<vmem>>[vector<16xi32>, vector<16xi32>], vector<16xf32>,
    %le3A_836 = arith.cmpf ole, %gather3A_834, %gather3A_835 : vector<16xf32>
    %select_n3A_837 = arith.select %le3A_836, %select_n3A_819, %min3A_833 : vector<16xi1>, vector<16xi32>
    %select_n3A_838 = arith.select %le3A_836, %gather3A_834, %gather3A_835 : vector<16xi1>, vector<16xf32>
    %eq3A_839 = arith.constant 6 : i32
    %eq3A_840 = vector.broadcast %eq3A_839 : i32 to vector<16xi32>
    %eq3A_841 = arith.cmpi eq, %iota3A, %eq3A_840 : vector<16xi32>
    %select_n3A_842 = arith.select %eq3A_841, %select_n3A_837, %select_n3A_824 : vector<16xi1>, vector<16xi32>
    %select_n3A_843 = arith.select %eq3A_841, %select_n3A_838, %select_n3A_825 : vector<16xi1>, vector<16xf32>
    %broadcast_in_dim3A_844 = arith.constant 7 : i32
    %broadcast_in_dim3A_845 = vector.broadcast %broadcast_in_dim3A_844 : i32 to vector<16xi32>
    %add3A_846 = arith.constant 1 : i32
    %add3A_847 = vector.broadcast %add3A_846 : i32 to vector<16xi32>
    %add3A_848 = arith.addi %select_n3A_837, %add3A_847 : vector<16xi32>
    %min3A_849 = arith.constant 1023 : i32
    %min3A_850 = vector.broadcast %min3A_849 : i32 to vector<16xi32>
    %min3A_851 = arith.minsi %add3A_848, %min3A_850 : vector<16xi32>
    %gather3A_852 = tpu.vector_load_idx %arg8[%broadcast_in_dim3A_845, %select_n3A_837] : memref<16x1040xf32, #tpu.memory_space<vmem>>[vector<16xi32>, vector<16xi32>], vector<16xf32>,
    %gather3A_853 = tpu.vector_load_idx %arg8[%broadcast_in_dim3A_845, %min3A_851] : memref<16x1040xf32, #tpu.memory_space<vmem>>[vector<16xi32>, vector<16xi32>], vector<16xf32>,
    %le3A_854 = arith.cmpf ole, %gather3A_852, %gather3A_853 : vector<16xf32>
    %select_n3A_855 = arith.select %le3A_854, %select_n3A_837, %min3A_851 : vector<16xi1>, vector<16xi32>
    %select_n3A_856 = arith.select %le3A_854, %gather3A_852, %gather3A_853 : vector<16xi1>, vector<16xf32>
    %eq3A_857 = arith.constant 7 : i32
    %eq3A_858 = vector.broadcast %eq3A_857 : i32 to vector<16xi32>
    %eq3A_859 = arith.cmpi eq, %iota3A, %eq3A_858 : vector<16xi32>
    %select_n3A_860 = arith.select %eq3A_859, %select_n3A_855, %select_n3A_842 : vector<16xi1>, vector<16xi32>
    %select_n3A_861 = arith.select %eq3A_859, %select_n3A_856, %select_n3A_843 : vector<16xi1>, vector<16xf32>
    %broadcast_in_dim3A_862 = arith.constant 8 : i32
    %broadcast_in_dim3A_863 = vector.broadcast %broadcast_in_dim3A_862 : i32 to vector<16xi32>
    %add3A_864 = arith.constant 1 : i32
    %add3A_865 = vector.broadcast %add3A_864 : i32 to vector<16xi32>
    %add3A_866 = arith.addi %select_n3A_855, %add3A_865 : vector<16xi32>
    %min3A_867 = arith.constant 1023 : i32
    %min3A_868 = vector.broadcast %min3A_867 : i32 to vector<16xi32>
    %min3A_869 = arith.minsi %add3A_866, %min3A_868 : vector<16xi32>
    %gather3A_870 = tpu.vector_load_idx %arg8[%broadcast_in_dim3A_863, %select_n3A_855] : memref<16x1040xf32, #tpu.memory_space<vmem>>[vector<16xi32>, vector<16xi32>], vector<16xf32>,
    %gather3A_871 = tpu.vector_load_idx %arg8[%broadcast_in_dim3A_863, %min3A_869] : memref<16x1040xf32, #tpu.memory_space<vmem>>[vector<16xi32>, vector<16xi32>], vector<16xf32>,
    %le3A_872 = arith.cmpf ole, %gather3A_870, %gather3A_871 : vector<16xf32>
    %select_n3A_873 = arith.select %le3A_872, %select_n3A_855, %min3A_869 : vector<16xi1>, vector<16xi32>
    %select_n3A_874 = arith.select %le3A_872, %gather3A_870, %gather3A_871 : vector<16xi1>, vector<16xf32>
    %eq3A_875 = arith.constant 8 : i32
    %eq3A_876 = vector.broadcast %eq3A_875 : i32 to vector<16xi32>
    %eq3A_877 = arith.cmpi eq, %iota3A, %eq3A_876 : vector<16xi32>
    %select_n3A_878 = arith.select %eq3A_877, %select_n3A_873, %select_n3A_860 : vector<16xi1>, vector<16xi32>
    %select_n3A_879 = arith.select %eq3A_877, %select_n3A_874, %select_n3A_861 : vector<16xi1>, vector<16xf32>
    %broadcast_in_dim3A_880 = arith.constant 9 : i32
    %broadcast_in_dim3A_881 = vector.broadcast %broadcast_in_dim3A_880 : i32 to vector<16xi32>
    %add3A_882 = arith.constant 1 : i32
    %add3A_883 = vector.broadcast %add3A_882 : i32 to vector<16xi32>
    %add3A_884 = arith.addi %select_n3A_873, %add3A_883 : vector<16xi32>
    %min3A_885 = arith.constant 1023 : i32
    %min3A_886 = vector.broadcast %min3A_885 : i32 to vector<16xi32>
    %min3A_887 = arith.minsi %add3A_884, %min3A_886 : vector<16xi32>
    %gather3A_888 = tpu.vector_load_idx %arg8[%broadcast_in_dim3A_881, %select_n3A_873] : memref<16x1040xf32, #tpu.memory_space<vmem>>[vector<16xi32>, vector<16xi32>], vector<16xf32>,
    %gather3A_889 = tpu.vector_load_idx %arg8[%broadcast_in_dim3A_881, %min3A_887] : memref<16x1040xf32, #tpu.memory_space<vmem>>[vector<16xi32>, vector<16xi32>], vector<16xf32>,
    %le3A_890 = arith.cmpf ole, %gather3A_888, %gather3A_889 : vector<16xf32>
    %select_n3A_891 = arith.select %le3A_890, %select_n3A_873, %min3A_887 : vector<16xi1>, vector<16xi32>
    %select_n3A_892 = arith.select %le3A_890, %gather3A_888, %gather3A_889 : vector<16xi1>, vector<16xf32>
    %eq3A_893 = arith.constant 9 : i32
    %eq3A_894 = vector.broadcast %eq3A_893 : i32 to vector<16xi32>
    %eq3A_895 = arith.cmpi eq, %iota3A, %eq3A_894 : vector<16xi32>
    %select_n3A_896 = arith.select %eq3A_895, %select_n3A_891, %select_n3A_878 : vector<16xi1>, vector<16xi32>
    %select_n3A_897 = arith.select %eq3A_895, %select_n3A_892, %select_n3A_879 : vector<16xi1>, vector<16xf32>
    %broadcast_in_dim3A_898 = arith.constant 10 : i32
    %broadcast_in_dim3A_899 = vector.broadcast %broadcast_in_dim3A_898 : i32 to vector<16xi32>
    %add3A_900 = arith.constant 1 : i32
    %add3A_901 = vector.broadcast %add3A_900 : i32 to vector<16xi32>
    %add3A_902 = arith.addi %select_n3A_891, %add3A_901 : vector<16xi32>
    %min3A_903 = arith.constant 1023 : i32
    %min3A_904 = vector.broadcast %min3A_903 : i32 to vector<16xi32>
    %min3A_905 = arith.minsi %add3A_902, %min3A_904 : vector<16xi32>
    %gather3A_906 = tpu.vector_load_idx %arg8[%broadcast_in_dim3A_899, %select_n3A_891] : memref<16x1040xf32, #tpu.memory_space<vmem>>[vector<16xi32>, vector<16xi32>], vector<16xf32>,
    %gather3A_907 = tpu.vector_load_idx %arg8[%broadcast_in_dim3A_899, %min3A_905] : memref<16x1040xf32, #tpu.memory_space<vmem>>[vector<16xi32>, vector<16xi32>], vector<16xf32>,
    %le3A_908 = arith.cmpf ole, %gather3A_906, %gather3A_907 : vector<16xf32>
    %select_n3A_909 = arith.select %le3A_908, %select_n3A_891, %min3A_905 : vector<16xi1>, vector<16xi32>
    %select_n3A_910 = arith.select %le3A_908, %gather3A_906, %gather3A_907 : vector<16xi1>, vector<16xf32>
    %eq3A_911 = arith.constant 10 : i32
    %eq3A_912 = vector.broadcast %eq3A_911 : i32 to vector<16xi32>
    %eq3A_913 = arith.cmpi eq, %iota3A, %eq3A_912 : vector<16xi32>
    %select_n3A_914 = arith.select %eq3A_913, %select_n3A_909, %select_n3A_896 : vector<16xi1>, vector<16xi32>
    %select_n3A_915 = arith.select %eq3A_913, %select_n3A_910, %select_n3A_897 : vector<16xi1>, vector<16xf32>
    %broadcast_in_dim3A_916 = arith.constant 11 : i32
    %broadcast_in_dim3A_917 = vector.broadcast %broadcast_in_dim3A_916 : i32 to vector<16xi32>
    %add3A_918 = arith.constant 1 : i32
    %add3A_919 = vector.broadcast %add3A_918 : i32 to vector<16xi32>
    %add3A_920 = arith.addi %select_n3A_909, %add3A_919 : vector<16xi32>
    %min3A_921 = arith.constant 1023 : i32
    %min3A_922 = vector.broadcast %min3A_921 : i32 to vector<16xi32>
    %min3A_923 = arith.minsi %add3A_920, %min3A_922 : vector<16xi32>
    %gather3A_924 = tpu.vector_load_idx %arg8[%broadcast_in_dim3A_917, %select_n3A_909] : memref<16x1040xf32, #tpu.memory_space<vmem>>[vector<16xi32>, vector<16xi32>], vector<16xf32>,
    %gather3A_925 = tpu.vector_load_idx %arg8[%broadcast_in_dim3A_917, %min3A_923] : memref<16x1040xf32, #tpu.memory_space<vmem>>[vector<16xi32>, vector<16xi32>], vector<16xf32>,
    %le3A_926 = arith.cmpf ole, %gather3A_924, %gather3A_925 : vector<16xf32>
    %select_n3A_927 = arith.select %le3A_926, %select_n3A_909, %min3A_923 : vector<16xi1>, vector<16xi32>
    %select_n3A_928 = arith.select %le3A_926, %gather3A_924, %gather3A_925 : vector<16xi1>, vector<16xf32>
    %eq3A_929 = arith.constant 11 : i32
    %eq3A_930 = vector.broadcast %eq3A_929 : i32 to vector<16xi32>
    %eq3A_931 = arith.cmpi eq, %iota3A, %eq3A_930 : vector<16xi32>
    %select_n3A_932 = arith.select %eq3A_931, %select_n3A_927, %select_n3A_914 : vector<16xi1>, vector<16xi32>
    %select_n3A_933 = arith.select %eq3A_931, %select_n3A_928, %select_n3A_915 : vector<16xi1>, vector<16xf32>
    %broadcast_in_dim3A_934 = arith.constant 12 : i32
    %broadcast_in_dim3A_935 = vector.broadcast %broadcast_in_dim3A_934 : i32 to vector<16xi32>
    %add3A_936 = arith.constant 1 : i32
    %add3A_937 = vector.broadcast %add3A_936 : i32 to vector<16xi32>
    %add3A_938 = arith.addi %select_n3A_927, %add3A_937 : vector<16xi32>
    %min3A_939 = arith.constant 1023 : i32
    %min3A_940 = vector.broadcast %min3A_939 : i32 to vector<16xi32>
    %min3A_941 = arith.minsi %add3A_938, %min3A_940 : vector<16xi32>
    %gather3A_942 = tpu.vector_load_idx %arg8[%broadcast_in_dim3A_935, %select_n3A_927] : memref<16x1040xf32, #tpu.memory_space<vmem>>[vector<16xi32>, vector<16xi32>], vector<16xf32>,
    %gather3A_943 = tpu.vector_load_idx %arg8[%broadcast_in_dim3A_935, %min3A_941] : memref<16x1040xf32, #tpu.memory_space<vmem>>[vector<16xi32>, vector<16xi32>], vector<16xf32>,
    %le3A_944 = arith.cmpf ole, %gather3A_942, %gather3A_943 : vector<16xf32>
    %select_n3A_945 = arith.select %le3A_944, %select_n3A_927, %min3A_941 : vector<16xi1>, vector<16xi32>
    %select_n3A_946 = arith.select %le3A_944, %gather3A_942, %gather3A_943 : vector<16xi1>, vector<16xf32>
    %eq3A_947 = arith.constant 12 : i32
    %eq3A_948 = vector.broadcast %eq3A_947 : i32 to vector<16xi32>
    %eq3A_949 = arith.cmpi eq, %iota3A, %eq3A_948 : vector<16xi32>
    %select_n3A_950 = arith.select %eq3A_949, %select_n3A_945, %select_n3A_932 : vector<16xi1>, vector<16xi32>
    %select_n3A_951 = arith.select %eq3A_949, %select_n3A_946, %select_n3A_933 : vector<16xi1>, vector<16xf32>
    %broadcast_in_dim3A_952 = arith.constant 13 : i32
    %broadcast_in_dim3A_953 = vector.broadcast %broadcast_in_dim3A_952 : i32 to vector<16xi32>
    %add3A_954 = arith.constant 1 : i32
    %add3A_955 = vector.broadcast %add3A_954 : i32 to vector<16xi32>
    %add3A_956 = arith.addi %select_n3A_945, %add3A_955 : vector<16xi32>
    %min3A_957 = arith.constant 1023 : i32
    %min3A_958 = vector.broadcast %min3A_957 : i32 to vector<16xi32>
    %min3A_959 = arith.minsi %add3A_956, %min3A_958 : vector<16xi32>
    %gather3A_960 = tpu.vector_load_idx %arg8[%broadcast_in_dim3A_953, %select_n3A_945] : memref<16x1040xf32, #tpu.memory_space<vmem>>[vector<16xi32>, vector<16xi32>], vector<16xf32>,
    %gather3A_961 = tpu.vector_load_idx %arg8[%broadcast_in_dim3A_953, %min3A_959] : memref<16x1040xf32, #tpu.memory_space<vmem>>[vector<16xi32>, vector<16xi32>], vector<16xf32>,
    %le3A_962 = arith.cmpf ole, %gather3A_960, %gather3A_961 : vector<16xf32>
    %select_n3A_963 = arith.select %le3A_962, %select_n3A_945, %min3A_959 : vector<16xi1>, vector<16xi32>
    %select_n3A_964 = arith.select %le3A_962, %gather3A_960, %gather3A_961 : vector<16xi1>, vector<16xf32>
    %eq3A_965 = arith.constant 13 : i32
    %eq3A_966 = vector.broadcast %eq3A_965 : i32 to vector<16xi32>
    %eq3A_967 = arith.cmpi eq, %iota3A, %eq3A_966 : vector<16xi32>
    %select_n3A_968 = arith.select %eq3A_967, %select_n3A_963, %select_n3A_950 : vector<16xi1>, vector<16xi32>
    %select_n3A_969 = arith.select %eq3A_967, %select_n3A_964, %select_n3A_951 : vector<16xi1>, vector<16xf32>
    %broadcast_in_dim3A_970 = arith.constant 14 : i32
    %broadcast_in_dim3A_971 = vector.broadcast %broadcast_in_dim3A_970 : i32 to vector<16xi32>
    %add3A_972 = arith.constant 1 : i32
    %add3A_973 = vector.broadcast %add3A_972 : i32 to vector<16xi32>
    %add3A_974 = arith.addi %select_n3A_963, %add3A_973 : vector<16xi32>
    %min3A_975 = arith.constant 1023 : i32
    %min3A_976 = vector.broadcast %min3A_975 : i32 to vector<16xi32>
    %min3A_977 = arith.minsi %add3A_974, %min3A_976 : vector<16xi32>
    %gather3A_978 = tpu.vector_load_idx %arg8[%broadcast_in_dim3A_971, %select_n3A_963] : memref<16x1040xf32, #tpu.memory_space<vmem>>[vector<16xi32>, vector<16xi32>], vector<16xf32>,
    %gather3A_979 = tpu.vector_load_idx %arg8[%broadcast_in_dim3A_971, %min3A_977] : memref<16x1040xf32, #tpu.memory_space<vmem>>[vector<16xi32>, vector<16xi32>], vector<16xf32>,
    %le3A_980 = arith.cmpf ole, %gather3A_978, %gather3A_979 : vector<16xf32>
    %select_n3A_981 = arith.select %le3A_980, %select_n3A_963, %min3A_977 : vector<16xi1>, vector<16xi32>
    %select_n3A_982 = arith.select %le3A_980, %gather3A_978, %gather3A_979 : vector<16xi1>, vector<16xf32>
    %eq3A_983 = arith.constant 14 : i32
    %eq3A_984 = vector.broadcast %eq3A_983 : i32 to vector<16xi32>
    %eq3A_985 = arith.cmpi eq, %iota3A, %eq3A_984 : vector<16xi32>
    %select_n3A_986 = arith.select %eq3A_985, %select_n3A_981, %select_n3A_968 : vector<16xi1>, vector<16xi32>
    %select_n3A_987 = arith.select %eq3A_985, %select_n3A_982, %select_n3A_969 : vector<16xi1>, vector<16xf32>
    %broadcast_in_dim3A_988 = arith.constant 15 : i32
    %broadcast_in_dim3A_989 = vector.broadcast %broadcast_in_dim3A_988 : i32 to vector<16xi32>
    %add3A_990 = arith.constant 1 : i32
    %add3A_991 = vector.broadcast %add3A_990 : i32 to vector<16xi32>
    %add3A_992 = arith.addi %select_n3A_981, %add3A_991 : vector<16xi32>
    %min3A_993 = arith.constant 1023 : i32
    %min3A_994 = vector.broadcast %min3A_993 : i32 to vector<16xi32>
    %min3A_995 = arith.minsi %add3A_992, %min3A_994 : vector<16xi32>
    %gather3A_996 = tpu.vector_load_idx %arg8[%broadcast_in_dim3A_989, %select_n3A_981] : memref<16x1040xf32, #tpu.memory_space<vmem>>[vector<16xi32>, vector<16xi32>], vector<16xf32>,
    %gather3A_997 = tpu.vector_load_idx %arg8[%broadcast_in_dim3A_989, %min3A_995] : memref<16x1040xf32, #tpu.memory_space<vmem>>[vector<16xi32>, vector<16xi32>], vector<16xf32>,
    %le3A_998 = arith.cmpf ole, %gather3A_996, %gather3A_997 : vector<16xf32>
    %select_n3A_999 = arith.select %le3A_998, %select_n3A_981, %min3A_995 : vector<16xi1>, vector<16xi32>
    %select_n3A_1000 = arith.select %le3A_998, %gather3A_996, %gather3A_997 : vector<16xi1>, vector<16xf32>
    %eq3A_1001 = arith.constant 15 : i32
    %eq3A_1002 = vector.broadcast %eq3A_1001 : i32 to vector<16xi32>
    %eq3A_1003 = arith.cmpi eq, %iota3A, %eq3A_1002 : vector<16xi32>
    %select_n3A_1004 = arith.select %eq3A_1003, %select_n3A_999, %select_n3A_986 : vector<16xi1>, vector<16xi32>
    %select_n3A_1005 = arith.select %eq3A_1003, %select_n3A_1000, %select_n3A_987 : vector<16xi1>, vector<16xf32>
    %swap3A_1006 = arith.constant 0 : index
    %swap3A_1007 = tpu.vector_load %arg11[%swap3A_1006] {strides = array<i32>} : memref<16xi32, #tpu.memory_space<vmem>>, vector<16xi32>,
    tpu.vector_store %arg11[%swap3A_1006], %select_n3A_1004 {strides = array<i32>} : memref<16xi32, #tpu.memory_space<vmem>>, vector<16xi32>,
    %swap3A_1008 = arith.constant 0 : index
    %swap3A_1009 = tpu.vector_load %arg15[%swap3A_1008] {strides = array<i32>} : memref<16xf32, #tpu.memory_space<vmem>>, vector<16xf32>,
    tpu.vector_store %arg15[%swap3A_1008], %select_n3A_1005 {strides = array<i32>} : memref<16xf32, #tpu.memory_space<vmem>>, vector<16xf32>,
    "tpu.region"() ({
      %run_scoped3A = tpu.sem_alloc : memref<!tpu.dma_semaphore, #tpu.memory_space<semaphore_mem>>
      %dma_start3A_2031 = arith.constant 0 : i32
      %dma_start3A_2032 = tpu.memref_slice %arg6[%add3A, %dma_start3A_2031] : memref<32x16xi32, #tpu.memory_space<hbm>> -> memref<1x16xi32, #tpu.memory_space<hbm>>
      %dma_start3A_2033 = tpu.memref_squeeze %dma_start3A_2032 : memref<1x16xi32, #tpu.memory_space<hbm>> -> memref<16xi32, #tpu.memory_space<hbm>>
      %dma_start3A_2034 = arith.constant 0 : i32
      %dma_start3A_2035 = tpu.memref_slice %arg6[%add3A, %dma_start3A_2034] : memref<32x16xi32, #tpu.memory_space<hbm>> -> memref<1x16xi32, #tpu.memory_space<hbm>>
      %dma_start3A_2036 = tpu.memref_squeeze %dma_start3A_2035 : memref<1x16xi32, #tpu.memory_space<hbm>> -> memref<16xi32, #tpu.memory_space<hbm>>
      tpu.enqueue_dma source(%arg11 : memref<16xi32, #tpu.memory_space<vmem>>) target(%dma_start3A_2036 : memref<16xi32, #tpu.memory_space<hbm>>) target_semaphore(%run_scoped3A : memref<!tpu.dma_semaphore, #tpu.memory_space<semaphore_mem>>)
      %dma_wait3A_2037 = arith.constant 0 : i32
      %dma_wait3A_2038 = tpu.memref_slice %arg6[%add3A, %dma_wait3A_2037] : memref<32x16xi32, #tpu.memory_space<hbm>> -> memref<1x16xi32, #tpu.memory_space<hbm>>
      %dma_wait3A_2039 = tpu.memref_squeeze %dma_wait3A_2038 : memref<1x16xi32, #tpu.memory_space<hbm>> -> memref<16xi32, #tpu.memory_space<hbm>>
      %dma_wait3A_2040 = arith.constant 0 : i32
      %dma_wait3A_2041 = tpu.memref_slice %arg6[%add3A, %dma_wait3A_2040] : memref<32x16xi32, #tpu.memory_space<hbm>> -> memref<1x16xi32, #tpu.memory_space<hbm>>
      %dma_wait3A_2042 = tpu.memref_squeeze %dma_wait3A_2041 : memref<1x16xi32, #tpu.memory_space<hbm>> -> memref<16xi32, #tpu.memory_space<hbm>>
      tpu.wait_dma2 semaphore(%run_scoped3A : memref<!tpu.dma_semaphore, #tpu.memory_space<semaphore_mem>>) src(%arg11 : memref<16xi32, #tpu.memory_space<vmem>>) dst(%dma_wait3A_2042 : memref<16xi32, #tpu.memory_space<hbm>>)
      tpu.yield
    }) : () -> ()
    %broadcast_in_dim3A_1010 = arith.constant 0 : i32
    %broadcast_in_dim3A_1011 = vector.broadcast %broadcast_in_dim3A_1010 : i32 to vector<16xi32>
    %gather3A_1012 = tpu.vector_load_idx %arg15[%broadcast_in_dim3A_1011] : memref<16xf32, #tpu.memory_space<vmem>>[vector<16xi32>], vector<16xf32>,
    %swap3A_1013 = arith.constant 0 : i32
    %swap3A_1014 = arith.index_cast %swap3A_1013 : i32 to index
    %swap3A_1015 = arith.constant 0 : index
    %swap3A_1016 = tpu.vector_load %arg12[%swap3A_1014, %swap3A_1015] {strides = array<i32>} : memref<16x16xf32, #tpu.memory_space<vmem>>, vector<16xf32>,
    tpu.vector_store %arg12[%swap3A_1014, %swap3A_1015], %gather3A_1012 {strides = array<i32>} : memref<16x16xf32, #tpu.memory_space<vmem>>, vector<16xf32>,
    %broadcast_in_dim3A_1017 = arith.constant 1 : i32
    %broadcast_in_dim3A_1018 = vector.broadcast %broadcast_in_dim3A_1017 : i32 to vector<16xi32>
    %gather3A_1019 = tpu.vector_load_idx %arg15[%broadcast_in_dim3A_1018] : memref<16xf32, #tpu.memory_space<vmem>>[vector<16xi32>], vector<16xf32>,
    %swap3A_1020 = arith.constant 1 : i32
    %swap3A_1021 = arith.index_cast %swap3A_1020 : i32 to index
    %swap3A_1022 = arith.constant 0 : index
    %swap3A_1023 = tpu.vector_load %arg12[%swap3A_1021, %swap3A_1022] {strides = array<i32>} : memref<16x16xf32, #tpu.memory_space<vmem>>, vector<16xf32>,
    tpu.vector_store %arg12[%swap3A_1021, %swap3A_1022], %gather3A_1019 {strides = array<i32>} : memref<16x16xf32, #tpu.memory_space<vmem>>, vector<16xf32>,
    %broadcast_in_dim3A_1024 = arith.constant 2 : i32
    %broadcast_in_dim3A_1025 = vector.broadcast %broadcast_in_dim3A_1024 : i32 to vector<16xi32>
    %gather3A_1026 = tpu.vector_load_idx %arg15[%broadcast_in_dim3A_1025] : memref<16xf32, #tpu.memory_space<vmem>>[vector<16xi32>], vector<16xf32>,
    %swap3A_1027 = arith.constant 2 : i32
    %swap3A_1028 = arith.index_cast %swap3A_1027 : i32 to index
    %swap3A_1029 = arith.constant 0 : index
    %swap3A_1030 = tpu.vector_load %arg12[%swap3A_1028, %swap3A_1029] {strides = array<i32>} : memref<16x16xf32, #tpu.memory_space<vmem>>, vector<16xf32>,
    tpu.vector_store %arg12[%swap3A_1028, %swap3A_1029], %gather3A_1026 {strides = array<i32>} : memref<16x16xf32, #tpu.memory_space<vmem>>, vector<16xf32>,
    %broadcast_in_dim3A_1031 = arith.constant 3 : i32
    %broadcast_in_dim3A_1032 = vector.broadcast %broadcast_in_dim3A_1031 : i32 to vector<16xi32>
    %gather3A_1033 = tpu.vector_load_idx %arg15[%broadcast_in_dim3A_1032] : memref<16xf32, #tpu.memory_space<vmem>>[vector<16xi32>], vector<16xf32>,
    %swap3A_1034 = arith.constant 3 : i32
    %swap3A_1035 = arith.index_cast %swap3A_1034 : i32 to index
    %swap3A_1036 = arith.constant 0 : index
    %swap3A_1037 = tpu.vector_load %arg12[%swap3A_1035, %swap3A_1036] {strides = array<i32>} : memref<16x16xf32, #tpu.memory_space<vmem>>, vector<16xf32>,
    tpu.vector_store %arg12[%swap3A_1035, %swap3A_1036], %gather3A_1033 {strides = array<i32>} : memref<16x16xf32, #tpu.memory_space<vmem>>, vector<16xf32>,
    %broadcast_in_dim3A_1038 = arith.constant 4 : i32
    %broadcast_in_dim3A_1039 = vector.broadcast %broadcast_in_dim3A_1038 : i32 to vector<16xi32>
    %gather3A_1040 = tpu.vector_load_idx %arg15[%broadcast_in_dim3A_1039] : memref<16xf32, #tpu.memory_space<vmem>>[vector<16xi32>], vector<16xf32>,
    %swap3A_1041 = arith.constant 4 : i32
    %swap3A_1042 = arith.index_cast %swap3A_1041 : i32 to index
    %swap3A_1043 = arith.constant 0 : index
    %swap3A_1044 = tpu.vector_load %arg12[%swap3A_1042, %swap3A_1043] {strides = array<i32>} : memref<16x16xf32, #tpu.memory_space<vmem>>, vector<16xf32>,
    tpu.vector_store %arg12[%swap3A_1042, %swap3A_1043], %gather3A_1040 {strides = array<i32>} : memref<16x16xf32, #tpu.memory_space<vmem>>, vector<16xf32>,
    %broadcast_in_dim3A_1045 = arith.constant 5 : i32
    %broadcast_in_dim3A_1046 = vector.broadcast %broadcast_in_dim3A_1045 : i32 to vector<16xi32>
    %gather3A_1047 = tpu.vector_load_idx %arg15[%broadcast_in_dim3A_1046] : memref<16xf32, #tpu.memory_space<vmem>>[vector<16xi32>], vector<16xf32>,
    %swap3A_1048 = arith.constant 5 : i32
    %swap3A_1049 = arith.index_cast %swap3A_1048 : i32 to index
    %swap3A_1050 = arith.constant 0 : index
    %swap3A_1051 = tpu.vector_load %arg12[%swap3A_1049, %swap3A_1050] {strides = array<i32>} : memref<16x16xf32, #tpu.memory_space<vmem>>, vector<16xf32>,
    tpu.vector_store %arg12[%swap3A_1049, %swap3A_1050], %gather3A_1047 {strides = array<i32>} : memref<16x16xf32, #tpu.memory_space<vmem>>, vector<16xf32>,
    %broadcast_in_dim3A_1052 = arith.constant 6 : i32
    %broadcast_in_dim3A_1053 = vector.broadcast %broadcast_in_dim3A_1052 : i32 to vector<16xi32>
    %gather3A_1054 = tpu.vector_load_idx %arg15[%broadcast_in_dim3A_1053] : memref<16xf32, #tpu.memory_space<vmem>>[vector<16xi32>], vector<16xf32>,
    %swap3A_1055 = arith.constant 6 : i32
    %swap3A_1056 = arith.index_cast %swap3A_1055 : i32 to index
    %swap3A_1057 = arith.constant 0 : index
    %swap3A_1058 = tpu.vector_load %arg12[%swap3A_1056, %swap3A_1057] {strides = array<i32>} : memref<16x16xf32, #tpu.memory_space<vmem>>, vector<16xf32>,
    tpu.vector_store %arg12[%swap3A_1056, %swap3A_1057], %gather3A_1054 {strides = array<i32>} : memref<16x16xf32, #tpu.memory_space<vmem>>, vector<16xf32>,
    %broadcast_in_dim3A_1059 = arith.constant 7 : i32
    %broadcast_in_dim3A_1060 = vector.broadcast %broadcast_in_dim3A_1059 : i32 to vector<16xi32>
    %gather3A_1061 = tpu.vector_load_idx %arg15[%broadcast_in_dim3A_1060] : memref<16xf32, #tpu.memory_space<vmem>>[vector<16xi32>], vector<16xf32>,
    %swap3A_1062 = arith.constant 7 : i32
    %swap3A_1063 = arith.index_cast %swap3A_1062 : i32 to index
    %swap3A_1064 = arith.constant 0 : index
    %swap3A_1065 = tpu.vector_load %arg12[%swap3A_1063, %swap3A_1064] {strides = array<i32>} : memref<16x16xf32, #tpu.memory_space<vmem>>, vector<16xf32>,
    tpu.vector_store %arg12[%swap3A_1063, %swap3A_1064], %gather3A_1061 {strides = array<i32>} : memref<16x16xf32, #tpu.memory_space<vmem>>, vector<16xf32>,
    %broadcast_in_dim3A_1066 = arith.constant 8 : i32
    %broadcast_in_dim3A_1067 = vector.broadcast %broadcast_in_dim3A_1066 : i32 to vector<16xi32>
    %gather3A_1068 = tpu.vector_load_idx %arg15[%broadcast_in_dim3A_1067] : memref<16xf32, #tpu.memory_space<vmem>>[vector<16xi32>], vector<16xf32>,
    %swap3A_1069 = arith.constant 8 : i32
    %swap3A_1070 = arith.index_cast %swap3A_1069 : i32 to index
    %swap3A_1071 = arith.constant 0 : index
    %swap3A_1072 = tpu.vector_load %arg12[%swap3A_1070, %swap3A_1071] {strides = array<i32>} : memref<16x16xf32, #tpu.memory_space<vmem>>, vector<16xf32>,
    tpu.vector_store %arg12[%swap3A_1070, %swap3A_1071], %gather3A_1068 {strides = array<i32>} : memref<16x16xf32, #tpu.memory_space<vmem>>, vector<16xf32>,
    %broadcast_in_dim3A_1073 = arith.constant 9 : i32
    %broadcast_in_dim3A_1074 = vector.broadcast %broadcast_in_dim3A_1073 : i32 to vector<16xi32>
    %gather3A_1075 = tpu.vector_load_idx %arg15[%broadcast_in_dim3A_1074] : memref<16xf32, #tpu.memory_space<vmem>>[vector<16xi32>], vector<16xf32>,
    %swap3A_1076 = arith.constant 9 : i32
    %swap3A_1077 = arith.index_cast %swap3A_1076 : i32 to index
    %swap3A_1078 = arith.constant 0 : index
    %swap3A_1079 = tpu.vector_load %arg12[%swap3A_1077, %swap3A_1078] {strides = array<i32>} : memref<16x16xf32, #tpu.memory_space<vmem>>, vector<16xf32>,
    tpu.vector_store %arg12[%swap3A_1077, %swap3A_1078], %gather3A_1075 {strides = array<i32>} : memref<16x16xf32, #tpu.memory_space<vmem>>, vector<16xf32>,
    %broadcast_in_dim3A_1080 = arith.constant 10 : i32
    %broadcast_in_dim3A_1081 = vector.broadcast %broadcast_in_dim3A_1080 : i32 to vector<16xi32>
    %gather3A_1082 = tpu.vector_load_idx %arg15[%broadcast_in_dim3A_1081] : memref<16xf32, #tpu.memory_space<vmem>>[vector<16xi32>], vector<16xf32>,
    %swap3A_1083 = arith.constant 10 : i32
    %swap3A_1084 = arith.index_cast %swap3A_1083 : i32 to index
    %swap3A_1085 = arith.constant 0 : index
    %swap3A_1086 = tpu.vector_load %arg12[%swap3A_1084, %swap3A_1085] {strides = array<i32>} : memref<16x16xf32, #tpu.memory_space<vmem>>, vector<16xf32>,
    tpu.vector_store %arg12[%swap3A_1084, %swap3A_1085], %gather3A_1082 {strides = array<i32>} : memref<16x16xf32, #tpu.memory_space<vmem>>, vector<16xf32>,
    %broadcast_in_dim3A_1087 = arith.constant 11 : i32
    %broadcast_in_dim3A_1088 = vector.broadcast %broadcast_in_dim3A_1087 : i32 to vector<16xi32>
    %gather3A_1089 = tpu.vector_load_idx %arg15[%broadcast_in_dim3A_1088] : memref<16xf32, #tpu.memory_space<vmem>>[vector<16xi32>], vector<16xf32>,
    %swap3A_1090 = arith.constant 11 : i32
    %swap3A_1091 = arith.index_cast %swap3A_1090 : i32 to index
    %swap3A_1092 = arith.constant 0 : index
    %swap3A_1093 = tpu.vector_load %arg12[%swap3A_1091, %swap3A_1092] {strides = array<i32>} : memref<16x16xf32, #tpu.memory_space<vmem>>, vector<16xf32>,
    tpu.vector_store %arg12[%swap3A_1091, %swap3A_1092], %gather3A_1089 {strides = array<i32>} : memref<16x16xf32, #tpu.memory_space<vmem>>, vector<16xf32>,
    %broadcast_in_dim3A_1094 = arith.constant 12 : i32
    %broadcast_in_dim3A_1095 = vector.broadcast %broadcast_in_dim3A_1094 : i32 to vector<16xi32>
    %gather3A_1096 = tpu.vector_load_idx %arg15[%broadcast_in_dim3A_1095] : memref<16xf32, #tpu.memory_space<vmem>>[vector<16xi32>], vector<16xf32>,
    %swap3A_1097 = arith.constant 12 : i32
    %swap3A_1098 = arith.index_cast %swap3A_1097 : i32 to index
    %swap3A_1099 = arith.constant 0 : index
    %swap3A_1100 = tpu.vector_load %arg12[%swap3A_1098, %swap3A_1099] {strides = array<i32>} : memref<16x16xf32, #tpu.memory_space<vmem>>, vector<16xf32>,
    tpu.vector_store %arg12[%swap3A_1098, %swap3A_1099], %gather3A_1096 {strides = array<i32>} : memref<16x16xf32, #tpu.memory_space<vmem>>, vector<16xf32>,
    %broadcast_in_dim3A_1101 = arith.constant 13 : i32
    %broadcast_in_dim3A_1102 = vector.broadcast %broadcast_in_dim3A_1101 : i32 to vector<16xi32>
    %gather3A_1103 = tpu.vector_load_idx %arg15[%broadcast_in_dim3A_1102] : memref<16xf32, #tpu.memory_space<vmem>>[vector<16xi32>], vector<16xf32>,
    %swap3A_1104 = arith.constant 13 : i32
    %swap3A_1105 = arith.index_cast %swap3A_1104 : i32 to index
    %swap3A_1106 = arith.constant 0 : index
    %swap3A_1107 = tpu.vector_load %arg12[%swap3A_1105, %swap3A_1106] {strides = array<i32>} : memref<16x16xf32, #tpu.memory_space<vmem>>, vector<16xf32>,
    tpu.vector_store %arg12[%swap3A_1105, %swap3A_1106], %gather3A_1103 {strides = array<i32>} : memref<16x16xf32, #tpu.memory_space<vmem>>, vector<16xf32>,
    %broadcast_in_dim3A_1108 = arith.constant 14 : i32
    %broadcast_in_dim3A_1109 = vector.broadcast %broadcast_in_dim3A_1108 : i32 to vector<16xi32>
    %gather3A_1110 = tpu.vector_load_idx %arg15[%broadcast_in_dim3A_1109] : memref<16xf32, #tpu.memory_space<vmem>>[vector<16xi32>], vector<16xf32>,
    %swap3A_1111 = arith.constant 14 : i32
    %swap3A_1112 = arith.index_cast %swap3A_1111 : i32 to index
    %swap3A_1113 = arith.constant 0 : index
    %swap3A_1114 = tpu.vector_load %arg12[%swap3A_1112, %swap3A_1113] {strides = array<i32>} : memref<16x16xf32, #tpu.memory_space<vmem>>, vector<16xf32>,
    tpu.vector_store %arg12[%swap3A_1112, %swap3A_1113], %gather3A_1110 {strides = array<i32>} : memref<16x16xf32, #tpu.memory_space<vmem>>, vector<16xf32>,
    %broadcast_in_dim3A_1115 = arith.constant 15 : i32
    %broadcast_in_dim3A_1116 = vector.broadcast %broadcast_in_dim3A_1115 : i32 to vector<16xi32>
    %gather3A_1117 = tpu.vector_load_idx %arg15[%broadcast_in_dim3A_1116] : memref<16xf32, #tpu.memory_space<vmem>>[vector<16xi32>], vector<16xf32>,
    %swap3A_1118 = arith.constant 15 : i32
    %swap3A_1119 = arith.index_cast %swap3A_1118 : i32 to index
    %swap3A_1120 = arith.constant 0 : index
    %swap3A_1121 = tpu.vector_load %arg12[%swap3A_1119, %swap3A_1120] {strides = array<i32>} : memref<16x16xf32, #tpu.memory_space<vmem>>, vector<16xf32>,
    tpu.vector_store %arg12[%swap3A_1119, %swap3A_1120], %gather3A_1117 {strides = array<i32>} : memref<16x16xf32, #tpu.memory_space<vmem>>, vector<16xf32>,
    "tpu.region"() ({
      %run_scoped3A = tpu.sem_alloc : memref<!tpu.dma_semaphore, #tpu.memory_space<semaphore_mem>>
      %dma_start3A_2031 = arith.constant 0 : i32
      %dma_start3A_2032 = arith.constant 0 : i32
      %dma_start3A_2033 = tpu.memref_slice %arg7[%add3A, %dma_start3A_2031, %dma_start3A_2032] : memref<32x16x16xf32, #tpu.memory_space<hbm>> -> memref<1x16x16xf32, #tpu.memory_space<hbm>>
      %dma_start3A_2034 = tpu.memref_squeeze %dma_start3A_2033 : memref<1x16x16xf32, #tpu.memory_space<hbm>> -> memref<16x16xf32, #tpu.memory_space<hbm>>
      %dma_start3A_2035 = arith.constant 0 : i32
      %dma_start3A_2036 = arith.constant 0 : i32
      %dma_start3A_2037 = tpu.memref_slice %arg7[%add3A, %dma_start3A_2035, %dma_start3A_2036] : memref<32x16x16xf32, #tpu.memory_space<hbm>> -> memref<1x16x16xf32, #tpu.memory_space<hbm>>
      %dma_start3A_2038 = tpu.memref_squeeze %dma_start3A_2037 : memref<1x16x16xf32, #tpu.memory_space<hbm>> -> memref<16x16xf32, #tpu.memory_space<hbm>>
      tpu.enqueue_dma source(%arg12 : memref<16x16xf32, #tpu.memory_space<vmem>>) target(%dma_start3A_2038 : memref<16x16xf32, #tpu.memory_space<hbm>>) target_semaphore(%run_scoped3A : memref<!tpu.dma_semaphore, #tpu.memory_space<semaphore_mem>>)
      %dma_wait3A_2039 = arith.constant 0 : i32
      %dma_wait3A_2040 = arith.constant 0 : i32
      %dma_wait3A_2041 = tpu.memref_slice %arg7[%add3A, %dma_wait3A_2039, %dma_wait3A_2040] : memref<32x16x16xf32, #tpu.memory_space<hbm>> -> memref<1x16x16xf32, #tpu.memory_space<hbm>>
      %dma_wait3A_2042 = tpu.memref_squeeze %dma_wait3A_2041 : memref<1x16x16xf32, #tpu.memory_space<hbm>> -> memref<16x16xf32, #tpu.memory_space<hbm>>
      %dma_wait3A_2043 = arith.constant 0 : i32
      %dma_wait3A_2044 = arith.constant 0 : i32
      %dma_wait3A_2045 = tpu.memref_slice %arg7[%add3A, %dma_wait3A_2043, %dma_wait3A_2044] : memref<32x16x16xf32, #tpu.memory_space<hbm>> -> memref<1x16x16xf32, #tpu.memory_space<hbm>>
      %dma_wait3A_2046 = tpu.memref_squeeze %dma_wait3A_2045 : memref<1x16x16xf32, #tpu.memory_space<hbm>> -> memref<16x16xf32, #tpu.memory_space<hbm>>
      tpu.wait_dma2 semaphore(%run_scoped3A : memref<!tpu.dma_semaphore, #tpu.memory_space<semaphore_mem>>) src(%arg12 : memref<16x16xf32, #tpu.memory_space<vmem>>) dst(%dma_wait3A_2046 : memref<16x16xf32, #tpu.memory_space<hbm>>)
      tpu.yield
    }) : () -> ()
    %dma_start3A_1122 = arith.constant 0 : i32
    %dma_start3A_1123 = arith.constant 0 : i32
    %dma_start3A_1124 = tpu.memref_slice %arg4[%dma_start3A_1122, %dma_start3A_1123] : memref<1025x128xf32, #tpu.memory_space<hbm>> -> memref<1025x128xf32, #tpu.memory_space<hbm>>
    tpu.enqueue_indirect_dma source(%dma_start3A_1124 : memref<1025x128xf32, #tpu.memory_space<hbm>>) target(%arg10 : memref<16x128xf32, #tpu.memory_space<vmem>>) offsets(%arg11 : memref<16xi32, #tpu.memory_space<vmem>>) semaphore(%arg18 : memref<!tpu.dma_semaphore, #tpu.memory_space<semaphore_mem>>)
    %dma_wait3A_1125 = arith.constant 0 : i32
    %dma_wait3A_1126 = arith.constant 0 : i32
    %dma_wait3A_1127 = tpu.memref_slice %arg4[%dma_wait3A_1125, %dma_wait3A_1126] : memref<1025x128xf32, #tpu.memory_space<hbm>> -> memref<1025x128xf32, #tpu.memory_space<hbm>>
    tpu.wait_indirect_dma semaphore(%arg18 : memref<!tpu.dma_semaphore, #tpu.memory_space<semaphore_mem>>) src(%dma_wait3A_1127 : memref<1025x128xf32, #tpu.memory_space<hbm>>) dst(%arg10 : memref<16x128xf32, #tpu.memory_space<vmem>>)
    %dma_wait3A_1128 = arith.constant 0 : i32
    %dma_wait3A_1129 = arith.constant 0 : i32
    %dma_wait3A_1130 = tpu.memref_slice %arg3[%add3A, %dma_wait3A_1128, %dma_wait3A_1129] : memref<32x16x64xf32, #tpu.memory_space<hbm>> -> memref<1x16x64xf32, #tpu.memory_space<hbm>>
    %dma_wait3A_1131 = tpu.memref_squeeze %dma_wait3A_1130 : memref<1x16x64xf32, #tpu.memory_space<hbm>> -> memref<16x64xf32, #tpu.memory_space<hbm>>
    %dma_wait3A_1132 = arith.constant 0 : i32
    %dma_wait3A_1133 = arith.constant 0 : i32
    %dma_wait3A_1134 = tpu.memref_slice %arg3[%add3A, %dma_wait3A_1132, %dma_wait3A_1133] : memref<32x16x64xf32, #tpu.memory_space<hbm>> -> memref<1x16x64xf32, #tpu.memory_space<hbm>>
    %dma_wait3A_1135 = tpu.memref_squeeze %dma_wait3A_1134 : memref<1x16x64xf32, #tpu.memory_space<hbm>> -> memref<16x64xf32, #tpu.memory_space<hbm>>
    tpu.wait_dma2 semaphore(%arg17 : memref<!tpu.dma_semaphore, #tpu.memory_space<semaphore_mem>>) src(%dma_wait3A_1135 : memref<16x64xf32, #tpu.memory_space<hbm>>) dst(%arg9 : memref<16x64xf32, #tpu.memory_space<vmem>>)
    %get3A_1136 = arith.constant 0 : i32
    %get3A_1137 = arith.index_cast %get3A_1136 : i32 to index
    %get3A_1138 = arith.constant 0 : index
    %get3A_1139 = tpu.vector_load %arg9[%get3A_1137, %get3A_1138] {strides = array<i32>} : memref<16x64xf32, #tpu.memory_space<vmem>>, vector<16xf32>,
    %get3A_1140 = arith.constant 0 : i32
    %get3A_1141 = arith.index_cast %get3A_1140 : i32 to index
    %get3A_1142 = arith.constant 0 : index
    %get3A_1143 = tpu.vector_load %arg10[%get3A_1141, %get3A_1142] {strides = array<i32>} : memref<16x128xf32, #tpu.memory_space<vmem>>, vector<16xf32>,
    %sub3A = arith.subf %get3A_1143, %get3A_1139 : vector<16xf32>
    %add3A_1144 = arith.addf %get3A_1139, %sub3A : vector<16xf32>
    %swap3A_1145 = arith.constant 0 : i32
    %swap3A_1146 = arith.index_cast %swap3A_1145 : i32 to index
    %swap3A_1147 = arith.constant 0 : index
    %swap3A_1148 = tpu.vector_load %arg9[%swap3A_1146, %swap3A_1147] {strides = array<i32>} : memref<16x64xf32, #tpu.memory_space<vmem>>, vector<16xf32>,
    tpu.vector_store %arg9[%swap3A_1146, %swap3A_1147], %add3A_1144 {strides = array<i32>} : memref<16x64xf32, #tpu.memory_space<vmem>>, vector<16xf32>,
    %get3A_1149 = arith.constant 0 : i32
    %get3A_1150 = arith.index_cast %get3A_1149 : i32 to index
    %get3A_1151 = arith.constant 16 : index
    %get3A_1152 = tpu.vector_load %arg9[%get3A_1150, %get3A_1151] {strides = array<i32>} : memref<16x64xf32, #tpu.memory_space<vmem>>, vector<16xf32>,
    %get3A_1153 = arith.constant 0 : i32
    %get3A_1154 = arith.index_cast %get3A_1153 : i32 to index
    %get3A_1155 = arith.constant 16 : index
    %get3A_1156 = tpu.vector_load %arg10[%get3A_1154, %get3A_1155] {strides = array<i32>} : memref<16x128xf32, #tpu.memory_space<vmem>>, vector<16xf32>,
    %sub3A_1157 = arith.subf %get3A_1156, %get3A_1152 : vector<16xf32>
    %add3A_1158 = arith.addf %get3A_1152, %sub3A_1157 : vector<16xf32>
    %swap3A_1159 = arith.constant 0 : i32
    %swap3A_1160 = arith.index_cast %swap3A_1159 : i32 to index
    %swap3A_1161 = arith.constant 16 : index
    %swap3A_1162 = tpu.vector_load %arg9[%swap3A_1160, %swap3A_1161] {strides = array<i32>} : memref<16x64xf32, #tpu.memory_space<vmem>>, vector<16xf32>,
    tpu.vector_store %arg9[%swap3A_1160, %swap3A_1161], %add3A_1158 {strides = array<i32>} : memref<16x64xf32, #tpu.memory_space<vmem>>, vector<16xf32>,
    %get3A_1163 = arith.constant 0 : i32
    %get3A_1164 = arith.index_cast %get3A_1163 : i32 to index
    %get3A_1165 = arith.constant 32 : index
    %get3A_1166 = tpu.vector_load %arg9[%get3A_1164, %get3A_1165] {strides = array<i32>} : memref<16x64xf32, #tpu.memory_space<vmem>>, vector<16xf32>,
    %get3A_1167 = arith.constant 0 : i32
    %get3A_1168 = arith.index_cast %get3A_1167 : i32 to index
    %get3A_1169 = arith.constant 32 : index
    %get3A_1170 = tpu.vector_load %arg10[%get3A_1168, %get3A_1169] {strides = array<i32>} : memref<16x128xf32, #tpu.memory_space<vmem>>, vector<16xf32>,
    %sub3A_1171 = arith.subf %get3A_1170, %get3A_1166 : vector<16xf32>
    %add3A_1172 = arith.addf %get3A_1166, %sub3A_1171 : vector<16xf32>
    %swap3A_1173 = arith.constant 0 : i32
    %swap3A_1174 = arith.index_cast %swap3A_1173 : i32 to index
    %swap3A_1175 = arith.constant 32 : index
    %swap3A_1176 = tpu.vector_load %arg9[%swap3A_1174, %swap3A_1175] {strides = array<i32>} : memref<16x64xf32, #tpu.memory_space<vmem>>, vector<16xf32>,
    tpu.vector_store %arg9[%swap3A_1174, %swap3A_1175], %add3A_1172 {strides = array<i32>} : memref<16x64xf32, #tpu.memory_space<vmem>>, vector<16xf32>,
    %get3A_1177 = arith.constant 0 : i32
    %get3A_1178 = arith.index_cast %get3A_1177 : i32 to index
    %get3A_1179 = arith.constant 48 : index
    %get3A_1180 = tpu.vector_load %arg9[%get3A_1178, %get3A_1179] {strides = array<i32>} : memref<16x64xf32, #tpu.memory_space<vmem>>, vector<16xf32>,
    %get3A_1181 = arith.constant 0 : i32
    %get3A_1182 = arith.index_cast %get3A_1181 : i32 to index
    %get3A_1183 = arith.constant 48 : index
    %get3A_1184 = tpu.vector_load %arg10[%get3A_1182, %get3A_1183] {strides = array<i32>} : memref<16x128xf32, #tpu.memory_space<vmem>>, vector<16xf32>,
    %sub3A_1185 = arith.subf %get3A_1184, %get3A_1180 : vector<16xf32>
    %add3A_1186 = arith.addf %get3A_1180, %sub3A_1185 : vector<16xf32>
    %swap3A_1187 = arith.constant 0 : i32
    %swap3A_1188 = arith.index_cast %swap3A_1187 : i32 to index
    %swap3A_1189 = arith.constant 48 : index
    %swap3A_1190 = tpu.vector_load %arg9[%swap3A_1188, %swap3A_1189] {strides = array<i32>} : memref<16x64xf32, #tpu.memory_space<vmem>>, vector<16xf32>,
    tpu.vector_store %arg9[%swap3A_1188, %swap3A_1189], %add3A_1186 {strides = array<i32>} : memref<16x64xf32, #tpu.memory_space<vmem>>, vector<16xf32>,
    %get3A_1191 = arith.constant 1 : i32
    %get3A_1192 = arith.index_cast %get3A_1191 : i32 to index
    %get3A_1193 = arith.constant 0 : index
    %get3A_1194 = tpu.vector_load %arg9[%get3A_1192, %get3A_1193] {strides = array<i32>} : memref<16x64xf32, #tpu.memory_space<vmem>>, vector<16xf32>,
    %get3A_1195 = arith.constant 1 : i32
    %get3A_1196 = arith.index_cast %get3A_1195 : i32 to index
    %get3A_1197 = arith.constant 0 : index
    %get3A_1198 = tpu.vector_load %arg10[%get3A_1196, %get3A_1197] {strides = array<i32>} : memref<16x128xf32, #tpu.memory_space<vmem>>, vector<16xf32>,
    %sub3A_1199 = arith.subf %get3A_1198, %get3A_1194 : vector<16xf32>
    %add3A_1200 = arith.addf %get3A_1194, %sub3A_1199 : vector<16xf32>
    %swap3A_1201 = arith.constant 1 : i32
    %swap3A_1202 = arith.index_cast %swap3A_1201 : i32 to index
    %swap3A_1203 = arith.constant 0 : index
    %swap3A_1204 = tpu.vector_load %arg9[%swap3A_1202, %swap3A_1203] {strides = array<i32>} : memref<16x64xf32, #tpu.memory_space<vmem>>, vector<16xf32>,
    tpu.vector_store %arg9[%swap3A_1202, %swap3A_1203], %add3A_1200 {strides = array<i32>} : memref<16x64xf32, #tpu.memory_space<vmem>>, vector<16xf32>,
    %get3A_1205 = arith.constant 1 : i32
    %get3A_1206 = arith.index_cast %get3A_1205 : i32 to index
    %get3A_1207 = arith.constant 16 : index
    %get3A_1208 = tpu.vector_load %arg9[%get3A_1206, %get3A_1207] {strides = array<i32>} : memref<16x64xf32, #tpu.memory_space<vmem>>, vector<16xf32>,
    %get3A_1209 = arith.constant 1 : i32
    %get3A_1210 = arith.index_cast %get3A_1209 : i32 to index
    %get3A_1211 = arith.constant 16 : index
    %get3A_1212 = tpu.vector_load %arg10[%get3A_1210, %get3A_1211] {strides = array<i32>} : memref<16x128xf32, #tpu.memory_space<vmem>>, vector<16xf32>,
    %sub3A_1213 = arith.subf %get3A_1212, %get3A_1208 : vector<16xf32>
    %add3A_1214 = arith.addf %get3A_1208, %sub3A_1213 : vector<16xf32>
    %swap3A_1215 = arith.constant 1 : i32
    %swap3A_1216 = arith.index_cast %swap3A_1215 : i32 to index
    %swap3A_1217 = arith.constant 16 : index
    %swap3A_1218 = tpu.vector_load %arg9[%swap3A_1216, %swap3A_1217] {strides = array<i32>} : memref<16x64xf32, #tpu.memory_space<vmem>>, vector<16xf32>,
    tpu.vector_store %arg9[%swap3A_1216, %swap3A_1217], %add3A_1214 {strides = array<i32>} : memref<16x64xf32, #tpu.memory_space<vmem>>, vector<16xf32>,
    %get3A_1219 = arith.constant 1 : i32
    %get3A_1220 = arith.index_cast %get3A_1219 : i32 to index
    %get3A_1221 = arith.constant 32 : index
    %get3A_1222 = tpu.vector_load %arg9[%get3A_1220, %get3A_1221] {strides = array<i32>} : memref<16x64xf32, #tpu.memory_space<vmem>>, vector<16xf32>,
    %get3A_1223 = arith.constant 1 : i32
    %get3A_1224 = arith.index_cast %get3A_1223 : i32 to index
    %get3A_1225 = arith.constant 32 : index
    %get3A_1226 = tpu.vector_load %arg10[%get3A_1224, %get3A_1225] {strides = array<i32>} : memref<16x128xf32, #tpu.memory_space<vmem>>, vector<16xf32>,
    %sub3A_1227 = arith.subf %get3A_1226, %get3A_1222 : vector<16xf32>
    %add3A_1228 = arith.addf %get3A_1222, %sub3A_1227 : vector<16xf32>
    %swap3A_1229 = arith.constant 1 : i32
    %swap3A_1230 = arith.index_cast %swap3A_1229 : i32 to index
    %swap3A_1231 = arith.constant 32 : index
    %swap3A_1232 = tpu.vector_load %arg9[%swap3A_1230, %swap3A_1231] {strides = array<i32>} : memref<16x64xf32, #tpu.memory_space<vmem>>, vector<16xf32>,
    tpu.vector_store %arg9[%swap3A_1230, %swap3A_1231], %add3A_1228 {strides = array<i32>} : memref<16x64xf32, #tpu.memory_space<vmem>>, vector<16xf32>,
    %get3A_1233 = arith.constant 1 : i32
    %get3A_1234 = arith.index_cast %get3A_1233 : i32 to index
    %get3A_1235 = arith.constant 48 : index
    %get3A_1236 = tpu.vector_load %arg9[%get3A_1234, %get3A_1235] {strides = array<i32>} : memref<16x64xf32, #tpu.memory_space<vmem>>, vector<16xf32>,
    %get3A_1237 = arith.constant 1 : i32
    %get3A_1238 = arith.index_cast %get3A_1237 : i32 to index
    %get3A_1239 = arith.constant 48 : index
    %get3A_1240 = tpu.vector_load %arg10[%get3A_1238, %get3A_1239] {strides = array<i32>} : memref<16x128xf32, #tpu.memory_space<vmem>>, vector<16xf32>,
    %sub3A_1241 = arith.subf %get3A_1240, %get3A_1236 : vector<16xf32>
    %add3A_1242 = arith.addf %get3A_1236, %sub3A_1241 : vector<16xf32>
    %swap3A_1243 = arith.constant 1 : i32
    %swap3A_1244 = arith.index_cast %swap3A_1243 : i32 to index
    %swap3A_1245 = arith.constant 48 : index
    %swap3A_1246 = tpu.vector_load %arg9[%swap3A_1244, %swap3A_1245] {strides = array<i32>} : memref<16x64xf32, #tpu.memory_space<vmem>>, vector<16xf32>,
    tpu.vector_store %arg9[%swap3A_1244, %swap3A_1245], %add3A_1242 {strides = array<i32>} : memref<16x64xf32, #tpu.memory_space<vmem>>, vector<16xf32>,
    %get3A_1247 = arith.constant 2 : i32
    %get3A_1248 = arith.index_cast %get3A_1247 : i32 to index
    %get3A_1249 = arith.constant 0 : index
    %get3A_1250 = tpu.vector_load %arg9[%get3A_1248, %get3A_1249] {strides = array<i32>} : memref<16x64xf32, #tpu.memory_space<vmem>>, vector<16xf32>,
    %get3A_1251 = arith.constant 2 : i32
    %get3A_1252 = arith.index_cast %get3A_1251 : i32 to index
    %get3A_1253 = arith.constant 0 : index
    %get3A_1254 = tpu.vector_load %arg10[%get3A_1252, %get3A_1253] {strides = array<i32>} : memref<16x128xf32, #tpu.memory_space<vmem>>, vector<16xf32>,
    %sub3A_1255 = arith.subf %get3A_1254, %get3A_1250 : vector<16xf32>
    %add3A_1256 = arith.addf %get3A_1250, %sub3A_1255 : vector<16xf32>
    %swap3A_1257 = arith.constant 2 : i32
    %swap3A_1258 = arith.index_cast %swap3A_1257 : i32 to index
    %swap3A_1259 = arith.constant 0 : index
    %swap3A_1260 = tpu.vector_load %arg9[%swap3A_1258, %swap3A_1259] {strides = array<i32>} : memref<16x64xf32, #tpu.memory_space<vmem>>, vector<16xf32>,
    tpu.vector_store %arg9[%swap3A_1258, %swap3A_1259], %add3A_1256 {strides = array<i32>} : memref<16x64xf32, #tpu.memory_space<vmem>>, vector<16xf32>,
    %get3A_1261 = arith.constant 2 : i32
    %get3A_1262 = arith.index_cast %get3A_1261 : i32 to index
    %get3A_1263 = arith.constant 16 : index
    %get3A_1264 = tpu.vector_load %arg9[%get3A_1262, %get3A_1263] {strides = array<i32>} : memref<16x64xf32, #tpu.memory_space<vmem>>, vector<16xf32>,
    %get3A_1265 = arith.constant 2 : i32
    %get3A_1266 = arith.index_cast %get3A_1265 : i32 to index
    %get3A_1267 = arith.constant 16 : index
    %get3A_1268 = tpu.vector_load %arg10[%get3A_1266, %get3A_1267] {strides = array<i32>} : memref<16x128xf32, #tpu.memory_space<vmem>>, vector<16xf32>,
    %sub3A_1269 = arith.subf %get3A_1268, %get3A_1264 : vector<16xf32>
    %add3A_1270 = arith.addf %get3A_1264, %sub3A_1269 : vector<16xf32>
    %swap3A_1271 = arith.constant 2 : i32
    %swap3A_1272 = arith.index_cast %swap3A_1271 : i32 to index
    %swap3A_1273 = arith.constant 16 : index
    %swap3A_1274 = tpu.vector_load %arg9[%swap3A_1272, %swap3A_1273] {strides = array<i32>} : memref<16x64xf32, #tpu.memory_space<vmem>>, vector<16xf32>,
    tpu.vector_store %arg9[%swap3A_1272, %swap3A_1273], %add3A_1270 {strides = array<i32>} : memref<16x64xf32, #tpu.memory_space<vmem>>, vector<16xf32>,
    %get3A_1275 = arith.constant 2 : i32
    %get3A_1276 = arith.index_cast %get3A_1275 : i32 to index
    %get3A_1277 = arith.constant 32 : index
    %get3A_1278 = tpu.vector_load %arg9[%get3A_1276, %get3A_1277] {strides = array<i32>} : memref<16x64xf32, #tpu.memory_space<vmem>>, vector<16xf32>,
    %get3A_1279 = arith.constant 2 : i32
    %get3A_1280 = arith.index_cast %get3A_1279 : i32 to index
    %get3A_1281 = arith.constant 32 : index
    %get3A_1282 = tpu.vector_load %arg10[%get3A_1280, %get3A_1281] {strides = array<i32>} : memref<16x128xf32, #tpu.memory_space<vmem>>, vector<16xf32>,
    %sub3A_1283 = arith.subf %get3A_1282, %get3A_1278 : vector<16xf32>
    %add3A_1284 = arith.addf %get3A_1278, %sub3A_1283 : vector<16xf32>
    %swap3A_1285 = arith.constant 2 : i32
    %swap3A_1286 = arith.index_cast %swap3A_1285 : i32 to index
    %swap3A_1287 = arith.constant 32 : index
    %swap3A_1288 = tpu.vector_load %arg9[%swap3A_1286, %swap3A_1287] {strides = array<i32>} : memref<16x64xf32, #tpu.memory_space<vmem>>, vector<16xf32>,
    tpu.vector_store %arg9[%swap3A_1286, %swap3A_1287], %add3A_1284 {strides = array<i32>} : memref<16x64xf32, #tpu.memory_space<vmem>>, vector<16xf32>,
    %get3A_1289 = arith.constant 2 : i32
    %get3A_1290 = arith.index_cast %get3A_1289 : i32 to index
    %get3A_1291 = arith.constant 48 : index
    %get3A_1292 = tpu.vector_load %arg9[%get3A_1290, %get3A_1291] {strides = array<i32>} : memref<16x64xf32, #tpu.memory_space<vmem>>, vector<16xf32>,
    %get3A_1293 = arith.constant 2 : i32
    %get3A_1294 = arith.index_cast %get3A_1293 : i32 to index
    %get3A_1295 = arith.constant 48 : index
    %get3A_1296 = tpu.vector_load %arg10[%get3A_1294, %get3A_1295] {strides = array<i32>} : memref<16x128xf32, #tpu.memory_space<vmem>>, vector<16xf32>,
    %sub3A_1297 = arith.subf %get3A_1296, %get3A_1292 : vector<16xf32>
    %add3A_1298 = arith.addf %get3A_1292, %sub3A_1297 : vector<16xf32>
    %swap3A_1299 = arith.constant 2 : i32
    %swap3A_1300 = arith.index_cast %swap3A_1299 : i32 to index
    %swap3A_1301 = arith.constant 48 : index
    %swap3A_1302 = tpu.vector_load %arg9[%swap3A_1300, %swap3A_1301] {strides = array<i32>} : memref<16x64xf32, #tpu.memory_space<vmem>>, vector<16xf32>,
    tpu.vector_store %arg9[%swap3A_1300, %swap3A_1301], %add3A_1298 {strides = array<i32>} : memref<16x64xf32, #tpu.memory_space<vmem>>, vector<16xf32>,
    %get3A_1303 = arith.constant 3 : i32
    %get3A_1304 = arith.index_cast %get3A_1303 : i32 to index
    %get3A_1305 = arith.constant 0 : index
    %get3A_1306 = tpu.vector_load %arg9[%get3A_1304, %get3A_1305] {strides = array<i32>} : memref<16x64xf32, #tpu.memory_space<vmem>>, vector<16xf32>,
    %get3A_1307 = arith.constant 3 : i32
    %get3A_1308 = arith.index_cast %get3A_1307 : i32 to index
    %get3A_1309 = arith.constant 0 : index
    %get3A_1310 = tpu.vector_load %arg10[%get3A_1308, %get3A_1309] {strides = array<i32>} : memref<16x128xf32, #tpu.memory_space<vmem>>, vector<16xf32>,
    %sub3A_1311 = arith.subf %get3A_1310, %get3A_1306 : vector<16xf32>
    %add3A_1312 = arith.addf %get3A_1306, %sub3A_1311 : vector<16xf32>
    %swap3A_1313 = arith.constant 3 : i32
    %swap3A_1314 = arith.index_cast %swap3A_1313 : i32 to index
    %swap3A_1315 = arith.constant 0 : index
    %swap3A_1316 = tpu.vector_load %arg9[%swap3A_1314, %swap3A_1315] {strides = array<i32>} : memref<16x64xf32, #tpu.memory_space<vmem>>, vector<16xf32>,
    tpu.vector_store %arg9[%swap3A_1314, %swap3A_1315], %add3A_1312 {strides = array<i32>} : memref<16x64xf32, #tpu.memory_space<vmem>>, vector<16xf32>,
    %get3A_1317 = arith.constant 3 : i32
    %get3A_1318 = arith.index_cast %get3A_1317 : i32 to index
    %get3A_1319 = arith.constant 16 : index
    %get3A_1320 = tpu.vector_load %arg9[%get3A_1318, %get3A_1319] {strides = array<i32>} : memref<16x64xf32, #tpu.memory_space<vmem>>, vector<16xf32>,
    %get3A_1321 = arith.constant 3 : i32
    %get3A_1322 = arith.index_cast %get3A_1321 : i32 to index
    %get3A_1323 = arith.constant 16 : index
    %get3A_1324 = tpu.vector_load %arg10[%get3A_1322, %get3A_1323] {strides = array<i32>} : memref<16x128xf32, #tpu.memory_space<vmem>>, vector<16xf32>,
    %sub3A_1325 = arith.subf %get3A_1324, %get3A_1320 : vector<16xf32>
    %add3A_1326 = arith.addf %get3A_1320, %sub3A_1325 : vector<16xf32>
    %swap3A_1327 = arith.constant 3 : i32
    %swap3A_1328 = arith.index_cast %swap3A_1327 : i32 to index
    %swap3A_1329 = arith.constant 16 : index
    %swap3A_1330 = tpu.vector_load %arg9[%swap3A_1328, %swap3A_1329] {strides = array<i32>} : memref<16x64xf32, #tpu.memory_space<vmem>>, vector<16xf32>,
    tpu.vector_store %arg9[%swap3A_1328, %swap3A_1329], %add3A_1326 {strides = array<i32>} : memref<16x64xf32, #tpu.memory_space<vmem>>, vector<16xf32>,
    %get3A_1331 = arith.constant 3 : i32
    %get3A_1332 = arith.index_cast %get3A_1331 : i32 to index
    %get3A_1333 = arith.constant 32 : index
    %get3A_1334 = tpu.vector_load %arg9[%get3A_1332, %get3A_1333] {strides = array<i32>} : memref<16x64xf32, #tpu.memory_space<vmem>>, vector<16xf32>,
    %get3A_1335 = arith.constant 3 : i32
    %get3A_1336 = arith.index_cast %get3A_1335 : i32 to index
    %get3A_1337 = arith.constant 32 : index
    %get3A_1338 = tpu.vector_load %arg10[%get3A_1336, %get3A_1337] {strides = array<i32>} : memref<16x128xf32, #tpu.memory_space<vmem>>, vector<16xf32>,
    %sub3A_1339 = arith.subf %get3A_1338, %get3A_1334 : vector<16xf32>
    %add3A_1340 = arith.addf %get3A_1334, %sub3A_1339 : vector<16xf32>
    %swap3A_1341 = arith.constant 3 : i32
    %swap3A_1342 = arith.index_cast %swap3A_1341 : i32 to index
    %swap3A_1343 = arith.constant 32 : index
    %swap3A_1344 = tpu.vector_load %arg9[%swap3A_1342, %swap3A_1343] {strides = array<i32>} : memref<16x64xf32, #tpu.memory_space<vmem>>, vector<16xf32>,
    tpu.vector_store %arg9[%swap3A_1342, %swap3A_1343], %add3A_1340 {strides = array<i32>} : memref<16x64xf32, #tpu.memory_space<vmem>>, vector<16xf32>,
    %get3A_1345 = arith.constant 3 : i32
    %get3A_1346 = arith.index_cast %get3A_1345 : i32 to index
    %get3A_1347 = arith.constant 48 : index
    %get3A_1348 = tpu.vector_load %arg9[%get3A_1346, %get3A_1347] {strides = array<i32>} : memref<16x64xf32, #tpu.memory_space<vmem>>, vector<16xf32>,
    %get3A_1349 = arith.constant 3 : i32
    %get3A_1350 = arith.index_cast %get3A_1349 : i32 to index
    %get3A_1351 = arith.constant 48 : index
    %get3A_1352 = tpu.vector_load %arg10[%get3A_1350, %get3A_1351] {strides = array<i32>} : memref<16x128xf32, #tpu.memory_space<vmem>>, vector<16xf32>,
    %sub3A_1353 = arith.subf %get3A_1352, %get3A_1348 : vector<16xf32>
    %add3A_1354 = arith.addf %get3A_1348, %sub3A_1353 : vector<16xf32>
    %swap3A_1355 = arith.constant 3 : i32
    %swap3A_1356 = arith.index_cast %swap3A_1355 : i32 to index
    %swap3A_1357 = arith.constant 48 : index
    %swap3A_1358 = tpu.vector_load %arg9[%swap3A_1356, %swap3A_1357] {strides = array<i32>} : memref<16x64xf32, #tpu.memory_space<vmem>>, vector<16xf32>,
    tpu.vector_store %arg9[%swap3A_1356, %swap3A_1357], %add3A_1354 {strides = array<i32>} : memref<16x64xf32, #tpu.memory_space<vmem>>, vector<16xf32>,
    %get3A_1359 = arith.constant 4 : i32
    %get3A_1360 = arith.index_cast %get3A_1359 : i32 to index
    %get3A_1361 = arith.constant 0 : index
    %get3A_1362 = tpu.vector_load %arg9[%get3A_1360, %get3A_1361] {strides = array<i32>} : memref<16x64xf32, #tpu.memory_space<vmem>>, vector<16xf32>,
    %get3A_1363 = arith.constant 4 : i32
    %get3A_1364 = arith.index_cast %get3A_1363 : i32 to index
    %get3A_1365 = arith.constant 0 : index
    %get3A_1366 = tpu.vector_load %arg10[%get3A_1364, %get3A_1365] {strides = array<i32>} : memref<16x128xf32, #tpu.memory_space<vmem>>, vector<16xf32>,
    %sub3A_1367 = arith.subf %get3A_1366, %get3A_1362 : vector<16xf32>
    %add3A_1368 = arith.addf %get3A_1362, %sub3A_1367 : vector<16xf32>
    %swap3A_1369 = arith.constant 4 : i32
    %swap3A_1370 = arith.index_cast %swap3A_1369 : i32 to index
    %swap3A_1371 = arith.constant 0 : index
    %swap3A_1372 = tpu.vector_load %arg9[%swap3A_1370, %swap3A_1371] {strides = array<i32>} : memref<16x64xf32, #tpu.memory_space<vmem>>, vector<16xf32>,
    tpu.vector_store %arg9[%swap3A_1370, %swap3A_1371], %add3A_1368 {strides = array<i32>} : memref<16x64xf32, #tpu.memory_space<vmem>>, vector<16xf32>,
    %get3A_1373 = arith.constant 4 : i32
    %get3A_1374 = arith.index_cast %get3A_1373 : i32 to index
    %get3A_1375 = arith.constant 16 : index
    %get3A_1376 = tpu.vector_load %arg9[%get3A_1374, %get3A_1375] {strides = array<i32>} : memref<16x64xf32, #tpu.memory_space<vmem>>, vector<16xf32>,
    %get3A_1377 = arith.constant 4 : i32
    %get3A_1378 = arith.index_cast %get3A_1377 : i32 to index
    %get3A_1379 = arith.constant 16 : index
    %get3A_1380 = tpu.vector_load %arg10[%get3A_1378, %get3A_1379] {strides = array<i32>} : memref<16x128xf32, #tpu.memory_space<vmem>>, vector<16xf32>,
    %sub3A_1381 = arith.subf %get3A_1380, %get3A_1376 : vector<16xf32>
    %add3A_1382 = arith.addf %get3A_1376, %sub3A_1381 : vector<16xf32>
    %swap3A_1383 = arith.constant 4 : i32
    %swap3A_1384 = arith.index_cast %swap3A_1383 : i32 to index
    %swap3A_1385 = arith.constant 16 : index
    %swap3A_1386 = tpu.vector_load %arg9[%swap3A_1384, %swap3A_1385] {strides = array<i32>} : memref<16x64xf32, #tpu.memory_space<vmem>>, vector<16xf32>,
    tpu.vector_store %arg9[%swap3A_1384, %swap3A_1385], %add3A_1382 {strides = array<i32>} : memref<16x64xf32, #tpu.memory_space<vmem>>, vector<16xf32>,
    %get3A_1387 = arith.constant 4 : i32
    %get3A_1388 = arith.index_cast %get3A_1387 : i32 to index
    %get3A_1389 = arith.constant 32 : index
    %get3A_1390 = tpu.vector_load %arg9[%get3A_1388, %get3A_1389] {strides = array<i32>} : memref<16x64xf32, #tpu.memory_space<vmem>>, vector<16xf32>,
    %get3A_1391 = arith.constant 4 : i32
    %get3A_1392 = arith.index_cast %get3A_1391 : i32 to index
    %get3A_1393 = arith.constant 32 : index
    %get3A_1394 = tpu.vector_load %arg10[%get3A_1392, %get3A_1393] {strides = array<i32>} : memref<16x128xf32, #tpu.memory_space<vmem>>, vector<16xf32>,
    %sub3A_1395 = arith.subf %get3A_1394, %get3A_1390 : vector<16xf32>
    %add3A_1396 = arith.addf %get3A_1390, %sub3A_1395 : vector<16xf32>
    %swap3A_1397 = arith.constant 4 : i32
    %swap3A_1398 = arith.index_cast %swap3A_1397 : i32 to index
    %swap3A_1399 = arith.constant 32 : index
    %swap3A_1400 = tpu.vector_load %arg9[%swap3A_1398, %swap3A_1399] {strides = array<i32>} : memref<16x64xf32, #tpu.memory_space<vmem>>, vector<16xf32>,
    tpu.vector_store %arg9[%swap3A_1398, %swap3A_1399], %add3A_1396 {strides = array<i32>} : memref<16x64xf32, #tpu.memory_space<vmem>>, vector<16xf32>,
    %get3A_1401 = arith.constant 4 : i32
    %get3A_1402 = arith.index_cast %get3A_1401 : i32 to index
    %get3A_1403 = arith.constant 48 : index
    %get3A_1404 = tpu.vector_load %arg9[%get3A_1402, %get3A_1403] {strides = array<i32>} : memref<16x64xf32, #tpu.memory_space<vmem>>, vector<16xf32>,
    %get3A_1405 = arith.constant 4 : i32
    %get3A_1406 = arith.index_cast %get3A_1405 : i32 to index
    %get3A_1407 = arith.constant 48 : index
    %get3A_1408 = tpu.vector_load %arg10[%get3A_1406, %get3A_1407] {strides = array<i32>} : memref<16x128xf32, #tpu.memory_space<vmem>>, vector<16xf32>,
    %sub3A_1409 = arith.subf %get3A_1408, %get3A_1404 : vector<16xf32>
    %add3A_1410 = arith.addf %get3A_1404, %sub3A_1409 : vector<16xf32>
    %swap3A_1411 = arith.constant 4 : i32
    %swap3A_1412 = arith.index_cast %swap3A_1411 : i32 to index
    %swap3A_1413 = arith.constant 48 : index
    %swap3A_1414 = tpu.vector_load %arg9[%swap3A_1412, %swap3A_1413] {strides = array<i32>} : memref<16x64xf32, #tpu.memory_space<vmem>>, vector<16xf32>,
    tpu.vector_store %arg9[%swap3A_1412, %swap3A_1413], %add3A_1410 {strides = array<i32>} : memref<16x64xf32, #tpu.memory_space<vmem>>, vector<16xf32>,
    %get3A_1415 = arith.constant 5 : i32
    %get3A_1416 = arith.index_cast %get3A_1415 : i32 to index
    %get3A_1417 = arith.constant 0 : index
    %get3A_1418 = tpu.vector_load %arg9[%get3A_1416, %get3A_1417] {strides = array<i32>} : memref<16x64xf32, #tpu.memory_space<vmem>>, vector<16xf32>,
    %get3A_1419 = arith.constant 5 : i32
    %get3A_1420 = arith.index_cast %get3A_1419 : i32 to index
    %get3A_1421 = arith.constant 0 : index
    %get3A_1422 = tpu.vector_load %arg10[%get3A_1420, %get3A_1421] {strides = array<i32>} : memref<16x128xf32, #tpu.memory_space<vmem>>, vector<16xf32>,
    %sub3A_1423 = arith.subf %get3A_1422, %get3A_1418 : vector<16xf32>
    %add3A_1424 = arith.addf %get3A_1418, %sub3A_1423 : vector<16xf32>
    %swap3A_1425 = arith.constant 5 : i32
    %swap3A_1426 = arith.index_cast %swap3A_1425 : i32 to index
    %swap3A_1427 = arith.constant 0 : index
    %swap3A_1428 = tpu.vector_load %arg9[%swap3A_1426, %swap3A_1427] {strides = array<i32>} : memref<16x64xf32, #tpu.memory_space<vmem>>, vector<16xf32>,
    tpu.vector_store %arg9[%swap3A_1426, %swap3A_1427], %add3A_1424 {strides = array<i32>} : memref<16x64xf32, #tpu.memory_space<vmem>>, vector<16xf32>,
    %get3A_1429 = arith.constant 5 : i32
    %get3A_1430 = arith.index_cast %get3A_1429 : i32 to index
    %get3A_1431 = arith.constant 16 : index
    %get3A_1432 = tpu.vector_load %arg9[%get3A_1430, %get3A_1431] {strides = array<i32>} : memref<16x64xf32, #tpu.memory_space<vmem>>, vector<16xf32>,
    %get3A_1433 = arith.constant 5 : i32
    %get3A_1434 = arith.index_cast %get3A_1433 : i32 to index
    %get3A_1435 = arith.constant 16 : index
    %get3A_1436 = tpu.vector_load %arg10[%get3A_1434, %get3A_1435] {strides = array<i32>} : memref<16x128xf32, #tpu.memory_space<vmem>>, vector<16xf32>,
    %sub3A_1437 = arith.subf %get3A_1436, %get3A_1432 : vector<16xf32>
    %add3A_1438 = arith.addf %get3A_1432, %sub3A_1437 : vector<16xf32>
    %swap3A_1439 = arith.constant 5 : i32
    %swap3A_1440 = arith.index_cast %swap3A_1439 : i32 to index
    %swap3A_1441 = arith.constant 16 : index
    %swap3A_1442 = tpu.vector_load %arg9[%swap3A_1440, %swap3A_1441] {strides = array<i32>} : memref<16x64xf32, #tpu.memory_space<vmem>>, vector<16xf32>,
    tpu.vector_store %arg9[%swap3A_1440, %swap3A_1441], %add3A_1438 {strides = array<i32>} : memref<16x64xf32, #tpu.memory_space<vmem>>, vector<16xf32>,
    %get3A_1443 = arith.constant 5 : i32
    %get3A_1444 = arith.index_cast %get3A_1443 : i32 to index
    %get3A_1445 = arith.constant 32 : index
    %get3A_1446 = tpu.vector_load %arg9[%get3A_1444, %get3A_1445] {strides = array<i32>} : memref<16x64xf32, #tpu.memory_space<vmem>>, vector<16xf32>,
    %get3A_1447 = arith.constant 5 : i32
    %get3A_1448 = arith.index_cast %get3A_1447 : i32 to index
    %get3A_1449 = arith.constant 32 : index
    %get3A_1450 = tpu.vector_load %arg10[%get3A_1448, %get3A_1449] {strides = array<i32>} : memref<16x128xf32, #tpu.memory_space<vmem>>, vector<16xf32>,
    %sub3A_1451 = arith.subf %get3A_1450, %get3A_1446 : vector<16xf32>
    %add3A_1452 = arith.addf %get3A_1446, %sub3A_1451 : vector<16xf32>
    %swap3A_1453 = arith.constant 5 : i32
    %swap3A_1454 = arith.index_cast %swap3A_1453 : i32 to index
    %swap3A_1455 = arith.constant 32 : index
    %swap3A_1456 = tpu.vector_load %arg9[%swap3A_1454, %swap3A_1455] {strides = array<i32>} : memref<16x64xf32, #tpu.memory_space<vmem>>, vector<16xf32>,
    tpu.vector_store %arg9[%swap3A_1454, %swap3A_1455], %add3A_1452 {strides = array<i32>} : memref<16x64xf32, #tpu.memory_space<vmem>>, vector<16xf32>,
    %get3A_1457 = arith.constant 5 : i32
    %get3A_1458 = arith.index_cast %get3A_1457 : i32 to index
    %get3A_1459 = arith.constant 48 : index
    %get3A_1460 = tpu.vector_load %arg9[%get3A_1458, %get3A_1459] {strides = array<i32>} : memref<16x64xf32, #tpu.memory_space<vmem>>, vector<16xf32>,
    %get3A_1461 = arith.constant 5 : i32
    %get3A_1462 = arith.index_cast %get3A_1461 : i32 to index
    %get3A_1463 = arith.constant 48 : index
    %get3A_1464 = tpu.vector_load %arg10[%get3A_1462, %get3A_1463] {strides = array<i32>} : memref<16x128xf32, #tpu.memory_space<vmem>>, vector<16xf32>,
    %sub3A_1465 = arith.subf %get3A_1464, %get3A_1460 : vector<16xf32>
    %add3A_1466 = arith.addf %get3A_1460, %sub3A_1465 : vector<16xf32>
    %swap3A_1467 = arith.constant 5 : i32
    %swap3A_1468 = arith.index_cast %swap3A_1467 : i32 to index
    %swap3A_1469 = arith.constant 48 : index
    %swap3A_1470 = tpu.vector_load %arg9[%swap3A_1468, %swap3A_1469] {strides = array<i32>} : memref<16x64xf32, #tpu.memory_space<vmem>>, vector<16xf32>,
    tpu.vector_store %arg9[%swap3A_1468, %swap3A_1469], %add3A_1466 {strides = array<i32>} : memref<16x64xf32, #tpu.memory_space<vmem>>, vector<16xf32>,
    %get3A_1471 = arith.constant 6 : i32
    %get3A_1472 = arith.index_cast %get3A_1471 : i32 to index
    %get3A_1473 = arith.constant 0 : index
    %get3A_1474 = tpu.vector_load %arg9[%get3A_1472, %get3A_1473] {strides = array<i32>} : memref<16x64xf32, #tpu.memory_space<vmem>>, vector<16xf32>,
    %get3A_1475 = arith.constant 6 : i32
    %get3A_1476 = arith.index_cast %get3A_1475 : i32 to index
    %get3A_1477 = arith.constant 0 : index
    %get3A_1478 = tpu.vector_load %arg10[%get3A_1476, %get3A_1477] {strides = array<i32>} : memref<16x128xf32, #tpu.memory_space<vmem>>, vector<16xf32>,
    %sub3A_1479 = arith.subf %get3A_1478, %get3A_1474 : vector<16xf32>
    %add3A_1480 = arith.addf %get3A_1474, %sub3A_1479 : vector<16xf32>
    %swap3A_1481 = arith.constant 6 : i32
    %swap3A_1482 = arith.index_cast %swap3A_1481 : i32 to index
    %swap3A_1483 = arith.constant 0 : index
    %swap3A_1484 = tpu.vector_load %arg9[%swap3A_1482, %swap3A_1483] {strides = array<i32>} : memref<16x64xf32, #tpu.memory_space<vmem>>, vector<16xf32>,
    tpu.vector_store %arg9[%swap3A_1482, %swap3A_1483], %add3A_1480 {strides = array<i32>} : memref<16x64xf32, #tpu.memory_space<vmem>>, vector<16xf32>,
    %get3A_1485 = arith.constant 6 : i32
    %get3A_1486 = arith.index_cast %get3A_1485 : i32 to index
    %get3A_1487 = arith.constant 16 : index
    %get3A_1488 = tpu.vector_load %arg9[%get3A_1486, %get3A_1487] {strides = array<i32>} : memref<16x64xf32, #tpu.memory_space<vmem>>, vector<16xf32>,
    %get3A_1489 = arith.constant 6 : i32
    %get3A_1490 = arith.index_cast %get3A_1489 : i32 to index
    %get3A_1491 = arith.constant 16 : index
    %get3A_1492 = tpu.vector_load %arg10[%get3A_1490, %get3A_1491] {strides = array<i32>} : memref<16x128xf32, #tpu.memory_space<vmem>>, vector<16xf32>,
    %sub3A_1493 = arith.subf %get3A_1492, %get3A_1488 : vector<16xf32>
    %add3A_1494 = arith.addf %get3A_1488, %sub3A_1493 : vector<16xf32>
    %swap3A_1495 = arith.constant 6 : i32
    %swap3A_1496 = arith.index_cast %swap3A_1495 : i32 to index
    %swap3A_1497 = arith.constant 16 : index
    %swap3A_1498 = tpu.vector_load %arg9[%swap3A_1496, %swap3A_1497] {strides = array<i32>} : memref<16x64xf32, #tpu.memory_space<vmem>>, vector<16xf32>,
    tpu.vector_store %arg9[%swap3A_1496, %swap3A_1497], %add3A_1494 {strides = array<i32>} : memref<16x64xf32, #tpu.memory_space<vmem>>, vector<16xf32>,
    %get3A_1499 = arith.constant 6 : i32
    %get3A_1500 = arith.index_cast %get3A_1499 : i32 to index
    %get3A_1501 = arith.constant 32 : index
    %get3A_1502 = tpu.vector_load %arg9[%get3A_1500, %get3A_1501] {strides = array<i32>} : memref<16x64xf32, #tpu.memory_space<vmem>>, vector<16xf32>,
    %get3A_1503 = arith.constant 6 : i32
    %get3A_1504 = arith.index_cast %get3A_1503 : i32 to index
    %get3A_1505 = arith.constant 32 : index
    %get3A_1506 = tpu.vector_load %arg10[%get3A_1504, %get3A_1505] {strides = array<i32>} : memref<16x128xf32, #tpu.memory_space<vmem>>, vector<16xf32>,
    %sub3A_1507 = arith.subf %get3A_1506, %get3A_1502 : vector<16xf32>
    %add3A_1508 = arith.addf %get3A_1502, %sub3A_1507 : vector<16xf32>
    %swap3A_1509 = arith.constant 6 : i32
    %swap3A_1510 = arith.index_cast %swap3A_1509 : i32 to index
    %swap3A_1511 = arith.constant 32 : index
    %swap3A_1512 = tpu.vector_load %arg9[%swap3A_1510, %swap3A_1511] {strides = array<i32>} : memref<16x64xf32, #tpu.memory_space<vmem>>, vector<16xf32>,
    tpu.vector_store %arg9[%swap3A_1510, %swap3A_1511], %add3A_1508 {strides = array<i32>} : memref<16x64xf32, #tpu.memory_space<vmem>>, vector<16xf32>,
    %get3A_1513 = arith.constant 6 : i32
    %get3A_1514 = arith.index_cast %get3A_1513 : i32 to index
    %get3A_1515 = arith.constant 48 : index
    %get3A_1516 = tpu.vector_load %arg9[%get3A_1514, %get3A_1515] {strides = array<i32>} : memref<16x64xf32, #tpu.memory_space<vmem>>, vector<16xf32>,
    %get3A_1517 = arith.constant 6 : i32
    %get3A_1518 = arith.index_cast %get3A_1517 : i32 to index
    %get3A_1519 = arith.constant 48 : index
    %get3A_1520 = tpu.vector_load %arg10[%get3A_1518, %get3A_1519] {strides = array<i32>} : memref<16x128xf32, #tpu.memory_space<vmem>>, vector<16xf32>,
    %sub3A_1521 = arith.subf %get3A_1520, %get3A_1516 : vector<16xf32>
    %add3A_1522 = arith.addf %get3A_1516, %sub3A_1521 : vector<16xf32>
    %swap3A_1523 = arith.constant 6 : i32
    %swap3A_1524 = arith.index_cast %swap3A_1523 : i32 to index
    %swap3A_1525 = arith.constant 48 : index
    %swap3A_1526 = tpu.vector_load %arg9[%swap3A_1524, %swap3A_1525] {strides = array<i32>} : memref<16x64xf32, #tpu.memory_space<vmem>>, vector<16xf32>,
    tpu.vector_store %arg9[%swap3A_1524, %swap3A_1525], %add3A_1522 {strides = array<i32>} : memref<16x64xf32, #tpu.memory_space<vmem>>, vector<16xf32>,
    %get3A_1527 = arith.constant 7 : i32
    %get3A_1528 = arith.index_cast %get3A_1527 : i32 to index
    %get3A_1529 = arith.constant 0 : index
    %get3A_1530 = tpu.vector_load %arg9[%get3A_1528, %get3A_1529] {strides = array<i32>} : memref<16x64xf32, #tpu.memory_space<vmem>>, vector<16xf32>,
    %get3A_1531 = arith.constant 7 : i32
    %get3A_1532 = arith.index_cast %get3A_1531 : i32 to index
    %get3A_1533 = arith.constant 0 : index
    %get3A_1534 = tpu.vector_load %arg10[%get3A_1532, %get3A_1533] {strides = array<i32>} : memref<16x128xf32, #tpu.memory_space<vmem>>, vector<16xf32>,
    %sub3A_1535 = arith.subf %get3A_1534, %get3A_1530 : vector<16xf32>
    %add3A_1536 = arith.addf %get3A_1530, %sub3A_1535 : vector<16xf32>
    %swap3A_1537 = arith.constant 7 : i32
    %swap3A_1538 = arith.index_cast %swap3A_1537 : i32 to index
    %swap3A_1539 = arith.constant 0 : index
    %swap3A_1540 = tpu.vector_load %arg9[%swap3A_1538, %swap3A_1539] {strides = array<i32>} : memref<16x64xf32, #tpu.memory_space<vmem>>, vector<16xf32>,
    tpu.vector_store %arg9[%swap3A_1538, %swap3A_1539], %add3A_1536 {strides = array<i32>} : memref<16x64xf32, #tpu.memory_space<vmem>>, vector<16xf32>,
    %get3A_1541 = arith.constant 7 : i32
    %get3A_1542 = arith.index_cast %get3A_1541 : i32 to index
    %get3A_1543 = arith.constant 16 : index
    %get3A_1544 = tpu.vector_load %arg9[%get3A_1542, %get3A_1543] {strides = array<i32>} : memref<16x64xf32, #tpu.memory_space<vmem>>, vector<16xf32>,
    %get3A_1545 = arith.constant 7 : i32
    %get3A_1546 = arith.index_cast %get3A_1545 : i32 to index
    %get3A_1547 = arith.constant 16 : index
    %get3A_1548 = tpu.vector_load %arg10[%get3A_1546, %get3A_1547] {strides = array<i32>} : memref<16x128xf32, #tpu.memory_space<vmem>>, vector<16xf32>,
    %sub3A_1549 = arith.subf %get3A_1548, %get3A_1544 : vector<16xf32>
    %add3A_1550 = arith.addf %get3A_1544, %sub3A_1549 : vector<16xf32>
    %swap3A_1551 = arith.constant 7 : i32
    %swap3A_1552 = arith.index_cast %swap3A_1551 : i32 to index
    %swap3A_1553 = arith.constant 16 : index
    %swap3A_1554 = tpu.vector_load %arg9[%swap3A_1552, %swap3A_1553] {strides = array<i32>} : memref<16x64xf32, #tpu.memory_space<vmem>>, vector<16xf32>,
    tpu.vector_store %arg9[%swap3A_1552, %swap3A_1553], %add3A_1550 {strides = array<i32>} : memref<16x64xf32, #tpu.memory_space<vmem>>, vector<16xf32>,
    %get3A_1555 = arith.constant 7 : i32
    %get3A_1556 = arith.index_cast %get3A_1555 : i32 to index
    %get3A_1557 = arith.constant 32 : index
    %get3A_1558 = tpu.vector_load %arg9[%get3A_1556, %get3A_1557] {strides = array<i32>} : memref<16x64xf32, #tpu.memory_space<vmem>>, vector<16xf32>,
    %get3A_1559 = arith.constant 7 : i32
    %get3A_1560 = arith.index_cast %get3A_1559 : i32 to index
    %get3A_1561 = arith.constant 32 : index
    %get3A_1562 = tpu.vector_load %arg10[%get3A_1560, %get3A_1561] {strides = array<i32>} : memref<16x128xf32, #tpu.memory_space<vmem>>, vector<16xf32>,
    %sub3A_1563 = arith.subf %get3A_1562, %get3A_1558 : vector<16xf32>
    %add3A_1564 = arith.addf %get3A_1558, %sub3A_1563 : vector<16xf32>
    %swap3A_1565 = arith.constant 7 : i32
    %swap3A_1566 = arith.index_cast %swap3A_1565 : i32 to index
    %swap3A_1567 = arith.constant 32 : index
    %swap3A_1568 = tpu.vector_load %arg9[%swap3A_1566, %swap3A_1567] {strides = array<i32>} : memref<16x64xf32, #tpu.memory_space<vmem>>, vector<16xf32>,
    tpu.vector_store %arg9[%swap3A_1566, %swap3A_1567], %add3A_1564 {strides = array<i32>} : memref<16x64xf32, #tpu.memory_space<vmem>>, vector<16xf32>,
    %get3A_1569 = arith.constant 7 : i32
    %get3A_1570 = arith.index_cast %get3A_1569 : i32 to index
    %get3A_1571 = arith.constant 48 : index
    %get3A_1572 = tpu.vector_load %arg9[%get3A_1570, %get3A_1571] {strides = array<i32>} : memref<16x64xf32, #tpu.memory_space<vmem>>, vector<16xf32>,
    %get3A_1573 = arith.constant 7 : i32
    %get3A_1574 = arith.index_cast %get3A_1573 : i32 to index
    %get3A_1575 = arith.constant 48 : index
    %get3A_1576 = tpu.vector_load %arg10[%get3A_1574, %get3A_1575] {strides = array<i32>} : memref<16x128xf32, #tpu.memory_space<vmem>>, vector<16xf32>,
    %sub3A_1577 = arith.subf %get3A_1576, %get3A_1572 : vector<16xf32>
    %add3A_1578 = arith.addf %get3A_1572, %sub3A_1577 : vector<16xf32>
    %swap3A_1579 = arith.constant 7 : i32
    %swap3A_1580 = arith.index_cast %swap3A_1579 : i32 to index
    %swap3A_1581 = arith.constant 48 : index
    %swap3A_1582 = tpu.vector_load %arg9[%swap3A_1580, %swap3A_1581] {strides = array<i32>} : memref<16x64xf32, #tpu.memory_space<vmem>>, vector<16xf32>,
    tpu.vector_store %arg9[%swap3A_1580, %swap3A_1581], %add3A_1578 {strides = array<i32>} : memref<16x64xf32, #tpu.memory_space<vmem>>, vector<16xf32>,
    %get3A_1583 = arith.constant 8 : i32
    %get3A_1584 = arith.index_cast %get3A_1583 : i32 to index
    %get3A_1585 = arith.constant 0 : index
    %get3A_1586 = tpu.vector_load %arg9[%get3A_1584, %get3A_1585] {strides = array<i32>} : memref<16x64xf32, #tpu.memory_space<vmem>>, vector<16xf32>,
    %get3A_1587 = arith.constant 8 : i32
    %get3A_1588 = arith.index_cast %get3A_1587 : i32 to index
    %get3A_1589 = arith.constant 0 : index
    %get3A_1590 = tpu.vector_load %arg10[%get3A_1588, %get3A_1589] {strides = array<i32>} : memref<16x128xf32, #tpu.memory_space<vmem>>, vector<16xf32>,
    %sub3A_1591 = arith.subf %get3A_1590, %get3A_1586 : vector<16xf32>
    %add3A_1592 = arith.addf %get3A_1586, %sub3A_1591 : vector<16xf32>
    %swap3A_1593 = arith.constant 8 : i32
    %swap3A_1594 = arith.index_cast %swap3A_1593 : i32 to index
    %swap3A_1595 = arith.constant 0 : index
    %swap3A_1596 = tpu.vector_load %arg9[%swap3A_1594, %swap3A_1595] {strides = array<i32>} : memref<16x64xf32, #tpu.memory_space<vmem>>, vector<16xf32>,
    tpu.vector_store %arg9[%swap3A_1594, %swap3A_1595], %add3A_1592 {strides = array<i32>} : memref<16x64xf32, #tpu.memory_space<vmem>>, vector<16xf32>,
    %get3A_1597 = arith.constant 8 : i32
    %get3A_1598 = arith.index_cast %get3A_1597 : i32 to index
    %get3A_1599 = arith.constant 16 : index
    %get3A_1600 = tpu.vector_load %arg9[%get3A_1598, %get3A_1599] {strides = array<i32>} : memref<16x64xf32, #tpu.memory_space<vmem>>, vector<16xf32>,
    %get3A_1601 = arith.constant 8 : i32
    %get3A_1602 = arith.index_cast %get3A_1601 : i32 to index
    %get3A_1603 = arith.constant 16 : index
    %get3A_1604 = tpu.vector_load %arg10[%get3A_1602, %get3A_1603] {strides = array<i32>} : memref<16x128xf32, #tpu.memory_space<vmem>>, vector<16xf32>,
    %sub3A_1605 = arith.subf %get3A_1604, %get3A_1600 : vector<16xf32>
    %add3A_1606 = arith.addf %get3A_1600, %sub3A_1605 : vector<16xf32>
    %swap3A_1607 = arith.constant 8 : i32
    %swap3A_1608 = arith.index_cast %swap3A_1607 : i32 to index
    %swap3A_1609 = arith.constant 16 : index
    %swap3A_1610 = tpu.vector_load %arg9[%swap3A_1608, %swap3A_1609] {strides = array<i32>} : memref<16x64xf32, #tpu.memory_space<vmem>>, vector<16xf32>,
    tpu.vector_store %arg9[%swap3A_1608, %swap3A_1609], %add3A_1606 {strides = array<i32>} : memref<16x64xf32, #tpu.memory_space<vmem>>, vector<16xf32>,
    %get3A_1611 = arith.constant 8 : i32
    %get3A_1612 = arith.index_cast %get3A_1611 : i32 to index
    %get3A_1613 = arith.constant 32 : index
    %get3A_1614 = tpu.vector_load %arg9[%get3A_1612, %get3A_1613] {strides = array<i32>} : memref<16x64xf32, #tpu.memory_space<vmem>>, vector<16xf32>,
    %get3A_1615 = arith.constant 8 : i32
    %get3A_1616 = arith.index_cast %get3A_1615 : i32 to index
    %get3A_1617 = arith.constant 32 : index
    %get3A_1618 = tpu.vector_load %arg10[%get3A_1616, %get3A_1617] {strides = array<i32>} : memref<16x128xf32, #tpu.memory_space<vmem>>, vector<16xf32>,
    %sub3A_1619 = arith.subf %get3A_1618, %get3A_1614 : vector<16xf32>
    %add3A_1620 = arith.addf %get3A_1614, %sub3A_1619 : vector<16xf32>
    %swap3A_1621 = arith.constant 8 : i32
    %swap3A_1622 = arith.index_cast %swap3A_1621 : i32 to index
    %swap3A_1623 = arith.constant 32 : index
    %swap3A_1624 = tpu.vector_load %arg9[%swap3A_1622, %swap3A_1623] {strides = array<i32>} : memref<16x64xf32, #tpu.memory_space<vmem>>, vector<16xf32>,
    tpu.vector_store %arg9[%swap3A_1622, %swap3A_1623], %add3A_1620 {strides = array<i32>} : memref<16x64xf32, #tpu.memory_space<vmem>>, vector<16xf32>,
    %get3A_1625 = arith.constant 8 : i32
    %get3A_1626 = arith.index_cast %get3A_1625 : i32 to index
    %get3A_1627 = arith.constant 48 : index
    %get3A_1628 = tpu.vector_load %arg9[%get3A_1626, %get3A_1627] {strides = array<i32>} : memref<16x64xf32, #tpu.memory_space<vmem>>, vector<16xf32>,
    %get3A_1629 = arith.constant 8 : i32
    %get3A_1630 = arith.index_cast %get3A_1629 : i32 to index
    %get3A_1631 = arith.constant 48 : index
    %get3A_1632 = tpu.vector_load %arg10[%get3A_1630, %get3A_1631] {strides = array<i32>} : memref<16x128xf32, #tpu.memory_space<vmem>>, vector<16xf32>,
    %sub3A_1633 = arith.subf %get3A_1632, %get3A_1628 : vector<16xf32>
    %add3A_1634 = arith.addf %get3A_1628, %sub3A_1633 : vector<16xf32>
    %swap3A_1635 = arith.constant 8 : i32
    %swap3A_1636 = arith.index_cast %swap3A_1635 : i32 to index
    %swap3A_1637 = arith.constant 48 : index
    %swap3A_1638 = tpu.vector_load %arg9[%swap3A_1636, %swap3A_1637] {strides = array<i32>} : memref<16x64xf32, #tpu.memory_space<vmem>>, vector<16xf32>,
    tpu.vector_store %arg9[%swap3A_1636, %swap3A_1637], %add3A_1634 {strides = array<i32>} : memref<16x64xf32, #tpu.memory_space<vmem>>, vector<16xf32>,
    %get3A_1639 = arith.constant 9 : i32
    %get3A_1640 = arith.index_cast %get3A_1639 : i32 to index
    %get3A_1641 = arith.constant 0 : index
    %get3A_1642 = tpu.vector_load %arg9[%get3A_1640, %get3A_1641] {strides = array<i32>} : memref<16x64xf32, #tpu.memory_space<vmem>>, vector<16xf32>,
    %get3A_1643 = arith.constant 9 : i32
    %get3A_1644 = arith.index_cast %get3A_1643 : i32 to index
    %get3A_1645 = arith.constant 0 : index
    %get3A_1646 = tpu.vector_load %arg10[%get3A_1644, %get3A_1645] {strides = array<i32>} : memref<16x128xf32, #tpu.memory_space<vmem>>, vector<16xf32>,
    %sub3A_1647 = arith.subf %get3A_1646, %get3A_1642 : vector<16xf32>
    %add3A_1648 = arith.addf %get3A_1642, %sub3A_1647 : vector<16xf32>
    %swap3A_1649 = arith.constant 9 : i32
    %swap3A_1650 = arith.index_cast %swap3A_1649 : i32 to index
    %swap3A_1651 = arith.constant 0 : index
    %swap3A_1652 = tpu.vector_load %arg9[%swap3A_1650, %swap3A_1651] {strides = array<i32>} : memref<16x64xf32, #tpu.memory_space<vmem>>, vector<16xf32>,
    tpu.vector_store %arg9[%swap3A_1650, %swap3A_1651], %add3A_1648 {strides = array<i32>} : memref<16x64xf32, #tpu.memory_space<vmem>>, vector<16xf32>,
    %get3A_1653 = arith.constant 9 : i32
    %get3A_1654 = arith.index_cast %get3A_1653 : i32 to index
    %get3A_1655 = arith.constant 16 : index
    %get3A_1656 = tpu.vector_load %arg9[%get3A_1654, %get3A_1655] {strides = array<i32>} : memref<16x64xf32, #tpu.memory_space<vmem>>, vector<16xf32>,
    %get3A_1657 = arith.constant 9 : i32
    %get3A_1658 = arith.index_cast %get3A_1657 : i32 to index
    %get3A_1659 = arith.constant 16 : index
    %get3A_1660 = tpu.vector_load %arg10[%get3A_1658, %get3A_1659] {strides = array<i32>} : memref<16x128xf32, #tpu.memory_space<vmem>>, vector<16xf32>,
    %sub3A_1661 = arith.subf %get3A_1660, %get3A_1656 : vector<16xf32>
    %add3A_1662 = arith.addf %get3A_1656, %sub3A_1661 : vector<16xf32>
    %swap3A_1663 = arith.constant 9 : i32
    %swap3A_1664 = arith.index_cast %swap3A_1663 : i32 to index
    %swap3A_1665 = arith.constant 16 : index
    %swap3A_1666 = tpu.vector_load %arg9[%swap3A_1664, %swap3A_1665] {strides = array<i32>} : memref<16x64xf32, #tpu.memory_space<vmem>>, vector<16xf32>,
    tpu.vector_store %arg9[%swap3A_1664, %swap3A_1665], %add3A_1662 {strides = array<i32>} : memref<16x64xf32, #tpu.memory_space<vmem>>, vector<16xf32>,
    %get3A_1667 = arith.constant 9 : i32
    %get3A_1668 = arith.index_cast %get3A_1667 : i32 to index
    %get3A_1669 = arith.constant 32 : index
    %get3A_1670 = tpu.vector_load %arg9[%get3A_1668, %get3A_1669] {strides = array<i32>} : memref<16x64xf32, #tpu.memory_space<vmem>>, vector<16xf32>,
    %get3A_1671 = arith.constant 9 : i32
    %get3A_1672 = arith.index_cast %get3A_1671 : i32 to index
    %get3A_1673 = arith.constant 32 : index
    %get3A_1674 = tpu.vector_load %arg10[%get3A_1672, %get3A_1673] {strides = array<i32>} : memref<16x128xf32, #tpu.memory_space<vmem>>, vector<16xf32>,
    %sub3A_1675 = arith.subf %get3A_1674, %get3A_1670 : vector<16xf32>
    %add3A_1676 = arith.addf %get3A_1670, %sub3A_1675 : vector<16xf32>
    %swap3A_1677 = arith.constant 9 : i32
    %swap3A_1678 = arith.index_cast %swap3A_1677 : i32 to index
    %swap3A_1679 = arith.constant 32 : index
    %swap3A_1680 = tpu.vector_load %arg9[%swap3A_1678, %swap3A_1679] {strides = array<i32>} : memref<16x64xf32, #tpu.memory_space<vmem>>, vector<16xf32>,
    tpu.vector_store %arg9[%swap3A_1678, %swap3A_1679], %add3A_1676 {strides = array<i32>} : memref<16x64xf32, #tpu.memory_space<vmem>>, vector<16xf32>,
    %get3A_1681 = arith.constant 9 : i32
    %get3A_1682 = arith.index_cast %get3A_1681 : i32 to index
    %get3A_1683 = arith.constant 48 : index
    %get3A_1684 = tpu.vector_load %arg9[%get3A_1682, %get3A_1683] {strides = array<i32>} : memref<16x64xf32, #tpu.memory_space<vmem>>, vector<16xf32>,
    %get3A_1685 = arith.constant 9 : i32
    %get3A_1686 = arith.index_cast %get3A_1685 : i32 to index
    %get3A_1687 = arith.constant 48 : index
    %get3A_1688 = tpu.vector_load %arg10[%get3A_1686, %get3A_1687] {strides = array<i32>} : memref<16x128xf32, #tpu.memory_space<vmem>>, vector<16xf32>,
    %sub3A_1689 = arith.subf %get3A_1688, %get3A_1684 : vector<16xf32>
    %add3A_1690 = arith.addf %get3A_1684, %sub3A_1689 : vector<16xf32>
    %swap3A_1691 = arith.constant 9 : i32
    %swap3A_1692 = arith.index_cast %swap3A_1691 : i32 to index
    %swap3A_1693 = arith.constant 48 : index
    %swap3A_1694 = tpu.vector_load %arg9[%swap3A_1692, %swap3A_1693] {strides = array<i32>} : memref<16x64xf32, #tpu.memory_space<vmem>>, vector<16xf32>,
    tpu.vector_store %arg9[%swap3A_1692, %swap3A_1693], %add3A_1690 {strides = array<i32>} : memref<16x64xf32, #tpu.memory_space<vmem>>, vector<16xf32>,
    %get3A_1695 = arith.constant 10 : i32
    %get3A_1696 = arith.index_cast %get3A_1695 : i32 to index
    %get3A_1697 = arith.constant 0 : index
    %get3A_1698 = tpu.vector_load %arg9[%get3A_1696, %get3A_1697] {strides = array<i32>} : memref<16x64xf32, #tpu.memory_space<vmem>>, vector<16xf32>,
    %get3A_1699 = arith.constant 10 : i32
    %get3A_1700 = arith.index_cast %get3A_1699 : i32 to index
    %get3A_1701 = arith.constant 0 : index
    %get3A_1702 = tpu.vector_load %arg10[%get3A_1700, %get3A_1701] {strides = array<i32>} : memref<16x128xf32, #tpu.memory_space<vmem>>, vector<16xf32>,
    %sub3A_1703 = arith.subf %get3A_1702, %get3A_1698 : vector<16xf32>
    %add3A_1704 = arith.addf %get3A_1698, %sub3A_1703 : vector<16xf32>
    %swap3A_1705 = arith.constant 10 : i32
    %swap3A_1706 = arith.index_cast %swap3A_1705 : i32 to index
    %swap3A_1707 = arith.constant 0 : index
    %swap3A_1708 = tpu.vector_load %arg9[%swap3A_1706, %swap3A_1707] {strides = array<i32>} : memref<16x64xf32, #tpu.memory_space<vmem>>, vector<16xf32>,
    tpu.vector_store %arg9[%swap3A_1706, %swap3A_1707], %add3A_1704 {strides = array<i32>} : memref<16x64xf32, #tpu.memory_space<vmem>>, vector<16xf32>,
    %get3A_1709 = arith.constant 10 : i32
    %get3A_1710 = arith.index_cast %get3A_1709 : i32 to index
    %get3A_1711 = arith.constant 16 : index
    %get3A_1712 = tpu.vector_load %arg9[%get3A_1710, %get3A_1711] {strides = array<i32>} : memref<16x64xf32, #tpu.memory_space<vmem>>, vector<16xf32>,
    %get3A_1713 = arith.constant 10 : i32
    %get3A_1714 = arith.index_cast %get3A_1713 : i32 to index
    %get3A_1715 = arith.constant 16 : index
    %get3A_1716 = tpu.vector_load %arg10[%get3A_1714, %get3A_1715] {strides = array<i32>} : memref<16x128xf32, #tpu.memory_space<vmem>>, vector<16xf32>,
    %sub3A_1717 = arith.subf %get3A_1716, %get3A_1712 : vector<16xf32>
    %add3A_1718 = arith.addf %get3A_1712, %sub3A_1717 : vector<16xf32>
    %swap3A_1719 = arith.constant 10 : i32
    %swap3A_1720 = arith.index_cast %swap3A_1719 : i32 to index
    %swap3A_1721 = arith.constant 16 : index
    %swap3A_1722 = tpu.vector_load %arg9[%swap3A_1720, %swap3A_1721] {strides = array<i32>} : memref<16x64xf32, #tpu.memory_space<vmem>>, vector<16xf32>,
    tpu.vector_store %arg9[%swap3A_1720, %swap3A_1721], %add3A_1718 {strides = array<i32>} : memref<16x64xf32, #tpu.memory_space<vmem>>, vector<16xf32>,
    %get3A_1723 = arith.constant 10 : i32
    %get3A_1724 = arith.index_cast %get3A_1723 : i32 to index
    %get3A_1725 = arith.constant 32 : index
    %get3A_1726 = tpu.vector_load %arg9[%get3A_1724, %get3A_1725] {strides = array<i32>} : memref<16x64xf32, #tpu.memory_space<vmem>>, vector<16xf32>,
    %get3A_1727 = arith.constant 10 : i32
    %get3A_1728 = arith.index_cast %get3A_1727 : i32 to index
    %get3A_1729 = arith.constant 32 : index
    %get3A_1730 = tpu.vector_load %arg10[%get3A_1728, %get3A_1729] {strides = array<i32>} : memref<16x128xf32, #tpu.memory_space<vmem>>, vector<16xf32>,
    %sub3A_1731 = arith.subf %get3A_1730, %get3A_1726 : vector<16xf32>
    %add3A_1732 = arith.addf %get3A_1726, %sub3A_1731 : vector<16xf32>
    %swap3A_1733 = arith.constant 10 : i32
    %swap3A_1734 = arith.index_cast %swap3A_1733 : i32 to index
    %swap3A_1735 = arith.constant 32 : index
    %swap3A_1736 = tpu.vector_load %arg9[%swap3A_1734, %swap3A_1735] {strides = array<i32>} : memref<16x64xf32, #tpu.memory_space<vmem>>, vector<16xf32>,
    tpu.vector_store %arg9[%swap3A_1734, %swap3A_1735], %add3A_1732 {strides = array<i32>} : memref<16x64xf32, #tpu.memory_space<vmem>>, vector<16xf32>,
    %get3A_1737 = arith.constant 10 : i32
    %get3A_1738 = arith.index_cast %get3A_1737 : i32 to index
    %get3A_1739 = arith.constant 48 : index
    %get3A_1740 = tpu.vector_load %arg9[%get3A_1738, %get3A_1739] {strides = array<i32>} : memref<16x64xf32, #tpu.memory_space<vmem>>, vector<16xf32>,
    %get3A_1741 = arith.constant 10 : i32
    %get3A_1742 = arith.index_cast %get3A_1741 : i32 to index
    %get3A_1743 = arith.constant 48 : index
    %get3A_1744 = tpu.vector_load %arg10[%get3A_1742, %get3A_1743] {strides = array<i32>} : memref<16x128xf32, #tpu.memory_space<vmem>>, vector<16xf32>,
    %sub3A_1745 = arith.subf %get3A_1744, %get3A_1740 : vector<16xf32>
    %add3A_1746 = arith.addf %get3A_1740, %sub3A_1745 : vector<16xf32>
    %swap3A_1747 = arith.constant 10 : i32
    %swap3A_1748 = arith.index_cast %swap3A_1747 : i32 to index
    %swap3A_1749 = arith.constant 48 : index
    %swap3A_1750 = tpu.vector_load %arg9[%swap3A_1748, %swap3A_1749] {strides = array<i32>} : memref<16x64xf32, #tpu.memory_space<vmem>>, vector<16xf32>,
    tpu.vector_store %arg9[%swap3A_1748, %swap3A_1749], %add3A_1746 {strides = array<i32>} : memref<16x64xf32, #tpu.memory_space<vmem>>, vector<16xf32>,
    %get3A_1751 = arith.constant 11 : i32
    %get3A_1752 = arith.index_cast %get3A_1751 : i32 to index
    %get3A_1753 = arith.constant 0 : index
    %get3A_1754 = tpu.vector_load %arg9[%get3A_1752, %get3A_1753] {strides = array<i32>} : memref<16x64xf32, #tpu.memory_space<vmem>>, vector<16xf32>,
    %get3A_1755 = arith.constant 11 : i32
    %get3A_1756 = arith.index_cast %get3A_1755 : i32 to index
    %get3A_1757 = arith.constant 0 : index
    %get3A_1758 = tpu.vector_load %arg10[%get3A_1756, %get3A_1757] {strides = array<i32>} : memref<16x128xf32, #tpu.memory_space<vmem>>, vector<16xf32>,
    %sub3A_1759 = arith.subf %get3A_1758, %get3A_1754 : vector<16xf32>
    %add3A_1760 = arith.addf %get3A_1754, %sub3A_1759 : vector<16xf32>
    %swap3A_1761 = arith.constant 11 : i32
    %swap3A_1762 = arith.index_cast %swap3A_1761 : i32 to index
    %swap3A_1763 = arith.constant 0 : index
    %swap3A_1764 = tpu.vector_load %arg9[%swap3A_1762, %swap3A_1763] {strides = array<i32>} : memref<16x64xf32, #tpu.memory_space<vmem>>, vector<16xf32>,
    tpu.vector_store %arg9[%swap3A_1762, %swap3A_1763], %add3A_1760 {strides = array<i32>} : memref<16x64xf32, #tpu.memory_space<vmem>>, vector<16xf32>,
    %get3A_1765 = arith.constant 11 : i32
    %get3A_1766 = arith.index_cast %get3A_1765 : i32 to index
    %get3A_1767 = arith.constant 16 : index
    %get3A_1768 = tpu.vector_load %arg9[%get3A_1766, %get3A_1767] {strides = array<i32>} : memref<16x64xf32, #tpu.memory_space<vmem>>, vector<16xf32>,
    %get3A_1769 = arith.constant 11 : i32
    %get3A_1770 = arith.index_cast %get3A_1769 : i32 to index
    %get3A_1771 = arith.constant 16 : index
    %get3A_1772 = tpu.vector_load %arg10[%get3A_1770, %get3A_1771] {strides = array<i32>} : memref<16x128xf32, #tpu.memory_space<vmem>>, vector<16xf32>,
    %sub3A_1773 = arith.subf %get3A_1772, %get3A_1768 : vector<16xf32>
    %add3A_1774 = arith.addf %get3A_1768, %sub3A_1773 : vector<16xf32>
    %swap3A_1775 = arith.constant 11 : i32
    %swap3A_1776 = arith.index_cast %swap3A_1775 : i32 to index
    %swap3A_1777 = arith.constant 16 : index
    %swap3A_1778 = tpu.vector_load %arg9[%swap3A_1776, %swap3A_1777] {strides = array<i32>} : memref<16x64xf32, #tpu.memory_space<vmem>>, vector<16xf32>,
    tpu.vector_store %arg9[%swap3A_1776, %swap3A_1777], %add3A_1774 {strides = array<i32>} : memref<16x64xf32, #tpu.memory_space<vmem>>, vector<16xf32>,
    %get3A_1779 = arith.constant 11 : i32
    %get3A_1780 = arith.index_cast %get3A_1779 : i32 to index
    %get3A_1781 = arith.constant 32 : index
    %get3A_1782 = tpu.vector_load %arg9[%get3A_1780, %get3A_1781] {strides = array<i32>} : memref<16x64xf32, #tpu.memory_space<vmem>>, vector<16xf32>,
    %get3A_1783 = arith.constant 11 : i32
    %get3A_1784 = arith.index_cast %get3A_1783 : i32 to index
    %get3A_1785 = arith.constant 32 : index
    %get3A_1786 = tpu.vector_load %arg10[%get3A_1784, %get3A_1785] {strides = array<i32>} : memref<16x128xf32, #tpu.memory_space<vmem>>, vector<16xf32>,
    %sub3A_1787 = arith.subf %get3A_1786, %get3A_1782 : vector<16xf32>
    %add3A_1788 = arith.addf %get3A_1782, %sub3A_1787 : vector<16xf32>
    %swap3A_1789 = arith.constant 11 : i32
    %swap3A_1790 = arith.index_cast %swap3A_1789 : i32 to index
    %swap3A_1791 = arith.constant 32 : index
    %swap3A_1792 = tpu.vector_load %arg9[%swap3A_1790, %swap3A_1791] {strides = array<i32>} : memref<16x64xf32, #tpu.memory_space<vmem>>, vector<16xf32>,
    tpu.vector_store %arg9[%swap3A_1790, %swap3A_1791], %add3A_1788 {strides = array<i32>} : memref<16x64xf32, #tpu.memory_space<vmem>>, vector<16xf32>,
    %get3A_1793 = arith.constant 11 : i32
    %get3A_1794 = arith.index_cast %get3A_1793 : i32 to index
    %get3A_1795 = arith.constant 48 : index
    %get3A_1796 = tpu.vector_load %arg9[%get3A_1794, %get3A_1795] {strides = array<i32>} : memref<16x64xf32, #tpu.memory_space<vmem>>, vector<16xf32>,
    %get3A_1797 = arith.constant 11 : i32
    %get3A_1798 = arith.index_cast %get3A_1797 : i32 to index
    %get3A_1799 = arith.constant 48 : index
    %get3A_1800 = tpu.vector_load %arg10[%get3A_1798, %get3A_1799] {strides = array<i32>} : memref<16x128xf32, #tpu.memory_space<vmem>>, vector<16xf32>,
    %sub3A_1801 = arith.subf %get3A_1800, %get3A_1796 : vector<16xf32>
    %add3A_1802 = arith.addf %get3A_1796, %sub3A_1801 : vector<16xf32>
    %swap3A_1803 = arith.constant 11 : i32
    %swap3A_1804 = arith.index_cast %swap3A_1803 : i32 to index
    %swap3A_1805 = arith.constant 48 : index
    %swap3A_1806 = tpu.vector_load %arg9[%swap3A_1804, %swap3A_1805] {strides = array<i32>} : memref<16x64xf32, #tpu.memory_space<vmem>>, vector<16xf32>,
    tpu.vector_store %arg9[%swap3A_1804, %swap3A_1805], %add3A_1802 {strides = array<i32>} : memref<16x64xf32, #tpu.memory_space<vmem>>, vector<16xf32>,
    %get3A_1807 = arith.constant 12 : i32
    %get3A_1808 = arith.index_cast %get3A_1807 : i32 to index
    %get3A_1809 = arith.constant 0 : index
    %get3A_1810 = tpu.vector_load %arg9[%get3A_1808, %get3A_1809] {strides = array<i32>} : memref<16x64xf32, #tpu.memory_space<vmem>>, vector<16xf32>,
    %get3A_1811 = arith.constant 12 : i32
    %get3A_1812 = arith.index_cast %get3A_1811 : i32 to index
    %get3A_1813 = arith.constant 0 : index
    %get3A_1814 = tpu.vector_load %arg10[%get3A_1812, %get3A_1813] {strides = array<i32>} : memref<16x128xf32, #tpu.memory_space<vmem>>, vector<16xf32>,
    %sub3A_1815 = arith.subf %get3A_1814, %get3A_1810 : vector<16xf32>
    %add3A_1816 = arith.addf %get3A_1810, %sub3A_1815 : vector<16xf32>
    %swap3A_1817 = arith.constant 12 : i32
    %swap3A_1818 = arith.index_cast %swap3A_1817 : i32 to index
    %swap3A_1819 = arith.constant 0 : index
    %swap3A_1820 = tpu.vector_load %arg9[%swap3A_1818, %swap3A_1819] {strides = array<i32>} : memref<16x64xf32, #tpu.memory_space<vmem>>, vector<16xf32>,
    tpu.vector_store %arg9[%swap3A_1818, %swap3A_1819], %add3A_1816 {strides = array<i32>} : memref<16x64xf32, #tpu.memory_space<vmem>>, vector<16xf32>,
    %get3A_1821 = arith.constant 12 : i32
    %get3A_1822 = arith.index_cast %get3A_1821 : i32 to index
    %get3A_1823 = arith.constant 16 : index
    %get3A_1824 = tpu.vector_load %arg9[%get3A_1822, %get3A_1823] {strides = array<i32>} : memref<16x64xf32, #tpu.memory_space<vmem>>, vector<16xf32>,
    %get3A_1825 = arith.constant 12 : i32
    %get3A_1826 = arith.index_cast %get3A_1825 : i32 to index
    %get3A_1827 = arith.constant 16 : index
    %get3A_1828 = tpu.vector_load %arg10[%get3A_1826, %get3A_1827] {strides = array<i32>} : memref<16x128xf32, #tpu.memory_space<vmem>>, vector<16xf32>,
    %sub3A_1829 = arith.subf %get3A_1828, %get3A_1824 : vector<16xf32>
    %add3A_1830 = arith.addf %get3A_1824, %sub3A_1829 : vector<16xf32>
    %swap3A_1831 = arith.constant 12 : i32
    %swap3A_1832 = arith.index_cast %swap3A_1831 : i32 to index
    %swap3A_1833 = arith.constant 16 : index
    %swap3A_1834 = tpu.vector_load %arg9[%swap3A_1832, %swap3A_1833] {strides = array<i32>} : memref<16x64xf32, #tpu.memory_space<vmem>>, vector<16xf32>,
    tpu.vector_store %arg9[%swap3A_1832, %swap3A_1833], %add3A_1830 {strides = array<i32>} : memref<16x64xf32, #tpu.memory_space<vmem>>, vector<16xf32>,
    %get3A_1835 = arith.constant 12 : i32
    %get3A_1836 = arith.index_cast %get3A_1835 : i32 to index
    %get3A_1837 = arith.constant 32 : index
    %get3A_1838 = tpu.vector_load %arg9[%get3A_1836, %get3A_1837] {strides = array<i32>} : memref<16x64xf32, #tpu.memory_space<vmem>>, vector<16xf32>,
    %get3A_1839 = arith.constant 12 : i32
    %get3A_1840 = arith.index_cast %get3A_1839 : i32 to index
    %get3A_1841 = arith.constant 32 : index
    %get3A_1842 = tpu.vector_load %arg10[%get3A_1840, %get3A_1841] {strides = array<i32>} : memref<16x128xf32, #tpu.memory_space<vmem>>, vector<16xf32>,
    %sub3A_1843 = arith.subf %get3A_1842, %get3A_1838 : vector<16xf32>
    %add3A_1844 = arith.addf %get3A_1838, %sub3A_1843 : vector<16xf32>
    %swap3A_1845 = arith.constant 12 : i32
    %swap3A_1846 = arith.index_cast %swap3A_1845 : i32 to index
    %swap3A_1847 = arith.constant 32 : index
    %swap3A_1848 = tpu.vector_load %arg9[%swap3A_1846, %swap3A_1847] {strides = array<i32>} : memref<16x64xf32, #tpu.memory_space<vmem>>, vector<16xf32>,
    tpu.vector_store %arg9[%swap3A_1846, %swap3A_1847], %add3A_1844 {strides = array<i32>} : memref<16x64xf32, #tpu.memory_space<vmem>>, vector<16xf32>,
    %get3A_1849 = arith.constant 12 : i32
    %get3A_1850 = arith.index_cast %get3A_1849 : i32 to index
    %get3A_1851 = arith.constant 48 : index
    %get3A_1852 = tpu.vector_load %arg9[%get3A_1850, %get3A_1851] {strides = array<i32>} : memref<16x64xf32, #tpu.memory_space<vmem>>, vector<16xf32>,
    %get3A_1853 = arith.constant 12 : i32
    %get3A_1854 = arith.index_cast %get3A_1853 : i32 to index
    %get3A_1855 = arith.constant 48 : index
    %get3A_1856 = tpu.vector_load %arg10[%get3A_1854, %get3A_1855] {strides = array<i32>} : memref<16x128xf32, #tpu.memory_space<vmem>>, vector<16xf32>,
    %sub3A_1857 = arith.subf %get3A_1856, %get3A_1852 : vector<16xf32>
    %add3A_1858 = arith.addf %get3A_1852, %sub3A_1857 : vector<16xf32>
    %swap3A_1859 = arith.constant 12 : i32
    %swap3A_1860 = arith.index_cast %swap3A_1859 : i32 to index
    %swap3A_1861 = arith.constant 48 : index
    %swap3A_1862 = tpu.vector_load %arg9[%swap3A_1860, %swap3A_1861] {strides = array<i32>} : memref<16x64xf32, #tpu.memory_space<vmem>>, vector<16xf32>,
    tpu.vector_store %arg9[%swap3A_1860, %swap3A_1861], %add3A_1858 {strides = array<i32>} : memref<16x64xf32, #tpu.memory_space<vmem>>, vector<16xf32>,
    %get3A_1863 = arith.constant 13 : i32
    %get3A_1864 = arith.index_cast %get3A_1863 : i32 to index
    %get3A_1865 = arith.constant 0 : index
    %get3A_1866 = tpu.vector_load %arg9[%get3A_1864, %get3A_1865] {strides = array<i32>} : memref<16x64xf32, #tpu.memory_space<vmem>>, vector<16xf32>,
    %get3A_1867 = arith.constant 13 : i32
    %get3A_1868 = arith.index_cast %get3A_1867 : i32 to index
    %get3A_1869 = arith.constant 0 : index
    %get3A_1870 = tpu.vector_load %arg10[%get3A_1868, %get3A_1869] {strides = array<i32>} : memref<16x128xf32, #tpu.memory_space<vmem>>, vector<16xf32>,
    %sub3A_1871 = arith.subf %get3A_1870, %get3A_1866 : vector<16xf32>
    %add3A_1872 = arith.addf %get3A_1866, %sub3A_1871 : vector<16xf32>
    %swap3A_1873 = arith.constant 13 : i32
    %swap3A_1874 = arith.index_cast %swap3A_1873 : i32 to index
    %swap3A_1875 = arith.constant 0 : index
    %swap3A_1876 = tpu.vector_load %arg9[%swap3A_1874, %swap3A_1875] {strides = array<i32>} : memref<16x64xf32, #tpu.memory_space<vmem>>, vector<16xf32>,
    tpu.vector_store %arg9[%swap3A_1874, %swap3A_1875], %add3A_1872 {strides = array<i32>} : memref<16x64xf32, #tpu.memory_space<vmem>>, vector<16xf32>,
    %get3A_1877 = arith.constant 13 : i32
    %get3A_1878 = arith.index_cast %get3A_1877 : i32 to index
    %get3A_1879 = arith.constant 16 : index
    %get3A_1880 = tpu.vector_load %arg9[%get3A_1878, %get3A_1879] {strides = array<i32>} : memref<16x64xf32, #tpu.memory_space<vmem>>, vector<16xf32>,
    %get3A_1881 = arith.constant 13 : i32
    %get3A_1882 = arith.index_cast %get3A_1881 : i32 to index
    %get3A_1883 = arith.constant 16 : index
    %get3A_1884 = tpu.vector_load %arg10[%get3A_1882, %get3A_1883] {strides = array<i32>} : memref<16x128xf32, #tpu.memory_space<vmem>>, vector<16xf32>,
    %sub3A_1885 = arith.subf %get3A_1884, %get3A_1880 : vector<16xf32>
    %add3A_1886 = arith.addf %get3A_1880, %sub3A_1885 : vector<16xf32>
    %swap3A_1887 = arith.constant 13 : i32
    %swap3A_1888 = arith.index_cast %swap3A_1887 : i32 to index
    %swap3A_1889 = arith.constant 16 : index
    %swap3A_1890 = tpu.vector_load %arg9[%swap3A_1888, %swap3A_1889] {strides = array<i32>} : memref<16x64xf32, #tpu.memory_space<vmem>>, vector<16xf32>,
    tpu.vector_store %arg9[%swap3A_1888, %swap3A_1889], %add3A_1886 {strides = array<i32>} : memref<16x64xf32, #tpu.memory_space<vmem>>, vector<16xf32>,
    %get3A_1891 = arith.constant 13 : i32
    %get3A_1892 = arith.index_cast %get3A_1891 : i32 to index
    %get3A_1893 = arith.constant 32 : index
    %get3A_1894 = tpu.vector_load %arg9[%get3A_1892, %get3A_1893] {strides = array<i32>} : memref<16x64xf32, #tpu.memory_space<vmem>>, vector<16xf32>,
    %get3A_1895 = arith.constant 13 : i32
    %get3A_1896 = arith.index_cast %get3A_1895 : i32 to index
    %get3A_1897 = arith.constant 32 : index
    %get3A_1898 = tpu.vector_load %arg10[%get3A_1896, %get3A_1897] {strides = array<i32>} : memref<16x128xf32, #tpu.memory_space<vmem>>, vector<16xf32>,
    %sub3A_1899 = arith.subf %get3A_1898, %get3A_1894 : vector<16xf32>
    %add3A_1900 = arith.addf %get3A_1894, %sub3A_1899 : vector<16xf32>
    %swap3A_1901 = arith.constant 13 : i32
    %swap3A_1902 = arith.index_cast %swap3A_1901 : i32 to index
    %swap3A_1903 = arith.constant 32 : index
    %swap3A_1904 = tpu.vector_load %arg9[%swap3A_1902, %swap3A_1903] {strides = array<i32>} : memref<16x64xf32, #tpu.memory_space<vmem>>, vector<16xf32>,
    tpu.vector_store %arg9[%swap3A_1902, %swap3A_1903], %add3A_1900 {strides = array<i32>} : memref<16x64xf32, #tpu.memory_space<vmem>>, vector<16xf32>,
    %get3A_1905 = arith.constant 13 : i32
    %get3A_1906 = arith.index_cast %get3A_1905 : i32 to index
    %get3A_1907 = arith.constant 48 : index
    %get3A_1908 = tpu.vector_load %arg9[%get3A_1906, %get3A_1907] {strides = array<i32>} : memref<16x64xf32, #tpu.memory_space<vmem>>, vector<16xf32>,
    %get3A_1909 = arith.constant 13 : i32
    %get3A_1910 = arith.index_cast %get3A_1909 : i32 to index
    %get3A_1911 = arith.constant 48 : index
    %get3A_1912 = tpu.vector_load %arg10[%get3A_1910, %get3A_1911] {strides = array<i32>} : memref<16x128xf32, #tpu.memory_space<vmem>>, vector<16xf32>,
    %sub3A_1913 = arith.subf %get3A_1912, %get3A_1908 : vector<16xf32>
    %add3A_1914 = arith.addf %get3A_1908, %sub3A_1913 : vector<16xf32>
    %swap3A_1915 = arith.constant 13 : i32
    %swap3A_1916 = arith.index_cast %swap3A_1915 : i32 to index
    %swap3A_1917 = arith.constant 48 : index
    %swap3A_1918 = tpu.vector_load %arg9[%swap3A_1916, %swap3A_1917] {strides = array<i32>} : memref<16x64xf32, #tpu.memory_space<vmem>>, vector<16xf32>,
    tpu.vector_store %arg9[%swap3A_1916, %swap3A_1917], %add3A_1914 {strides = array<i32>} : memref<16x64xf32, #tpu.memory_space<vmem>>, vector<16xf32>,
    %get3A_1919 = arith.constant 14 : i32
    %get3A_1920 = arith.index_cast %get3A_1919 : i32 to index
    %get3A_1921 = arith.constant 0 : index
    %get3A_1922 = tpu.vector_load %arg9[%get3A_1920, %get3A_1921] {strides = array<i32>} : memref<16x64xf32, #tpu.memory_space<vmem>>, vector<16xf32>,
    %get3A_1923 = arith.constant 14 : i32
    %get3A_1924 = arith.index_cast %get3A_1923 : i32 to index
    %get3A_1925 = arith.constant 0 : index
    %get3A_1926 = tpu.vector_load %arg10[%get3A_1924, %get3A_1925] {strides = array<i32>} : memref<16x128xf32, #tpu.memory_space<vmem>>, vector<16xf32>,
    %sub3A_1927 = arith.subf %get3A_1926, %get3A_1922 : vector<16xf32>
    %add3A_1928 = arith.addf %get3A_1922, %sub3A_1927 : vector<16xf32>
    %swap3A_1929 = arith.constant 14 : i32
    %swap3A_1930 = arith.index_cast %swap3A_1929 : i32 to index
    %swap3A_1931 = arith.constant 0 : index
    %swap3A_1932 = tpu.vector_load %arg9[%swap3A_1930, %swap3A_1931] {strides = array<i32>} : memref<16x64xf32, #tpu.memory_space<vmem>>, vector<16xf32>,
    tpu.vector_store %arg9[%swap3A_1930, %swap3A_1931], %add3A_1928 {strides = array<i32>} : memref<16x64xf32, #tpu.memory_space<vmem>>, vector<16xf32>,
    %get3A_1933 = arith.constant 14 : i32
    %get3A_1934 = arith.index_cast %get3A_1933 : i32 to index
    %get3A_1935 = arith.constant 16 : index
    %get3A_1936 = tpu.vector_load %arg9[%get3A_1934, %get3A_1935] {strides = array<i32>} : memref<16x64xf32, #tpu.memory_space<vmem>>, vector<16xf32>,
    %get3A_1937 = arith.constant 14 : i32
    %get3A_1938 = arith.index_cast %get3A_1937 : i32 to index
    %get3A_1939 = arith.constant 16 : index
    %get3A_1940 = tpu.vector_load %arg10[%get3A_1938, %get3A_1939] {strides = array<i32>} : memref<16x128xf32, #tpu.memory_space<vmem>>, vector<16xf32>,
    %sub3A_1941 = arith.subf %get3A_1940, %get3A_1936 : vector<16xf32>
    %add3A_1942 = arith.addf %get3A_1936, %sub3A_1941 : vector<16xf32>
    %swap3A_1943 = arith.constant 14 : i32
    %swap3A_1944 = arith.index_cast %swap3A_1943 : i32 to index
    %swap3A_1945 = arith.constant 16 : index
    %swap3A_1946 = tpu.vector_load %arg9[%swap3A_1944, %swap3A_1945] {strides = array<i32>} : memref<16x64xf32, #tpu.memory_space<vmem>>, vector<16xf32>,
    tpu.vector_store %arg9[%swap3A_1944, %swap3A_1945], %add3A_1942 {strides = array<i32>} : memref<16x64xf32, #tpu.memory_space<vmem>>, vector<16xf32>,
    %get3A_1947 = arith.constant 14 : i32
    %get3A_1948 = arith.index_cast %get3A_1947 : i32 to index
    %get3A_1949 = arith.constant 32 : index
    %get3A_1950 = tpu.vector_load %arg9[%get3A_1948, %get3A_1949] {strides = array<i32>} : memref<16x64xf32, #tpu.memory_space<vmem>>, vector<16xf32>,
    %get3A_1951 = arith.constant 14 : i32
    %get3A_1952 = arith.index_cast %get3A_1951 : i32 to index
    %get3A_1953 = arith.constant 32 : index
    %get3A_1954 = tpu.vector_load %arg10[%get3A_1952, %get3A_1953] {strides = array<i32>} : memref<16x128xf32, #tpu.memory_space<vmem>>, vector<16xf32>,
    %sub3A_1955 = arith.subf %get3A_1954, %get3A_1950 : vector<16xf32>
    %add3A_1956 = arith.addf %get3A_1950, %sub3A_1955 : vector<16xf32>
    %swap3A_1957 = arith.constant 14 : i32
    %swap3A_1958 = arith.index_cast %swap3A_1957 : i32 to index
    %swap3A_1959 = arith.constant 32 : index
    %swap3A_1960 = tpu.vector_load %arg9[%swap3A_1958, %swap3A_1959] {strides = array<i32>} : memref<16x64xf32, #tpu.memory_space<vmem>>, vector<16xf32>,
    tpu.vector_store %arg9[%swap3A_1958, %swap3A_1959], %add3A_1956 {strides = array<i32>} : memref<16x64xf32, #tpu.memory_space<vmem>>, vector<16xf32>,
    %get3A_1961 = arith.constant 14 : i32
    %get3A_1962 = arith.index_cast %get3A_1961 : i32 to index
    %get3A_1963 = arith.constant 48 : index
    %get3A_1964 = tpu.vector_load %arg9[%get3A_1962, %get3A_1963] {strides = array<i32>} : memref<16x64xf32, #tpu.memory_space<vmem>>, vector<16xf32>,
    %get3A_1965 = arith.constant 14 : i32
    %get3A_1966 = arith.index_cast %get3A_1965 : i32 to index
    %get3A_1967 = arith.constant 48 : index
    %get3A_1968 = tpu.vector_load %arg10[%get3A_1966, %get3A_1967] {strides = array<i32>} : memref<16x128xf32, #tpu.memory_space<vmem>>, vector<16xf32>,
    %sub3A_1969 = arith.subf %get3A_1968, %get3A_1964 : vector<16xf32>
    %add3A_1970 = arith.addf %get3A_1964, %sub3A_1969 : vector<16xf32>
    %swap3A_1971 = arith.constant 14 : i32
    %swap3A_1972 = arith.index_cast %swap3A_1971 : i32 to index
    %swap3A_1973 = arith.constant 48 : index
    %swap3A_1974 = tpu.vector_load %arg9[%swap3A_1972, %swap3A_1973] {strides = array<i32>} : memref<16x64xf32, #tpu.memory_space<vmem>>, vector<16xf32>,
    tpu.vector_store %arg9[%swap3A_1972, %swap3A_1973], %add3A_1970 {strides = array<i32>} : memref<16x64xf32, #tpu.memory_space<vmem>>, vector<16xf32>,
    %get3A_1975 = arith.constant 15 : i32
    %get3A_1976 = arith.index_cast %get3A_1975 : i32 to index
    %get3A_1977 = arith.constant 0 : index
    %get3A_1978 = tpu.vector_load %arg9[%get3A_1976, %get3A_1977] {strides = array<i32>} : memref<16x64xf32, #tpu.memory_space<vmem>>, vector<16xf32>,
    %get3A_1979 = arith.constant 15 : i32
    %get3A_1980 = arith.index_cast %get3A_1979 : i32 to index
    %get3A_1981 = arith.constant 0 : index
    %get3A_1982 = tpu.vector_load %arg10[%get3A_1980, %get3A_1981] {strides = array<i32>} : memref<16x128xf32, #tpu.memory_space<vmem>>, vector<16xf32>,
    %sub3A_1983 = arith.subf %get3A_1982, %get3A_1978 : vector<16xf32>
    %add3A_1984 = arith.addf %get3A_1978, %sub3A_1983 : vector<16xf32>
    %swap3A_1985 = arith.constant 15 : i32
    %swap3A_1986 = arith.index_cast %swap3A_1985 : i32 to index
    %swap3A_1987 = arith.constant 0 : index
    %swap3A_1988 = tpu.vector_load %arg9[%swap3A_1986, %swap3A_1987] {strides = array<i32>} : memref<16x64xf32, #tpu.memory_space<vmem>>, vector<16xf32>,
    tpu.vector_store %arg9[%swap3A_1986, %swap3A_1987], %add3A_1984 {strides = array<i32>} : memref<16x64xf32, #tpu.memory_space<vmem>>, vector<16xf32>,
    %get3A_1989 = arith.constant 15 : i32
    %get3A_1990 = arith.index_cast %get3A_1989 : i32 to index
    %get3A_1991 = arith.constant 16 : index
    %get3A_1992 = tpu.vector_load %arg9[%get3A_1990, %get3A_1991] {strides = array<i32>} : memref<16x64xf32, #tpu.memory_space<vmem>>, vector<16xf32>,
    %get3A_1993 = arith.constant 15 : i32
    %get3A_1994 = arith.index_cast %get3A_1993 : i32 to index
    %get3A_1995 = arith.constant 16 : index
    %get3A_1996 = tpu.vector_load %arg10[%get3A_1994, %get3A_1995] {strides = array<i32>} : memref<16x128xf32, #tpu.memory_space<vmem>>, vector<16xf32>,
    %sub3A_1997 = arith.subf %get3A_1996, %get3A_1992 : vector<16xf32>
    %add3A_1998 = arith.addf %get3A_1992, %sub3A_1997 : vector<16xf32>
    %swap3A_1999 = arith.constant 15 : i32
    %swap3A_2000 = arith.index_cast %swap3A_1999 : i32 to index
    %swap3A_2001 = arith.constant 16 : index
    %swap3A_2002 = tpu.vector_load %arg9[%swap3A_2000, %swap3A_2001] {strides = array<i32>} : memref<16x64xf32, #tpu.memory_space<vmem>>, vector<16xf32>,
    tpu.vector_store %arg9[%swap3A_2000, %swap3A_2001], %add3A_1998 {strides = array<i32>} : memref<16x64xf32, #tpu.memory_space<vmem>>, vector<16xf32>,
    %get3A_2003 = arith.constant 15 : i32
    %get3A_2004 = arith.index_cast %get3A_2003 : i32 to index
    %get3A_2005 = arith.constant 32 : index
    %get3A_2006 = tpu.vector_load %arg9[%get3A_2004, %get3A_2005] {strides = array<i32>} : memref<16x64xf32, #tpu.memory_space<vmem>>, vector<16xf32>,
    %get3A_2007 = arith.constant 15 : i32
    %get3A_2008 = arith.index_cast %get3A_2007 : i32 to index
    %get3A_2009 = arith.constant 32 : index
    %get3A_2010 = tpu.vector_load %arg10[%get3A_2008, %get3A_2009] {strides = array<i32>} : memref<16x128xf32, #tpu.memory_space<vmem>>, vector<16xf32>,
    %sub3A_2011 = arith.subf %get3A_2010, %get3A_2006 : vector<16xf32>
    %add3A_2012 = arith.addf %get3A_2006, %sub3A_2011 : vector<16xf32>
    %swap3A_2013 = arith.constant 15 : i32
    %swap3A_2014 = arith.index_cast %swap3A_2013 : i32 to index
    %swap3A_2015 = arith.constant 32 : index
    %swap3A_2016 = tpu.vector_load %arg9[%swap3A_2014, %swap3A_2015] {strides = array<i32>} : memref<16x64xf32, #tpu.memory_space<vmem>>, vector<16xf32>,
    tpu.vector_store %arg9[%swap3A_2014, %swap3A_2015], %add3A_2012 {strides = array<i32>} : memref<16x64xf32, #tpu.memory_space<vmem>>, vector<16xf32>,
    %get3A_2017 = arith.constant 15 : i32
    %get3A_2018 = arith.index_cast %get3A_2017 : i32 to index
    %get3A_2019 = arith.constant 48 : index
    %get3A_2020 = tpu.vector_load %arg9[%get3A_2018, %get3A_2019] {strides = array<i32>} : memref<16x64xf32, #tpu.memory_space<vmem>>, vector<16xf32>,
    %get3A_2021 = arith.constant 15 : i32
    %get3A_2022 = arith.index_cast %get3A_2021 : i32 to index
    %get3A_2023 = arith.constant 48 : index
    %get3A_2024 = tpu.vector_load %arg10[%get3A_2022, %get3A_2023] {strides = array<i32>} : memref<16x128xf32, #tpu.memory_space<vmem>>, vector<16xf32>,
    %sub3A_2025 = arith.subf %get3A_2024, %get3A_2020 : vector<16xf32>
    %add3A_2026 = arith.addf %get3A_2020, %sub3A_2025 : vector<16xf32>
    %swap3A_2027 = arith.constant 15 : i32
    %swap3A_2028 = arith.index_cast %swap3A_2027 : i32 to index
    %swap3A_2029 = arith.constant 48 : index
    %swap3A_2030 = tpu.vector_load %arg9[%swap3A_2028, %swap3A_2029] {strides = array<i32>} : memref<16x64xf32, #tpu.memory_space<vmem>>, vector<16xf32>,
    tpu.vector_store %arg9[%swap3A_2028, %swap3A_2029], %add3A_2026 {strides = array<i32>} : memref<16x64xf32, #tpu.memory_space<vmem>>, vector<16xf32>,
    "tpu.region"() ({
      %run_scoped3A = tpu.sem_alloc : memref<!tpu.dma_semaphore, #tpu.memory_space<semaphore_mem>>
      %dma_start3A_2031 = arith.constant 0 : i32
      %dma_start3A_2032 = arith.constant 0 : i32
      %dma_start3A_2033 = tpu.memref_slice %arg5[%add3A, %dma_start3A_2031, %dma_start3A_2032] : memref<32x16x64xf32, #tpu.memory_space<hbm>> -> memref<1x16x64xf32, #tpu.memory_space<hbm>>
      %dma_start3A_2034 = tpu.memref_squeeze %dma_start3A_2033 : memref<1x16x64xf32, #tpu.memory_space<hbm>> -> memref<16x64xf32, #tpu.memory_space<hbm>>
      %dma_start3A_2035 = arith.constant 0 : i32
      %dma_start3A_2036 = arith.constant 0 : i32
      %dma_start3A_2037 = tpu.memref_slice %arg5[%add3A, %dma_start3A_2035, %dma_start3A_2036] : memref<32x16x64xf32, #tpu.memory_space<hbm>> -> memref<1x16x64xf32, #tpu.memory_space<hbm>>
      %dma_start3A_2038 = tpu.memref_squeeze %dma_start3A_2037 : memref<1x16x64xf32, #tpu.memory_space<hbm>> -> memref<16x64xf32, #tpu.memory_space<hbm>>
      tpu.enqueue_dma source(%arg9 : memref<16x64xf32, #tpu.memory_space<vmem>>) target(%dma_start3A_2038 : memref<16x64xf32, #tpu.memory_space<hbm>>) target_semaphore(%run_scoped3A : memref<!tpu.dma_semaphore, #tpu.memory_space<semaphore_mem>>)
      %dma_wait3A_2039 = arith.constant 0 : i32
      %dma_wait3A_2040 = arith.constant 0 : i32
      %dma_wait3A_2041 = tpu.memref_slice %arg5[%add3A, %dma_wait3A_2039, %dma_wait3A_2040] : memref<32x16x64xf32, #tpu.memory_space<hbm>> -> memref<1x16x64xf32, #tpu.memory_space<hbm>>
      %dma_wait3A_2042 = tpu.memref_squeeze %dma_wait3A_2041 : memref<1x16x64xf32, #tpu.memory_space<hbm>> -> memref<16x64xf32, #tpu.memory_space<hbm>>
      %dma_wait3A_2043 = arith.constant 0 : i32
      %dma_wait3A_2044 = arith.constant 0 : i32
      %dma_wait3A_2045 = tpu.memref_slice %arg5[%add3A, %dma_wait3A_2043, %dma_wait3A_2044] : memref<32x16x64xf32, #tpu.memory_space<hbm>> -> memref<1x16x64xf32, #tpu.memory_space<hbm>>
      %dma_wait3A_2046 = tpu.memref_squeeze %dma_wait3A_2045 : memref<1x16x64xf32, #tpu.memory_space<hbm>> -> memref<16x64xf32, #tpu.memory_space<hbm>>
      tpu.wait_dma2 semaphore(%run_scoped3A : memref<!tpu.dma_semaphore, #tpu.memory_space<semaphore_mem>>) src(%arg9 : memref<16x64xf32, #tpu.memory_space<vmem>>) dst(%dma_wait3A_2046 : memref<16x64xf32, #tpu.memory_space<hbm>>)
      tpu.yield
    }) : () -> ()
    return
  }
}

module attributes {stable_mosaic.version = 14 : i64} {
  func.func @_tc_dist(%arg0: memref<32x16x64xf32, #tpu.memory_space<vmem>>, %arg1: memref<1025x64xf32, #tpu.memory_space<vmem>>, %arg2: memref<32x16x1040xf32, #tpu.memory_space<vmem>>, %arg3: memref<1025x128xf32, #tpu.memory_space<vmem>>) attributes {dimension_semantics = [], scalar_prefetch = 0 : i64, scratch_operands = 0 : i64, tpu.core_type = #tpu.core_type<tc>} {
    %get3A = arith.constant 0 : index
    %get3A_0 = arith.constant 0 : index
    %get3A_1 = arith.constant 0 : index
    %get3A_2 = vector.load %arg0[%get3A, %get3A_0, %get3A_1] : memref<32x16x64xf32, #tpu.memory_space<vmem>>, vector<32x16x64xf32>
    %reshape3A = vector.shape_cast %get3A_2 : vector<32x16x64xf32> to vector<512x64xf32>
    %get3A_3 = arith.constant 0 : index
    %get3A_4 = arith.constant 0 : index
    %get3A_5 = vector.load %arg1[%get3A_3, %get3A_4] : memref<1025x64xf32, #tpu.memory_space<vmem>>, vector<1025x64xf32>
    %broadcast_in_dim3A = arith.constant 0.000000e+00 : f32
    %broadcast_in_dim3A_6 = vector.broadcast %broadcast_in_dim3A : f32 to vector<15x64xf32>
    %concatenate3A = tpu.concatenate %get3A_5, %broadcast_in_dim3A_6 in 0 : vector<1025x64xf32>, vector<15x64xf32> -> vector<1040x64xf32>
    %mul3A = arith.mulf %reshape3A, %reshape3A : vector<512x64xf32>
    %reduce_sum3A = arith.constant dense<0.000000e+00> : vector<512xf32>
    %reduce_sum3A_7 = vector.multi_reduction <add>, %mul3A, %reduce_sum3A [1] : vector<512x64xf32> to vector<512xf32>
    %broadcast_in_dim3A_8 = vector.shape_cast %reduce_sum3A_7 : vector<512xf32> to vector<512x1xf32>
    %mul3A_9 = arith.mulf %concatenate3A, %concatenate3A : vector<1040x64xf32>
    %broadcast_in_dim3A_10 = arith.constant 1.000000e+00 : f32
    %broadcast_in_dim3A_11 = vector.broadcast %broadcast_in_dim3A_10 : f32 to vector<1x64xf32>
    %dot_general3A = arith.constant dense<0.000000e+00> : vector<1x1040xf32>
    %dot_general3A_12 = tpu.matmul %broadcast_in_dim3A_11, %mul3A_9, %dot_general3A {dimension_numbers = #tpu.dot_dimension_numbers<[1], [1], [0], [0], [0, 0, 1, 0], [], []>, transpose_lhs_hint = false} : vector<1x64xf32>, vector<1040x64xf32>, vector<1x1040xf32> -> vector<1x1040xf32>
    %iota3A = tpu.iota {dimensions = array<i32: 1>} : vector<1x1040xi32>
    %lt3A = arith.constant 1025 : i32
    %lt3A_13 = vector.broadcast %lt3A : i32 to vector<1x1040xi32>
    %lt3A_14 = arith.cmpi slt, %iota3A, %lt3A_13 : vector<1x1040xi32>
    %jit3A = arith.constant 1.000000e+30 : f32
    %broadcast_in_dim3A_15 = vector.broadcast %jit3A : f32 to vector<1x1040xf32>
    %select_n3A = arith.select %lt3A_14, %dot_general3A_12, %broadcast_in_dim3A_15 : vector<1x1040xi1>, vector<1x1040xf32>
    %dot_general3A_16 = arith.constant dense<0.000000e+00> : vector<512x1040xf32>
    %dot_general3A_17 = tpu.matmul %reshape3A, %concatenate3A, %dot_general3A_16 {dimension_numbers = #tpu.dot_dimension_numbers<[1], [1], [0], [0], [0, 0, 1, 0], [], []>, transpose_lhs_hint = false} : vector<512x64xf32>, vector<1040x64xf32>, vector<512x1040xf32> -> vector<512x1040xf32>
    %add3A = vector.broadcast %broadcast_in_dim3A_8 : vector<512x1xf32> to vector<512x1040xf32>
    %add3A_18 = vector.broadcast %select_n3A : vector<1x1040xf32> to vector<512x1040xf32>
    %add3A_19 = arith.addf %add3A, %add3A_18 : vector<512x1040xf32>
    %mul3A_20 = arith.constant 2.000000e+00 : f32
    %mul3A_21 = vector.broadcast %mul3A_20 : f32 to vector<512x1040xf32>
    %mul3A_22 = arith.mulf %mul3A_21, %dot_general3A_17 : vector<512x1040xf32>
    %sub3A = arith.subf %add3A_19, %mul3A_22 : vector<512x1040xf32>
    %reshape3A_23 = vector.shape_cast %sub3A : vector<512x1040xf32> to vector<32x16x1040xf32>
    %swap3A = arith.constant 0 : index
    %swap3A_24 = arith.constant 0 : index
    %swap3A_25 = arith.constant 0 : index
    %swap3A_26 = vector.load %arg2[%swap3A, %swap3A_24, %swap3A_25] : memref<32x16x1040xf32, #tpu.memory_space<vmem>>, vector<32x16x1040xf32>
    tpu.vector_store %arg2[%swap3A, %swap3A_24, %swap3A_25], %reshape3A_23 {strides = array<i32>} : memref<32x16x1040xf32, #tpu.memory_space<vmem>>, vector<32x16x1040xf32>,
    %broadcast_in_dim3A_27 = arith.constant 0.000000e+00 : f32
    %broadcast_in_dim3A_28 = vector.broadcast %broadcast_in_dim3A_27 : f32 to vector<1025x64xf32>
    %concatenate3A_29 = tpu.concatenate %get3A_5, %broadcast_in_dim3A_28 in 1 : vector<1025x64xf32>, vector<1025x64xf32> -> vector<1025x128xf32>
    %swap3A_30 = arith.constant 0 : index
    %swap3A_31 = arith.constant 0 : index
    %swap3A_32 = vector.load %arg3[%swap3A_30, %swap3A_31] : memref<1025x128xf32, #tpu.memory_space<vmem>>, vector<1025x128xf32>
    tpu.vector_store %arg3[%swap3A_30, %swap3A_31], %concatenate3A_29 {strides = array<i32>} : memref<1025x128xf32, #tpu.memory_space<vmem>>, vector<1025x128xf32>,
    return
  }
}

module attributes {stable_mosaic.version = 14 : i64} {
  func.func @_tc_loss(%arg0: memref<32x16x1040xf32, #tpu.memory_space<vmem>>, %arg1: memref<32x16x16xf32, #tpu.memory_space<vmem>>, %arg2: memref<32x16xi32, #tpu.memory_space<vmem>>, %arg3: memref<1x1xf32, #tpu.memory_space<vmem>>, %arg4: memref<1x1xi32, #tpu.memory_space<vmem>>) attributes {dimension_semantics = [], scalar_prefetch = 0 : i64, scratch_operands = 0 : i64, tpu.core_type = #tpu.core_type<tc>} {
    %get3A = arith.constant 0 : index
    %get3A_0 = arith.constant 0 : index
    %get3A_1 = arith.constant 0 : index
    %get3A_2 = vector.load %arg0[%get3A, %get3A_0, %get3A_1] : memref<32x16x1040xf32, #tpu.memory_space<vmem>>, vector<32x16x1040xf32>
    %reshape3A = vector.shape_cast %get3A_2 : vector<32x16x1040xf32> to vector<512x1040xf32>
    %get3A_3 = arith.constant 0 : index
    %get3A_4 = arith.constant 0 : index
    %get3A_5 = arith.constant 0 : index
    %get3A_6 = vector.load %arg1[%get3A_3, %get3A_4, %get3A_5] : memref<32x16x16xf32, #tpu.memory_space<vmem>>, vector<32x16x16xf32>
    %reshape3A_7 = vector.shape_cast %get3A_6 : vector<32x16x16xf32> to vector<512x16xf32>
    %slice3A = vector.extract_strided_slice %reshape3A_7 {offsets = [0, 0], sizes = [512, 1], strides = [1, 1]} : vector<512x16xf32> to vector<512x1xf32>
    %sub3A = vector.broadcast %slice3A : vector<512x1xf32> to vector<512x1040xf32>
    %sub3A_8 = arith.subf %sub3A, %reshape3A : vector<512x1040xf32>
    %add3A = arith.constant 9.76562497E-10 : f32
    %add3A_9 = vector.broadcast %add3A : f32 to vector<512x1040xf32>
    %add3A_10 = arith.addf %sub3A_8, %add3A_9 : vector<512x1040xf32>
    %max3A = arith.constant 0.000000e+00 : f32
    %max3A_11 = vector.broadcast %max3A : f32 to vector<512x1040xf32>
    %max3A_12 = arith.maximumf %add3A_10, %max3A_11 : vector<512x1040xf32>
    %reduce_sum3A = arith.constant dense<0.000000e+00> : vector<512xf32>
    %reduce_sum3A_13 = vector.multi_reduction <add>, %max3A_12, %reduce_sum3A [1] : vector<512x1040xf32> to vector<512xf32>
    %broadcast_in_dim3A = vector.shape_cast %reduce_sum3A_13 : vector<512xf32> to vector<512x1xf32>
    %reduce_sum3A_14 = arith.constant dense<0.000000e+00> : vector<1xf32>
    %reduce_sum3A_15 = vector.multi_reduction <add>, %broadcast_in_dim3A, %reduce_sum3A_14 [0] : vector<512x1xf32> to vector<1xf32>
    %broadcast_in_dim3A_16 = vector.shape_cast %reduce_sum3A_15 : vector<1xf32> to vector<1x1xf32>
    %div3A = arith.constant 5.248000e+05 : f32
    %div3A_17 = vector.broadcast %div3A : f32 to vector<1x1xf32>
    %div3A_18 = arith.divf %broadcast_in_dim3A_16, %div3A_17 : vector<1x1xf32>
    %mul3A = arith.constant 2.500000e-01 : f32
    %mul3A_19 = vector.broadcast %mul3A : f32 to vector<1x1xf32>
    %mul3A_20 = arith.mulf %mul3A_19, %div3A_18 : vector<1x1xf32>
    %add3A_21 = arith.addf %mul3A_20, %div3A_18 : vector<1x1xf32>
    %swap3A = arith.constant 0 : index
    %swap3A_22 = arith.constant 0 : index
    %swap3A_23 = vector.load %arg3[%swap3A, %swap3A_22] : memref<1x1xf32, #tpu.memory_space<vmem>>, vector<1x1xf32>
    tpu.vector_store %arg3[%swap3A, %swap3A_22], %add3A_21 {strides = array<i32>} : memref<1x1xf32, #tpu.memory_space<vmem>>, vector<1x1xf32>,
    %get3A_24 = arith.constant 0 : index
    %get3A_25 = arith.constant 0 : index
    %get3A_26 = vector.load %arg2[%get3A_24, %get3A_25] : memref<32x16xi32, #tpu.memory_space<vmem>>, vector<32x16xi32>
    %reduce_max3A = arith.constant dense<-2147483648> : vector<32xi32>
    %reduce_max3A_27 = vector.multi_reduction <maxsi>, %get3A_26, %reduce_max3A [1] : vector<32x16xi32> to vector<32xi32>
    %broadcast_in_dim3A_28 = vector.shape_cast %reduce_max3A_27 : vector<32xi32> to vector<32x1xi32>
    %reduce_min3A = arith.constant dense<2147483647> : vector<32xi32>
    %reduce_min3A_29 = vector.multi_reduction <minsi>, %get3A_26, %reduce_min3A [1] : vector<32x16xi32> to vector<32xi32>
    %broadcast_in_dim3A_30 = vector.shape_cast %reduce_min3A_29 : vector<32xi32> to vector<32x1xi32>
    %sub3A_31 = arith.subi %broadcast_in_dim3A_28, %broadcast_in_dim3A_30 : vector<32x1xi32>
    %reduce_max3A_32 = arith.constant dense<-2147483648> : vector<1xi32>
    %reduce_max3A_33 = vector.multi_reduction <maxsi>, %sub3A_31, %reduce_max3A_32 [0] : vector<32x1xi32> to vector<1xi32>
    %broadcast_in_dim3A_34 = vector.shape_cast %reduce_max3A_33 : vector<1xi32> to vector<1x1xi32>
    %swap3A_35 = arith.constant 0 : index
    %swap3A_36 = arith.constant 0 : index
    %swap3A_37 = vector.load %arg4[%swap3A_35, %swap3A_36] : memref<1x1xi32, #tpu.memory_space<vmem>>, vector<1x1xi32>
    tpu.vector_store %arg4[%swap3A_35, %swap3A_36], %broadcast_in_dim3A_34 {strides = array<i32>} : memref<1x1xi32, #tpu.memory_space<vmem>>, vector<1x1xi32>,
    return
  }
}

</mosaic_0001>

<sc_bundles>
// kernel: kernel.5.cloned.1.call-start
scs
__scs_entry_jumppad:
0x0: {  	(pc) =	sbr.rel $0x88, $3  }
0x1: {  	(tag) =	ssettag $0x0;
	lr =	simm.s32 $0x1  }
0x2: {  	[smem:$0x3F9F] =	sst lr;
	_ =	strace $0xD0000000  }
0x3: {  	_ = 	snop  }
0x4: {  	_ = 	snop  }
0x5: {  	_ = 	snop  }
0x6: {  	_ = 	snop  }
0x7: {  	_ = 	snop  }
__scs_overlays_trampoline_lowered:
0x8: {  	[smem:$0x3FAE] =	sst s0  }
0x9: {  	[smem:$0x3FAF] =	sst s1  }
0xa: {  	[smem:$0x3FB0] =	sst s2  }
0xb: {  	[smem:$0x3FB1] =	sst s3  }
0xc: {  	[smem:$0x3FB2] =	sst s4  }
0xd: {  	[smem:$0x3FB3] =	sst s5  }
0xe: {  	[smem:$0x3FB4] =	sst s6  }
0xf: {  	[smem:$0x3FB5] =	sst s7  }
0x10: {  	[smem:$0x3FB6] =	sst s8  }
0x11: {  	[smem:$0x3FB7] =	sst s9;
	s0 =	simm.s32 @!p0 $0x0  }
0x12: {  	s1 =	sld [smem:$0x3F9D];
	s0 =	simm.s32 @p0 $0x1  }
0x13: {  	[smem:$0x3FB8] =	sst s0;
	s0 =	simm.s32 @!p1 $0x0  }
0x14: {  	s2 =	sld [smem:$0x3F9C];
	s0 =	simm.s32 @p1 $0x1  }
0x15: {  	[smem:$0x3FB9] =	sst s0;
	s0 =	simm.s32 @!p2 $0x0  }
0x16: {  	s3 =	sld [smem:$0x3FDB];
	s0 =	simm.s32 @p2 $0x1  }
0x17: {  	s4 =	simm.s32 $0x1BF5;
	[smem:$0x3FBB] =	sst s0  }
0x18: {  	s0 =	sld [smem:$0x3F9E];
	_ =	swait.ge [sflag:s4], $0x0  }
0x19: {  	s7 =	sld [smem:$0x3F9F]  }
0x1a: {  	s8 =	sadd.s32 $0xFFFFE003, lr  }
0x1b: {  	s9 =	sadd.s32 $0xFFFFFEF7, lr;
	s5 =	simm.s32 $0xFFFFFFFF;
	p2 =	slt.u32 s8, $0xFFFFF086  }
0x1c: {  	p1 =	slt.u32 s9, $0xF7A;
	s5 =	simm.s32 @!p2 $0x0  }
0x1d: {  	s5 =	simm.s32 @p1 $0x1;
	p0 =	seq.s32 s7, s2  }
0x1e: {  	s7 =	smul.u32 @!p0 $0xF7A, s2;
	p2 =	seq.s32 @!p0 s5, $0x0  }
0x1f: {  	s9 =	smul.u32 $0xF7A, s1;
	s8 =	simm.s32 @!p0 $0x1BF5;
	p2 =	por !p2, p0  }
0x20: {  	[sflag:s8] =	ssyncset.s32 @!p0 $0xFFFFF086;
	s6 =	sadd.s32 @!p0 s3, s7;
	s7 =	simm.s32 @!p0 $0x108  }
0x21: {  	s3 =	sadd.s32 s3, s9;
	s6 =	sadd.s32 @!p0 $0x88, s6;
	s7 =	simm.s32 @p2 $0x1082  }
0x22: {  	[simem:s7], [sflag:s8] =	dma.local @!p0 [hbm:s6], $0xF7A  }
0x23: {  	s9 =	sor.u32 $0xD0000000, s2;
	s6 =	simm.s32 $0x108;
	_ =	swait.ge @!p0 [sflag:s8], $0x0  }
0x24: {  	s3 =	sadd.s32 $0x88, s3;
	s6 =	simm.s32 @!p1 $0x1082;
	[sflag:s4] =	ssyncset.s32 $0xFFFFF086  }
0x25: {  	[simem:s6], [sflag:s4] =	dma.local [hbm:s3], $0xF7A  }
0x26: {  	[smem:$0x3F9F] =	sst s1;
	(tag) =	ssettag s2;
	_ =	strace s9  }
0x27: {  	s1 =	sld [smem:$0x3FAF]  }
0x28: {  	s2 =	sld [smem:$0x3FB0]  }
0x29: {  	s4 =	sld [smem:$0x3FB2]  }
0x2a: {  	p0 =	seq.s32 s5, $0x0;
	s5 =	sld [smem:$0x3FB3]  }
0x2b: {  	s6 =	sld [smem:$0x3FB4]  }
0x2c: {  	s7 =	sld [smem:$0x3FB5]  }
0x2d: {  	s3 =	simm.s32 $0x108;
	s8 =	sld [smem:$0x3FB6]  }
0x2e: {  	s3 =	simm.s32 @!p0 $0x1082;
	s9 =	sld [smem:$0x3FB7]  }
0x2f: {  	lr =	sadd.s32 s0, s3;
	s0 =	sld [smem:$0x3FAE]  }
0x30: {  	s3 =	sld [smem:$0x3FB1]  }
0x31: {  	[smem:$0x3FBA] =	sst s10  }
0x32: {  	s10 =	sld [smem:$0x3FB8];
	_ =	sdelay $0x3  }
0x33: {  	p0 =	seq.s32 s10, $0x1;
	s10 =	sld [smem:$0x3FBA];
	_ =	sdelay $0x3  }
0x34: {  	[smem:$0x3FBA] =	sst s10  }
0x35: {  	s10 =	sld [smem:$0x3FB9];
	_ =	sdelay $0x3  }
0x36: {  	p1 =	seq.s32 s10, $0x1;
	s10 =	sld [smem:$0x3FBA];
	_ =	sdelay $0x3  }
0x37: {  	[smem:$0x3FBA] =	sst s10  }
0x38: {  	s10 =	sld [smem:$0x3FBB]  }
0x39: {  	_ = 	snop;
	(pc) =	sbr.ind lr, $3  }
0x3a: {  	_ = 	snop  }
0x3b: {  	_ = 	snop  }
0x3c: {  	p2 =	seq.s32 s10, $0x1;
	s10 =	sld [smem:$0x3FBA]  }
0x3d: {  	_ =	shalt  }
0x3e: {  	_ =	shalt  }
0x3f: {  	_ =	shalt  }
0x40: {  	_ =	shalt  }
0x41: {  	_ =	shalt  }
0x42: {  	_ =	shalt  }
0x43: {  	_ =	shalt  }
0x44: {  	_ =	shalt  }
0x45: {  	_ =	shalt  }
0x46: {  	_ =	shalt  }
0x47: {  	_ =	shalt  }
0x48: {  	_ =	shalt  }
0x49: {  	_ =	shalt  }
0x4a: {  	_ =	shalt  }
0x4b: {  	_ =	shalt  }
0x4c: {  	_ =	shalt  }
0x4d: {  	_ =	shalt  }
0x4e: {  	_ =	shalt  }
0x4f: {  	_ =	shalt  }
0x50: {  	_ =	shalt  }
0x51: {  	_ =	shalt  }
0x52: {  	_ =	shalt  }
0x53: {  	_ =	shalt  }
0x54: {  	_ =	shalt  }
0x55: {  	_ =	shalt  }
0x56: {  	_ =	shalt  }
0x57: {  	_ =	shalt  }
0x58: {  	_ =	shalt  }
0x59: {  	_ =	shalt  }
0x5a: {  	_ =	shalt  }
0x5b: {  	_ =	shalt  }
0x5c: {  	_ =	shalt  }
0x5d: {  	_ =	shalt  }
0x5e: {  	_ =	shalt  }
0x5f: {  	_ =	shalt  }
0x60: {  	_ =	shalt  }
0x61: {  	_ =	shalt  }
0x62: {  	_ =	shalt  }
0x63: {  	_ =	shalt  }
0x64: {  	_ =	shalt  }
0x65: {  	_ =	shalt  }
0x66: {  	_ =	shalt  }
0x67: {  	_ =	shalt  }
0x68: {  	_ =	shalt  }
0x69: {  	_ =	shalt  }
0x6a: {  	_ =	shalt  }
0x6b: {  	_ =	shalt  }
0x6c: {  	_ =	shalt  }
0x6d: {  	_ =	shalt  }
0x6e: {  	_ =	shalt  }
0x6f: {  	_ =	shalt  }
0x70: {  	_ =	shalt  }
0x71: {  	_ =	shalt  }
0x72: {  	_ =	shalt  }
0x73: {  	_ =	shalt  }
0x74: {  	_ =	shalt  }
0x75: {  	_ =	shalt  }
0x76: {  	_ =	shalt  }
0x77: {  	_ =	shalt  }
0x78: {  	_ =	shalt  }
0x79: {  	_ =	shalt  }
0x7a: {  	_ =	shalt  }
0x7b: {  	_ =	shalt  }
0x7c: {  	_ =	shalt  }
0x7d: {  	_ =	shalt  }
0x7e: {  	_ =	shalt  }
0x7f: {  	_ =	shalt  }
0x80: {  	_ =	shalt  }
0x81: {  	_ =	shalt  }
0x82: {  	_ =	shalt  }
0x83: {  	_ =	shalt  }
0x84: {  	_ =	shalt  }
0x85: {  	_ =	shalt  }
0x86: {  	_ =	shalt  }
0x87: {  	_ =	shalt  }
.Lfunc_end0:
.L_simem_size_0:
called_computation_lowered:
.L_overlay_start_0:
0x88: {  	s2 =	sld [smem:$0x3FD9]  }
0x89: {  	s3 =	sld [smem:$0x3FFE];
	_ =	sdelay $0x1  }
0x8a: {  	s1 =	srdreg.scid  }
0x8b: {  	s0 =	sand.u32 $0x1, s1  }
0x8c: {  	s14 =	sshll.u32 s0, $0xA;
	s2 =	sadd.s32 s3, s2  }
0x8d: {  	s2 =	sadd.s32 s2, s14  }
0x8e: {  	[smem:$0x3FC6] =	sst s2  }
0x8f: {  	_ = 	snop  }
0x90: {  	s2 =	sld [smem:$0x3FD0];
	_ =	sdelay $0x2  }
0x91: {  	s4 =	simm.s32 $0xA;
	s5 =	simm.s32 $0x10;
	s15 =	sld [smem:$0x3FC9]  }
0x92: {  	[smem:s5], [sflag:s4] =	dma.local [hbm:s2], $0x1  }
0x93: {  	_ =	swait.eq [sflag:s4], $0x1  }
0x94: {  	[sflag:s4] =	ssyncset.done $0x0  }
0x95: {  	[sflag:s4] =	ssyncadd.s32 $0xFFFFFFFF  }
0x96: {  	s16 =	sld [smem:$0x10];
	(tm) =	ssettm $0x1  }
0x97: {  	s17 =	sld [smem:$0x3FFB];
	_ =	sdelay $0x3  }
0x98: {  	_ =	strace s17  }
0x99: {  	s4 =	sld [smem:$0x3FFC];
	_ =	sdelay $0x3  }
0x9a: {  	_ =	strace s4  }
0x9b: {  	s4 =	sld [smem:$0x3FFD];
	_ =	sdelay $0x3  }
0x9c: {  	_ =	strace s4  }
0x9d: {  	_ =	strace $0x8FFFFFFF  }
0x9e: {  	s18 =	sld [smem:$0x3FDB];
	_ =	sdelay $0x1  }
0x9f: {  	s19 =	simm.s32 $_scs_section_size  }
0xa0: {  	s6 =	simm.s32 $_size__tile_overlayer_lowered;
	s7 =	simm.s32 $_tile_overlayer_lowered  }
0xa1: {  	s22 =	simm.s32 $0x1BFF;
	s21 =	sshll.u32 s7, $0x1;
	s4 =	sadd.s32 s19, s18  }
0xa2: {  	s8 =	simm.s32 $0x0;
	s20 =	sshll.u32 s6, $0x1;
	s6 =	sadd.s32 s21, s4  }
0xa3: {  	[timem:s8], [sflag:s22] =	dma.local [hbm:s6], s20  }
0xa4: {  	_ =	swait.ge [sflag:s22], s20  }
0xa5: {  	s5 =	ssub.s32 $0x0, s20;
	[sflag:s22] =	ssyncset.done $0x0  }
0xa6: {  	[sflag:s22] =	ssyncadd.s32 s5;
	_ =	sdelay $0x1  }
0xa7: {  	s23 =	simm.s32 $0x1B8B  }
0xa8: {  	_ =	swait.ge [sflag:s23], $0x1  }
0xa9: {  	[sflag:s23] =	ssyncset.done $0x0  }
0xaa: {  	s25 =	simm.s32 $0x1B8E;
	s24 =	sld [smem:$0x3FFE];
	[sflag:s23] =	ssyncadd.s32 $0xFFFFFFFF  }
0xab: {  	s26 =	simm.s32 $execute0_lowered;
	[smem:$0x3FD2] =	sst s25  }
0xac: {  	s6 =	sshll.u32 s26, $0x1;
	_ =	strace $0x80000046;
	[dreg:$0x1] =	wrdreg $0xFFFFFFFF  }
0xad: {  	s28 =	simm.s32 $_size_execute0_lowered;
	s4 =	sadd.s32 s4, s6;
	[dreg:$0x0] =	wrdreg $0x0  }
0xae: {  	s6 =	sshll.u32 s28, $0x1;
	[dreg:$0x2] =	wrdreg s4  }
0xaf: {  	[dreg:$0x3] =	wrdreg s6  }
0xb0: {  	[dreg:$0x4] =	wrdreg $0xC0  }
0xb1: {  	_ =	task [dreg:s8], $0x5FFFF  }
0xb2: {  	[dreg:$0x1] =	wrdreg $0xFFFFFFFF  }
0xb3: {  	[dreg:$0x0] =	wrdreg $0x60  }
0xb4: {  	[dreg:$0x2] =	wrdreg s24  }
0xb5: {  	[dreg:$0x3] =	wrdreg s15  }
0xb6: {  	[dreg:$0x4] =	wrdreg s16  }
0xb7: {  	[dreg:$0x5] =	wrdreg $0x9  }
0xb8: {  	_ =	task.clear_ibuf [dreg:s8], $0x6FFFF;
	_ =	strace $0x90000046  }
0xb9: {  	s29 =	simm.s32 $0x9;
	_ =	strace $0x80000048  }
0xba: {  	_ =	swait.ge [sflag:s29], $0x1  }
0xbb: {  	[sflag:s29] =	ssyncadd.s32 $0xFFFFFFFF  }
0xbc: {  	_ =	strace $0x90000048  }
0xbd: {  	_ =	sfence  }
0xbe: {  	s30 =	sld [smem:$0x0];
	_ =	sdelay $0x2  }
0xbf: {  	s31 =	sshll.u32 s1, $0xD;
	s1 =	sshrl.u32 s1, $0x2  }
0xc0: {  	s3 =	sand.u32 $0x4000, s31;
	s1 =	sadd.s32 s1, s30  }
0xc1: {  	s0 =	sor.u32 s3, s0;
	s1 =	sshll.u32 s1, $0x11  }
0xc2: {  	s0 =	sor.u32 s1, s0  }
0xc3: {  	s0 =	sadd.s32 $0x8F2B, s0  }
0xc4: {  	[sflag:s0] =	ssyncadd.remote.s32 $0x1  }
0xc5: {  	_ =	sfence.sel $0xFFFF  }
0xc6: {  	[dreg:$0x0] =	wrdreg $0xFFFFFFFF;
	(pc) =	sbr.abs _section_cstart, $3  }
0xc7: {  	[dreg:$0x1] =	wrdreg $0xFFFFFFFF  }
0xc8: {  	_ =	task.clear_ibuf [dreg:s8], $0x2FFFF;
	_ =	strace $0x9FFFFFFF  }
0xc9: {  	(tm) =	ssettm $0x7FFFFFFF  }
tec
execute0_lowered:
.L_overlay_start_1:
0x0: {  	(tag) =	ssettag $0x1  }
0x1: {  	v0 =	vlaneseq.u32  }
0x2: {  	v1 =	vor.u32 $0x10, v0  }
0x3: {  	v42 =	vor.u32 $0x20, v0;
	[tilespmem:$0x1FAE0] =	vst v1  }
0x4: {  	v43 =	vor.u32 $0x30, v0;
	[tilespmem:$0x1FAF0] =	vst v42  }
0x5: {  	v44 =	vor.u32 $0x40, v0;
	[tilespmem:$0x1FB00] =	vst v43  }
0x6: {  	v45 =	vor.u32 $0x50, v0;
	[tilespmem:$0x1FB10] =	vst v44  }
0x7: {  	v46 =	vor.u32 $0x60, v0;
	[tilespmem:$0x1FB20] =	vst v45  }
0x8: {  	v47 =	vor.u32 $0x70, v0;
	[tilespmem:$0x1FB30] =	vst v46  }
0x9: {  	v48 =	vor.u32 $0x80, v0;
	[tilespmem:$0x1FB40] =	vst v47  }
0xa: {  	v49 =	vor.u32 $0x90, v0;
	[tilespmem:$0x1FB50] =	vst v48  }
0xb: {  	v50 =	vor.u32 $0xA0, v0;
	[tilespmem:$0x1FB60] =	vst v49  }
0xc: {  	v51 =	vor.u32 $0xB0, v0;
	[tilespmem:$0x1FB70] =	vst v50  }
0xd: {  	v52 =	vor.u32 $0xC0, v0;
	[tilespmem:$0x1FB80] =	vst v51  }
0xe: {  	v53 =	vor.u32 $0xD0, v0;
	[tilespmem:$0x1FB90] =	vst v52  }
0xf: {  	v54 =	vor.u32 $0xE0, v0;
	[tilespmem:$0x1FBA0] =	vst v53  }
0x10: {  	v55 =	vor.u32 $0xF0, v0;
	[tilespmem:$0x1FBB0] =	vst v54  }
0x11: {  	v56 =	vor.u32 $0x100, v0;
	[tilespmem:$0x1FBC0] =	vst v55  }
0x12: {  	v57 =	vor.u32 $0x110, v0;
	[tilespmem:$0x1FBD0] =	vst v56  }
0x13: {  	v58 =	vor.u32 $0x120, v0;
	[tilespmem:$0x1FBE0] =	vst v57  }
0x14: {  	v59 =	vor.u32 $0x130, v0;
	[tilespmem:$0x1FBF0] =	vst v58  }
0x15: {  	v60 =	vor.u32 $0x140, v0;
	[tilespmem:$0x1FC00] =	vst v59  }
0x16: {  	v61 =	vor.u32 $0x150, v0;
	[tilespmem:$0x1FC10] =	vst v60  }
0x17: {  	v62 =	vor.u32 $0x160, v0;
	[tilespmem:$0x1FC20] =	vst v61  }
0x18: {  	v63 =	vor.u32 $0x170, v0;
	[tilespmem:$0x1FC30] =	vst v62  }
0x19: {  	v4 =	vor.u32 $0x180, v0;
	[tilespmem:$0x1FC40] =	vst v63  }
0x1a: {  	v5 =	vor.u32 $0x190, v0;
	[tilespmem:$0x1FC50] =	vst v4  }
0x1b: {  	v6 =	vor.u32 $0x1A0, v0;
	[tilespmem:$0x1FC60] =	vst v5  }
0x1c: {  	v7 =	vor.u32 $0x1B0, v0;
	[tilespmem:$0x1FC70] =	vst v6  }
0x1d: {  	v8 =	vor.u32 $0x1C0, v0;
	[tilespmem:$0x1FC80] =	vst v7  }
0x1e: {  	v9 =	vor.u32 $0x1D0, v0;
	[tilespmem:$0x1FC90] =	vst v8  }
0x1f: {  	v10 =	vor.u32 $0x1E0, v0;
	[tilespmem:$0x1FCA0] =	vst v9  }
0x20: {  	v11 =	vor.u32 $0x1F0, v0;
	[tilespmem:$0x1FCB0] =	vst v10  }
0x21: {  	v12 =	vor.u32 $0x200, v0;
	[tilespmem:$0x1FCC0] =	vst v11  }
0x22: {  	v13 =	vor.u32 $0x210, v0;
	[tilespmem:$0x1FCD0] =	vst v12  }
0x23: {  	v14 =	vor.u32 $0x220, v0;
	[tilespmem:$0x1FCE0] =	vst v13  }
0x24: {  	v15 =	vor.u32 $0x230, v0;
	[tilespmem:$0x1FCF0] =	vst v14  }
0x25: {  	v16 =	vor.u32 $0x240, v0;
	[tilespmem:$0x1FD00] =	vst v15  }
0x26: {  	v17 =	vor.u32 $0x250, v0;
	[tilespmem:$0x1FD10] =	vst v16  }
0x27: {  	v18 =	vor.u32 $0x260, v0;
	[tilespmem:$0x1FD20] =	vst v17  }
0x28: {  	v19 =	vor.u32 $0x270, v0;
	[tilespmem:$0x1FD30] =	vst v18  }
0x29: {  	v20 =	vor.u32 $0x280, v0;
	[tilespmem:$0x1FD40] =	vst v19  }
0x2a: {  	v21 =	vor.u32 $0x290, v0;
	[tilespmem:$0x1FD50] =	vst v20  }
0x2b: {  	v22 =	vor.u32 $0x2A0, v0;
	[tilespmem:$0x1FD60] =	vst v21  }
0x2c: {  	v23 =	vor.u32 $0x2B0, v0;
	[tilespmem:$0x1FD70] =	vst v22  }
0x2d: {  	v24 =	vor.u32 $0x2C0, v0;
	[tilespmem:$0x1FD80] =	vst v23  }
0x2e: {  	v25 =	vor.u32 $0x2D0, v0;
	[tilespmem:$0x1FD90] =	vst v24  }
0x2f: {  	v26 =	vor.u32 $0x2E0, v0;
	[tilespmem:$0x1FDA0] =	vst v25  }
0x30: {  	v29 =	vimm.s32 $0xEFCDAB89;
	v27 =	vor.u32 $0x2F0, v0;
	[tilespmem:$0x1FDB0] =	vst v26  }
0x31: {  	v2 =	vimm.s32 $0x67452301;
	v37 =	vimm.s32 $0xDCFE98BA;
	v28 =	vor.u32 $0x300, v0;
	[tilespmem:$0x1FDC0] =	vst v27  }
0x32: {  	v38 =	vimm.s32 $0x54761032;
	vm0 =	vmmov $0x1;
	v3 =	vor.u32 $0x310, v0;
	[tilespmem:$0x1FDD0] =	vst v28  }
0x33: {  	vm14 =	vmmov $0x3;
	v2 =	vunpack.c.l.s4.s8 v2;
	v30 =	vor.u32 $0x320, v0;
	[tilespmem:$0x1FDE0] =	vst v3  }
0x34: {  	v31 =	vor.u32 $0x330, v0;
	v32 =	vor.u32 $0x340, v0;
	v33 =	vor.u32 $0x350, v0;
	[tilespmem:$0x1FDF0] =	vst v30  }
0x35: {  	v34 =	vor.u32 $0x360, v0;
	v35 =	vor.u32 $0x370, v0;
	v36 =	vor.u32 $0x380, v0;
	[tilespmem:$0x1FE00] =	vst v31  }
0x36: {  	v39 =	vor.u32 $0x390, v0;
	v41 =	vor.u32 $0x3A0, v0;
	v1 =	vunpack.c.l.s4.s8 v29;
	[tilespmem:$0x1FE10] =	vst v32  }
0x37: {  	[tilespmem:$0x1FE20] =	vst v33;
	v3 =	vunpack.c.l.s4.s8 v38;
	v4 =	vimm.s32 $0xBA98FEDC;
	v5 =	vimm.s32 $0x32107654  }
0x38: {  	[tilespmem:$0x1FE30] =	vst v34;
	v6 =	vimm.s32 $0xFEDCBA98;
	v4 =	vunpack.c.l.s4.s8 v4;
	v5 =	vunpack.c.l.s4.s8 v5  }
0x39: {  	[tilespmem:$0x1FE40] =	vst v35;
	v7 =	vimm.s32 $0x76543210;
	v2 =	vunpack.c.0.s8.s32 v2;
	v1 =	vunpack.c.0.s8.s32 v1  }
0x3a: {  	[tilespmem:$0x1FE50] =	vst v36;
	v43 =	vor.u32 $0x3B0, v0;
	v4 =	vunpack.c.0.s8.s32 v4;
	v5 =	vunpack.c.0.s8.s32 v5  }
0x3b: {  	[tilespmem:$0x1FE60] =	vst v39;
	v46 =	vimm.s32 $0x0;
	v6 =	vunpack.c.l.s4.s8 v6;
	v1 =	vcombine.low v2, v1  }
0x3c: {  	[tilespmem:$0x1FE70] =	vst v41;
	v7 =	vunpack.c.l.s4.s8 v7;
	v2 =	vunpack.c.l.s4.s8 v37;
	v4 =	vcombine.low v5, v4  }
0x3d: {  	[tilespmem:$0x1FE90] =	vst v43;
	v3 =	vunpack.c.0.s8.s32 v3;
	v6 =	vunpack.c.0.s8.s32 v6;
	v1 =	vand.u32 $0xF, v1  }
0x3e: {  	v40 =	vunpack.c.0.s8.s32 v7;
	v2 =	vunpack.c.0.s8.s32 v2;
	[tilespmem:$0x1FEA0] =	vst v1;
	v45 =	vand.u32 $0xF, v4  }
0x3f: {  	v47 =	vimm.s32 $0x0;
	v42 =	vand.u32 $0xF, v6;
	v1 =	vsel vm0, $0xFFFFFFFF, v46;
	[tilespmem:$0x1FEC0] =	vst v45  }
0x40: {  	v2 =	vcombine.low v3, v2;
	v3 =	vcombine.low v42, v40;
	[tilespmem:$0x1FED0] =	vst v1;
	v1 =	vsel vm14, $0xFFFFFFFF, v47  }
0x41: {  	vm15 =	vmmov $0x7;
	v48 =	vimm.s32 $0x0;
	[tilespmem:$0x1FEE0] =	vst v1  }
0x42: {  	s4 =	rddreg [dreg:$0x0];
	v1 =	vsel vm15, $0xFFFFFFFF, v48;
	[tilespmem:$0x1FE80] =	vst v3  }
0x43: {  	s5 =	rddreg [dreg:$0x1];
	vm4 =	vmmov $0xf;
	v49 =	vimm.s32 $0x0;
	v44 =	vand.u32 $0xF, v2;
	[tilespmem:$0x1FEF0] =	vst v1  }
0x44: {  	s8 =	rddreg [dreg:$0x2];
	s2 =	simm.s32 $0x0;
	vm5 =	vmmov $0x1f;
	v50 =	vimm.s32 $0x0;
	v1 =	vsel vm4, $0xFFFFFFFF, v49;
	[tilespmem:$0x1FEB0] =	vst v44  }
0x45: {  	s1 =	srdreg.scid;
	[smem:$0x7FF] =	sst s2;
	[tilespmem:$0x1FF00] =	vst v1;
	v1 =	vsel vm5, $0xFFFFFFFF, v50  }
0x46: {  	s6 =	sand.u32 $0x1, s1;
	s1 =	rddreg [dreg:$0x3];
	v61 =	vor.u32 $0x3C0, v0;
	_ =	strace $0x80000047;
	[tilespmem:$0x1FF10] =	vst v1  }
0x47: {  	v62 =	vor.u32 $0x3D0, v0;
	[tilespmem:$0x1FFC0] =	vst v61  }
0x48: {  	v63 =	vor.u32 $0x3E0, v0;
	[tilespmem:$0x1FFD0] =	vst v62  }
0x49: {  	vm6 =	vmmov $0x3f;
	v51 =	vimm.s32 $0x0;
	v0 =	vor.u32 $0x3F0, v0;
	[tilespmem:$0x1FFE0] =	vst v63  }
0x4a: {  	s0 =	stileid.u32;
	vm7 =	vmmov $0x7f;
	v52 =	vimm.s32 $0x0;
	v1 =	vsel vm6, $0xFFFFFFFF, v51;
	[tilespmem:$0x1FFF0] =	vst v0  }
0x4b: {  	vm8 =	vmmov $0xff;
	s14 =	simm.s32 $0x5800;
	s15 =	simm.s32 $0x4;
	s16 =	simm.s32 $0x6180;
	v53 =	vimm.s32 $0x0;
	[tilespmem:$0x1FF20] =	vst v1;
	v1 =	vsel vm7, $0xFFFFFFFF, v52  }
0x4c: {  	vm9 =	vmmov $0x1ff;
	s17 =	simm.s32 $0x5880;
	s18 =	simm.s32 $0x10;
	s3 =	sshll.u32 s0, $0x1;
	v54 =	vimm.s32 $0x0;
	[tilespmem:$0x1FF30] =	vst v1;
	v1 =	vsel vm8, $0xFFFFFFFF, v53  }
0x4d: {  	vm10 =	vmmov $0x3ff;
	s19 =	simm.s32 $0x5000;
	s20 =	simm.s32 $0x3;
	s7 =	sor.u32 s6, s3;
	v55 =	vimm.s32 $0x0;
	[tilespmem:$0x1FF40] =	vst v1;
	v1 =	vsel vm9, $0xFFFFFFFF, v54  }
0x4e: {  	vm11 =	vmmov $0x7ff;
	s21 =	simm.s32 $0x2;
	s6 =	ssub.s32 $0x2, s6;
	v56 =	vimm.s32 $0x0;
	s3 =	smul.u32 $0x900, s7;
	[tilespmem:$0x1FF50] =	vst v1;
	v1 =	vsel vm10, $0xFFFFFFFF, v55  }
0x4f: {  	vm12 =	vmmov $0xfff;
	v57 =	vimm.s32 $0x0;
	s10 =	sshll.u32 s7, $0x4;
	s11 =	sshll.u32 s7, $0x8;
	s31 =	sshrl.u32 s6, $0x1;
	[tilespmem:$0x1FF60] =	vst v1;
	v1 =	vsel vm11, $0xFFFFFFFF, v56  }
0x50: {  	vm13 =	vmmov $0x1fff;
	v58 =	vimm.s32 $0x0;
	s10 =	sadd.s32 s10, s4;
	s12 =	sadd.s32 s11, s4;
	s13 =	ssub.s32 s6, s31;
	[tilespmem:$0x1FF70] =	vst v1;
	v1 =	vsel vm12, $0xFFFFFFFF, v57  }
0x51: {  	v59 =	vimm.s32 $0x0;
	s5 =	sadd.s32 s5, s11;
	s8 =	sadd.s32 s8, s11;
	s11 =	simm.s32 $0x1;
	vm14 =	vmmov $0x3fff;
	[tilespmem:$0x1FF80] =	vst v1;
	v1 =	vsel vm13, $0xFFFFFFFF, v58  }
0x52: {  	v60 =	vimm.s32 $0x0;
	s9 =	sadd.s32 s3, s4;
	s3 =	sadd.s32 $0x13800, s4;
	s6 =	sadd.s32 $0x19A00, s10;
	vm15 =	vmmov $0x7fff;
	[tilespmem:$0x1FF90] =	vst v1;
	v1 =	vsel vm14, $0xFFFFFFFF, v59  }
0x53: {  	s7 =	sadd.s32 $0x17A00, s12;
	s10 =	simm.s32 $0x4800;
	s12 =	simm.s32 $0x6080;
	[tilespmem:$0x1FFA0] =	vst v1;
	v1 =	vsel vm15, $0xFFFFFFFF, v60  }
0x54: {  	s4 =	sadd.s32 $0x1800, s9;
	s9 =	smax.u32 s13, $0x1;
	s13 =	simm.s32 $0x6100;
	[tilespmem:$0x1FFB0] =	vst v1  }
.LBB2_1:
0x55: {  	[tilespmem:s2], [sflag:$0x1] =	stream.linear.gather [hbm4b:s4+s2], $0x4800, $0x38;
	[tilespmem:$0x6200] =	vst v63  }
0x56: {  	_ = 	snop  }
0x57: {  	[tilespmem:s10], [sflag:$0x2] =	stream.linear.gather [hbm4b:s5+s2], $0x800, $0x38;
	[tilespmem:$0x6200] =	vst v63  }
0x58: {  	_ =	swait.ge [sflag:s11], $0x4800  }
0x59: {  	[sflag:s11] =	ssyncset.done $0x0;
	v1 =	vld [tilespmem:$0x1FAE0]  }
0x5a: {  	v10 =	vld [tilespmem:$0x1FC60];
	[sflag:s11] =	ssyncadd.s32 $0xFFFFB800  }
0x5b: {  	v5 =	vld [tilespmem:$0x0]  }
0x5c: {  	v6 =	vld [tilespmem:$0x10]  }
0x5d: {  	v7 =	vld [tilespmem:$0x20]  }
0x5e: {  	v8 =	vld [tilespmem:$0x30]  }
0x5f: {  	v16 =	vld [tilespmem:$0x40]  }
0x60: {  	v17 =	vld [tilespmem:$0x50]  }
0x61: {  	v18 =	vld [tilespmem:$0x60]  }
0x62: {  	v19 =	vld [tilespmem:$0x70]  }
0x63: {  	v20 =	vld [tilespmem:$0x400]  }
0x64: {  	v21 =	vld [tilespmem:$0x410]  }
0x65: {  	v22 =	vld [tilespmem:$0x420]  }
0x66: {  	v23 =	vld [tilespmem:$0x430]  }
0x67: {  	v24 =	vld [tilespmem:$0x440]  }
0x68: {  	v25 =	vld [tilespmem:$0x450]  }
0x69: {  	v26 =	vld [tilespmem:$0x460]  }
0x6a: {  	v27 =	vld [tilespmem:$0x470]  }
0x6b: {  	v29 =	vld [tilespmem:$0x800]  }
0x6c: {  	v31 =	vld [tilespmem:$0x810]  }
0x6d: {  	v33 =	vld [tilespmem:$0x820];
	vm0 =	vlt.f32 v6, v5  }
0x6e: {  	v35 =	vld [tilespmem:$0x830];
	v5 =	vsel vm0, v6, v5  }
0x6f: {  	v37 =	vld [tilespmem:$0x840];
	vm1 =	vlt.f32 v7, v5  }
0x70: {  	v39 =	vld [tilespmem:$0x850];
	v5 =	vsel vm1, v7, v5  }
0x71: {  	v41 =	vld [tilespmem:$0x860];
	vm2 =	vlt.f32 v8, v5  }
0x72: {  	v43 =	vld [tilespmem:$0x870];
	v5 =	vsel vm2, v8, v5  }
0x73: {  	v45 =	vld [tilespmem:$0xC00];
	vm3 =	vlt.f32 v16, v5  }
0x74: {  	v47 =	vld [tilespmem:$0xC10];
	v5 =	vsel vm3, v16, v5  }
0x75: {  	v49 =	vld [tilespmem:$0xC20];
	vm4 =	vlt.f32 v17, v5  }
0x76: {  	v51 =	vld [tilespmem:$0xC30];
	v5 =	vsel vm4, v17, v5  }
0x77: {  	v53 =	vld [tilespmem:$0xC40];
	vm5 =	vlt.f32 v18, v5  }
0x78: {  	v55 =	vld [tilespmem:$0xC50];
	v5 =	vsel vm5, v18, v5  }
0x79: {  	v57 =	vld [tilespmem:$0xC60];
	vm6 =	vlt.f32 v19, v5  }
0x7a: {  	v59 =	vld [tilespmem:$0xC70];
	v5 =	vsel vm6, v19, v5  }
0x7b: {  	v61 =	vld [tilespmem:$0x1000];
	vm7 =	vlt.f32 v20, v5  }
0x7c: {  	v63 =	vld [tilespmem:$0x1010];
	v5 =	vsel vm7, v20, v5  }
0x7d: {  	v13 =	vld [tilespmem:$0x1020];
	vm8 =	vlt.f32 v21, v5  }
0x7e: {  	v15 =	vld [tilespmem:$0x1030];
	v5 =	vsel vm8, v21, v5  }
0x7f: {  	v17 =	vld [tilespmem:$0x1040];
	vm9 =	vlt.f32 v22, v5  }
0x80: {  	v18 =	vld [tilespmem:$0x1FAF0];
	v5 =	vsel vm9, v22, v5  }
0x81: {  	v20 =	vld [tilespmem:$0x1FB00];
	vm10 =	vlt.f32 v23, v5  }
0x82: {  	v21 =	vld [tilespmem:$0x1050];
	v5 =	vsel vm10, v23, v5  }
0x83: {  	v22 =	vld [tilespmem:$0x1FB10];
	vm11 =	vlt.f32 v24, v5  }
0x84: {  	v0 =	vimm.s32 $0x0;
	v23 =	vld [tilespmem:$0x1FB20];
	v5 =	vsel vm11, v24, v5  }
0x85: {  	v0 =	vsel vm11, $0xFFFFFFFF, v0;
	v24 =	vld [tilespmem:$0x1060];
	vm11 =	vlt.f32 v25, v5  }
0x86: {  	v28 =	vimm.s32 $0x0;
	v5 =	vsel vm11, v25, v5;
	v25 =	vld [tilespmem:$0x1FB30]  }
0x87: {  	[tilespmem:$0x1F900] =	vst v0;
	v0 =	vsel vm11, $0xFFFFFFFF, v28;
	v28 =	vld [tilespmem:$0x1FB50]  }
0x88: {  	v2 =	vld [tilespmem:$0x1F900];
	vm11 =	vlt.f32 v26, v5  }
0x89: {  	v30 =	vimm.s32 $0x0;
	v5 =	vsel vm11, v26, v5;
	v26 =	vld [tilespmem:$0x1FB40]  }
0x8a: {  	[tilespmem:$0x1F910] =	vst v0;
	v0 =	vsel vm11, $0xFFFFFFFF, v30;
	v30 =	vld [tilespmem:$0x1400];
	vm11 =	vlt.f32 v27, v5  }
0x8b: {  	v32 =	vimm.s32 $0x0;
	v5 =	vsel vm11, v27, v5;
	v27 =	vld [tilespmem:$0x1070]  }
0x8c: {  	[tilespmem:$0x1F920] =	vst v0;
	v0 =	vsel vm11, $0xFFFFFFFF, v32;
	v32 =	vld [tilespmem:$0x1FB80];
	vm11 =	vlt.f32 v29, v5  }
0x8d: {  	v34 =	vimm.s32 $0x0;
	v5 =	vsel vm11, v29, v5;
	v29 =	vld [tilespmem:$0x1FB60]  }
0x8e: {  	[tilespmem:$0x1F930] =	vst v0;
	v0 =	vsel vm11, $0xFFFFFFFF, v34;
	v34 =	vld [tilespmem:$0x1FB90];
	vm11 =	vlt.f32 v31, v5  }
0x8f: {  	v36 =	vimm.s32 $0x0;
	v5 =	vsel vm11, v31, v5;
	v31 =	vld [tilespmem:$0x1FB70]  }
0x90: {  	[tilespmem:$0x1F940] =	vst v0;
	v0 =	vsel vm11, $0xFFFFFFFF, v36;
	v36 =	vld [tilespmem:$0x1F910];
	vm11 =	vlt.f32 v33, v5  }
0x91: {  	v38 =	vimm.s32 $0x0;
	v5 =	vsel vm11, v33, v5;
	v33 =	vld [tilespmem:$0x1410]  }
0x92: {  	[tilespmem:$0x1F950] =	vst v0;
	v0 =	vsel vm11, $0xFFFFFFFF, v38;
	v38 =	vld [tilespmem:$0x1FBB0];
	vm11 =	vlt.f32 v35, v5  }
0x93: {  	v40 =	vimm.s32 $0x0;
	v5 =	vsel vm11, v35, v5;
	v35 =	vld [tilespmem:$0x1FBA0]  }
0x94: {  	[tilespmem:$0x1F960] =	vst v0;
	v0 =	vsel vm11, $0xFFFFFFFF, v40;
	v40 =	vld [tilespmem:$0x1FBC0];
	vm11 =	vlt.f32 v37, v5  }
0x95: {  	v42 =	vimm.s32 $0x0;
	v5 =	vsel vm11, v37, v5;
	v37 =	vld [tilespmem:$0x1420]  }
0x96: {  	[tilespmem:$0x1F970] =	vst v0;
	v0 =	vsel vm11, $0xFFFFFFFF, v42;
	v42 =	vld [tilespmem:$0x1430];
	vm11 =	vlt.f32 v39, v5  }
0x97: {  	v44 =	vimm.s32 $0x0;
	v5 =	vsel vm11, v39, v5;
	v39 =	vld [tilespmem:$0x1F920]  }
0x98: {  	[tilespmem:$0x1F980] =	vst v0;
	v0 =	vsel vm11, $0xFFFFFFFF, v44;
	v44 =	vld [tilespmem:$0x1F940];
	vm11 =	vlt.f32 v41, v5  }
0x99: {  	v46 =	vimm.s32 $0x0;
	v5 =	vsel vm11, v41, v5;
	v41 =	vld [tilespmem:$0x1F930]  }
0x9a: {  	[tilespmem:$0x1F990] =	vst v0;
	v0 =	vsel vm11, $0xFFFFFFFF, v46;
	v46 =	vld [tilespmem:$0x1F950];
	vm11 =	vlt.f32 v43, v5  }
0x9b: {  	v48 =	vimm.s32 $0x0;
	v5 =	vsel vm11, v43, v5;
	v43 =	vld [tilespmem:$0x1FBD0]  }
0x9c: {  	[tilespmem:$0x1F9A0] =	vst v0;
	v0 =	vsel vm11, $0xFFFFFFFF, v48;
	v48 =	vld [tilespmem:$0x1FBF0];
	vm11 =	vlt.f32 v45, v5  }
0x9d: {  	v50 =	vimm.s32 $0x0;
	v5 =	vsel vm11, v45, v5;
	v45 =	vld [tilespmem:$0x1FBE0]  }
0x9e: {  	[tilespmem:$0x1F9B0] =	vst v0;
	v0 =	vsel vm11, $0xFFFFFFFF, v50;
	v50 =	vld [tilespmem:$0x1FC00];
	vm11 =	vlt.f32 v47, v5  }
0x9f: {  	v52 =	vimm.s32 $0x0;
	v5 =	vsel vm11, v47, v5;
	v47 =	vld [tilespmem:$0x1440]  }
0xa0: {  	[tilespmem:$0x1F9C0] =	vst v0;
	v0 =	vsel vm11, $0xFFFFFFFF, v52;
	v52 =	vld [tilespmem:$0x1450]  }
0xa1: {  	v4 =	vld [tilespmem:$0x1F9C0];
	vm11 =	vlt.f32 v49, v5  }
0xa2: {  	v54 =	vimm.s32 $0x0;
	v5 =	vsel vm11, v49, v5;
	v49 =	vld [tilespmem:$0x1F960]  }
0xa3: {  	[tilespmem:$0x1F9D0] =	vst v0;
	v0 =	vsel vm11, $0xFFFFFFFF, v54;
	v54 =	vld [tilespmem:$0x1F980]  }
0xa4: {  	v11 =	vld [tilespmem:$0x1F9D0];
	vm11 =	vlt.f32 v51, v5  }
0xa5: {  	v56 =	vimm.s32 $0x0;
	v5 =	vsel vm11, v51, v5;
	v51 =	vld [tilespmem:$0x1F970]  }
0xa6: {  	[tilespmem:$0x1F9E0] =	vst v0;
	v0 =	vsel vm11, $0xFFFFFFFF, v56;
	v56 =	vld [tilespmem:$0x1F990];
	vm11 =	vlt.f32 v53, v5  }
0xa7: {  	v58 =	vimm.s32 $0x0;
	v5 =	vsel vm11, v53, v5;
	v53 =	vld [tilespmem:$0x1FC10]  }
0xa8: {  	[tilespmem:$0x1F9F0] =	vst v0;
	v0 =	vsel vm11, $0xFFFFFFFF, v58;
	v58 =	vld [tilespmem:$0x1FC30];
	vm11 =	vlt.f32 v55, v5  }
0xa9: {  	v60 =	vimm.s32 $0x0;
	v5 =	vsel vm11, v55, v5;
	v55 =	vld [tilespmem:$0x1FC20]  }
0xaa: {  	[tilespmem:$0x1FA00] =	vst v0;
	v0 =	vsel vm11, $0xFFFFFFFF, v60;
	v60 =	vld [tilespmem:$0x1FC40];
	vm11 =	vlt.f32 v57, v5  }
0xab: {  	v62 =	vimm.s32 $0x0;
	v5 =	vsel vm11, v57, v5;
	v57 =	vld [tilespmem:$0x1460]  }
0xac: {  	[tilespmem:$0x1FA10] =	vst v0;
	v0 =	vsel vm11, $0xFFFFFFFF, v62;
	v62 =	vld [tilespmem:$0x1470];
	vm11 =	vlt.f32 v59, v5  }
0xad: {  	v12 =	vimm.s32 $0x0;
	v5 =	vsel vm11, v59, v5;
	v59 =	vld [tilespmem:$0x1F9A0]  }
0xae: {  	[tilespmem:$0x1FA20] =	vst v0;
	v0 =	vsel vm11, $0xFFFFFFFF, v12;
	v12 =	vld [tilespmem:$0x1800];
	vm11 =	vlt.f32 v61, v5  }
0xaf: {  	v14 =	vimm.s32 $0x0;
	v5 =	vsel vm11, v61, v5;
	v61 =	vld [tilespmem:$0x1F9B0]  }
0xb0: {  	[tilespmem:$0x1FA30] =	vst v0;
	v0 =	vsel vm11, $0xFFFFFFFF, v14;
	v14 =	vld [tilespmem:$0x1F9E0];
	vm11 =	vlt.f32 v63, v5  }
0xb1: {  	v16 =	vimm.s32 $0x0;
	v5 =	vsel vm11, v63, v5;
	v63 =	vld [tilespmem:$0x1FC50]  }
0xb2: {  	[tilespmem:$0x1FA40] =	vst v0;
	v0 =	vsel vm11, $0xFFFFFFFF, v16;
	v16 =	vld [tilespmem:$0x1F9F0];
	vm15 =	vlt.f32 v13, v5  }
0xb3: {  	v19 =	vimm.s32 $0x0;
	[tilespmem:$0x1FA50] =	vst v0;
	v0 =	vlaneseq.u32;
	v5 =	vsel vm15, v13, v5;
	v13 =	vld [tilespmem:$0x1FC70]  }
0xb4: {  	v9 =	vsel vm0, v1, v0;
	v1 =	vsel vm15, $0xFFFFFFFF, v19;
	v19 =	vld [tilespmem:$0x1FA00]  }
0xb5: {  	vm15 =	vnez.u8 v44;
	v44 =	vld [tilespmem:$0x1FD60]  }
0xb6: {  	v9 =	vsel vm1, v18, v9;
	vm14 =	vlt.f32 v15, v5;
	v18 =	vld [tilespmem:$0x1FC90]  }
0xb7: {  	v5 =	vsel vm14, v15, v5;
	v15 =	vld [tilespmem:$0x1FC80]  }
0xb8: {  	v9 =	vsel vm2, v20, v9;
	v20 =	vld [tilespmem:$0x1FCA0]  }
0xb9: {  	v9 =	vsel vm3, v22, v9;
	vm13 =	vlt.f32 v17, v5;
	v22 =	vld [tilespmem:$0x1820]  }
0xba: {  	v5 =	vsel vm13, v17, v5;
	v17 =	vld [tilespmem:$0x1810]  }
0xbb: {  	v9 =	vsel vm4, v23, v9;
	v23 =	vld [tilespmem:$0x1FCB0]  }
0xbc: {  	vm4 =	vnez.u8 v46;
	v46 =	vld [tilespmem:$0x1FD70];
	v9 =	vsel vm5, v25, v9  }
0xbd: {  	vm12 =	vlt.f32 v21, v5;
	v25 =	vld [tilespmem:$0x1FCC0];
	v9 =	vsel vm6, v26, v9  }
0xbe: {  	v5 =	vsel vm12, v21, v5;
	v21 =	vld [tilespmem:$0x1FA10];
	v9 =	vsel vm7, v28, v9  }
0xbf: {  	v26 =	vld [tilespmem:$0x1FA30];
	v9 =	vsel vm8, v29, v9  }
0xc0: {  	vm6 =	vnez.u8 v36;
	v36 =	vld [tilespmem:$0x1850];
	vm11 =	vlt.f32 v24, v5;
	v9 =	vsel vm9, v31, v9  }
0xc1: {  	vm5 =	vnez.u8 v2;
	v28 =	vld [tilespmem:$0x1FCD0];
	v5 =	vsel vm11, v24, v5;
	v9 =	vsel vm10, v32, v9  }
0xc2: {  	vm7 =	vnez.u8 v39;
	v39 =	vld [tilespmem:$0x1860];
	vm10 =	vlt.f32 v27, v5;
	v9 =	vsel vm5, v34, v9  }
0xc3: {  	v24 =	vld [tilespmem:$0x1FA20];
	v5 =	vsel vm10, v27, v5;
	v9 =	vsel vm6, v35, v9  }
0xc4: {  	vm8 =	vnez.u8 v41;
	v29 =	vld [tilespmem:$0x1FA40];
	vm9 =	vlt.f32 v30, v5;
	v9 =	vsel vm7, v38, v9  }
0xc5: {  	v41 =	vld [tilespmem:$0x1FD40];
	v5 =	vsel vm9, v30, v5;
	v9 =	vsel vm8, v40, v9  }
0xc6: {  	v31 =	vld [tilespmem:$0x1FA50];
	vm8 =	vlt.f32 v33, v5;
	v9 =	vsel vm15, v43, v9  }
0xc7: {  	v32 =	vld [tilespmem:$0x1840];
	vm5 =	vnez.u8 v49;
	v5 =	vsel vm8, v33, v5;
	v9 =	vsel vm4, v45, v9  }
0xc8: {  	[tilespmem:$0x1FA60] =	vst v1;
	v27 =	vld [tilespmem:$0x1830];
	vm6 =	vnez.u8 v51;
	vm7 =	vlt.f32 v37, v5;
	v9 =	vsel vm5, v48, v9  }
0xc9: {  	v34 =	vld [tilespmem:$0x1FA60];
	vm15 =	vnez.u8 v54;
	v5 =	vsel vm7, v37, v5;
	v9 =	vsel vm6, v50, v9  }
0xca: {  	v49 =	vld [tilespmem:$0x1FD90];
	vm4 =	vnez.u8 v56;
	vm6 =	vlt.f32 v42, v5;
	v9 =	vsel vm15, v53, v9  }
0xcb: {  	v35 =	vld [tilespmem:$0x1FD00];
	vm5 =	vnez.u8 v59;
	v5 =	vsel vm6, v42, v5;
	v9 =	vsel vm4, v55, v9  }
0xcc: {  	v51 =	vld [tilespmem:$0x1C20];
	vm15 =	vnez.u8 v61;
	v9 =	vsel vm5, v58, v9;
	vm5 =	vlt.f32 v47, v5  }
0xcd: {  	v30 =	vld [tilespmem:$0x1FCE0];
	vm4 =	vnez.u8 v4;
	v9 =	vsel vm15, v60, v9;
	v5 =	vsel vm5, v47, v5  }
0xce: {  	v38 =	vld [tilespmem:$0x1FD20];
	vm15 =	vnez.u8 v11;
	v9 =	vsel vm4, v63, v9;
	vm4 =	vlt.f32 v52, v5  }
0xcf: {  	v40 =	vld [tilespmem:$0x1FD30];
	v9 =	vsel vm15, v10, v9;
	v5 =	vsel vm4, v52, v5;
	vm15 =	vnez.u8 v14  }
0xd0: {  	v33 =	vld [tilespmem:$0x1FCF0];
	v9 =	vsel vm15, v13, v9;
	vm3 =	vlt.f32 v57, v5;
	vm15 =	vnez.u8 v16  }
0xd1: {  	v43 =	vld [tilespmem:$0x1FD50];
	v9 =	vsel vm15, v15, v9;
	v5 =	vsel vm3, v57, v5;
	vm15 =	vnez.u8 v19  }
0xd2: {  	v54 =	vld [tilespmem:$0x1C30];
	v9 =	vsel vm15, v18, v9;
	vm2 =	vlt.f32 v62, v5;
	vm15 =	vnez.u8 v21  }
0xd3: {  	v45 =	vld [tilespmem:$0x1C00];
	v9 =	vsel vm15, v20, v9;
	v5 =	vsel vm2, v62, v5;
	vm15 =	vnez.u8 v24  }
0xd4: {  	v56 =	vld [tilespmem:$0x1FDE0];
	v9 =	vsel vm15, v23, v9;
	vm1 =	vlt.f32 v12, v5;
	vm15 =	vnez.u8 v26  }
0xd5: {  	v37 =	vld [tilespmem:$0x1FD10];
	v9 =	vsel vm15, v25, v9;
	v5 =	vsel vm1, v12, v5;
	vm15 =	vnez.u8 v29  }
0xd6: {  	v48 =	vld [tilespmem:$0x1C10];
	v9 =	vsel vm15, v28, v9;
	vm0 =	vlt.f32 v17, v5;
	vm15 =	vnez.u8 v31  }
0xd7: {  	v59 =	vld [tilespmem:$0x1FE00];
	v9 =	vsel vm15, v30, v9;
	v5 =	vsel vm0, v17, v5;
	vm15 =	vnez.u8 v34  }
0xd8: {  	v50 =	vld [tilespmem:$0x1FDA0];
	v9 =	vsel vm15, v33, v9;
	vm15 =	vlt.f32 v22, v5  }
0xd9: {  	v42 =	vld [tilespmem:$0x1870];
	v9 =	vsel vm14, v35, v9;
	v5 =	vsel vm15, v22, v5  }
0xda: {  	v53 =	vld [tilespmem:$0x1FDC0];
	v9 =	vsel vm13, v37, v9;
	vm13 =	vlt.f32 v27, v5  }
0xdb: {  	v61 =	vld [tilespmem:$0x1FE10];
	v9 =	vsel vm12, v38, v9;
	v5 =	vsel vm13, v27, v5  }
0xdc: {  	v47 =	vld [tilespmem:$0x1FD80];
	v9 =	vsel vm11, v40, v9;
	vm11 =	vlt.f32 v32, v5  }
0xdd: {  	v55 =	vld [tilespmem:$0x1FDD0];
	v9 =	vsel vm10, v41, v9;
	v5 =	vsel vm11, v32, v5  }
0xde: {  	v58 =	vld [tilespmem:$0x1FDF0];
	v9 =	vsel vm9, v43, v9;
	vm9 =	vlt.f32 v36, v5  }
0xdf: {  	v52 =	vld [tilespmem:$0x1FDB0];
	v9 =	vsel vm8, v44, v9;
	v5 =	vsel vm9, v36, v5  }
0xe0: {  	v60 =	vld [tilespmem:$0x1C50];
	v9 =	vsel vm7, v46, v9;
	vm10 =	vlt.f32 v39, v5  }
0xe1: {  	v11 =	vld [tilespmem:$0x1FE30];
	v9 =	vsel vm6, v47, v9;
	v5 =	vsel vm10, v39, v5  }
0xe2: {  	v63 =	vld [tilespmem:$0x1C60];
	v9 =	vsel vm5, v49, v9;
	vm5 =	vlt.f32 v42, v5  }
0xe3: {  	v14 =	vld [tilespmem:$0x1FE50];
	v9 =	vsel vm4, v50, v9;
	v5 =	vsel vm5, v42, v5  }
0xe4: {  	v13 =	vld [tilespmem:$0x1C70];
	v9 =	vsel vm3, v52, v9;
	vm12 =	vlt.f32 v45, v5  }
0xe5: {  	v16 =	vld [tilespmem:$0x2000];
	v9 =	vsel vm2, v53, v9;
	v5 =	vsel vm12, v45, v5  }
0xe6: {  	v62 =	vld [tilespmem:$0x1FE20];
	v9 =	vsel vm1, v55, v9;
	vm14 =	vlt.f32 v48, v5  }
0xe7: {  	v57 =	vld [tilespmem:$0x1C40];
	v9 =	vsel vm0, v56, v9;
	v5 =	vsel vm14, v48, v5  }
0xe8: {  	v12 =	vld [tilespmem:$0x1FE40];
	v9 =	vsel vm15, v58, v9;
	vm15 =	vlt.f32 v51, v5  }
0xe9: {  	v15 =	vld [tilespmem:$0x1FE60];
	v9 =	vsel vm13, v59, v9;
	v5 =	vsel vm15, v51, v5  }
0xea: {  	v19 =	vld [tilespmem:$0x1FFC0];
	v9 =	vsel vm11, v61, v9;
	vm8 =	vlt.f32 v54, v5  }
0xeb: {  	v17 =	vld [tilespmem:$0x1FE70];
	v9 =	vsel vm9, v62, v9;
	v5 =	vsel vm8, v54, v5  }
0xec: {  	v18 =	vld [tilespmem:$0x1FE90];
	v9 =	vsel vm10, v11, v9;
	vm10 =	vlt.f32 v57, v5  }
0xed: {  	v21 =	vld [tilespmem:$0x1FFD0];
	v9 =	vsel vm5, v12, v9;
	v5 =	vsel vm10, v57, v5  }
0xee: {  	v23 =	vld [tilespmem:$0x1FFF0];
	v9 =	vsel vm12, v14, v9;
	vm11 =	vlt.f32 v60, v5  }
0xef: {  	v22 =	vld [tilespmem:$0x1FFE0];
	v9 =	vsel vm14, v15, v9;
	v5 =	vsel vm11, v60, v5  }
0xf0: {  	v25 =	vld [tilespmem:$0x1FEA0];
	v9 =	vsel vm15, v17, v9;
	vm12 =	vlt.f32 v63, v5  }
0xf1: {  	v9 =	vsel vm8, v18, v9;
	v5 =	vsel vm12, v63, v5  }
0xf2: {  	v20 =	vsel vm10, v19, v9;
	vm13 =	vlt.f32 v13, v5  }
0xf3: {  	v7 =	vsel vm11, v21, v20;
	v5 =	vsel vm13, v13, v5  }
0xf4: {  	v7 =	vsel vm12, v22, v7;
	vm14 =	vlt.f32 v16, v5  }
0xf5: {  	v24 =	vor.u32 $0x400, v0;
	v7 =	vsel vm13, v23, v7;
	v5 =	vsel vm14, v16, v5  }
0xf6: {  	v6 =	vsel vm14, v24, v7;
	[tilespmem:$0x6080] =	vst v5  }
0xf7: {  	[tilespmem:$0x6100] =	vst v6  }
0xf8: {  	v26 =	vld.idx.msk [tilespmem:v25+s12+$0x0], $0xffff  }
0xf9: {  	v27 =	vld.idx.msk [tilespmem:v25+s13+$0x0], $0xffff;
	_ =	sdelay $0x2  }
0xfa: {  	v28 =	vld [tilespmem:$0x1FEB0];
	_ =	sdelay $0x1  }
0xfb: {  	vm15 =	veq.f32 v26, v5;
	vm4 =	vlt.s32 v27, v6  }
0xfc: {  	vm5 =	vlt.f32 v26, v5;
	vm0 =	vmand vm15, vm4  }
0xfd: {  	vm0 =	vmor vm5, vm0  }
0xfe: {  	v5 =	vsel vm0, v26, v5  }
0xff: {  	v6 =	vsel vm0, v27, v6;
	[tilespmem:$0x6080] =	vst v5  }
0x100: {  	[tilespmem:$0x6100] =	vst v6  }
0x101: {  	v29 =	vld.idx.msk [tilespmem:v28+s12+$0x0], $0xffff  }
0x102: {  	v30 =	vld.idx.msk [tilespmem:v28+s13+$0x0], $0xffff;
	_ =	sdelay $0x2  }
0x103: {  	v31 =	vld [tilespmem:$0x1FEC0];
	_ =	sdelay $0x1  }
0x104: {  	vm6 =	veq.f32 v29, v5;
	vm7 =	vlt.s32 v30, v6  }
0x105: {  	vm8 =	vlt.f32 v29, v5;
	vm0 =	vmand vm6, vm7  }
0x106: {  	vm0 =	vmor vm8, vm0  }
0x107: {  	v5 =	vsel vm0, v29, v5  }
0x108: {  	v6 =	vsel vm0, v30, v6;
	[tilespmem:$0x6080] =	vst v5  }
0x109: {  	[tilespmem:$0x6100] =	vst v6  }
0x10a: {  	v32 =	vld.idx.msk [tilespmem:v31+s12+$0x0], $0xffff  }
0x10b: {  	v33 =	vld.idx.msk [tilespmem:v31+s13+$0x0], $0xffff;
	_ =	sdelay $0x2  }
0x10c: {  	v34 =	vld [tilespmem:$0x1FE80];
	_ =	sdelay $0x1  }
0x10d: {  	vm9 =	veq.f32 v32, v5;
	vm10 =	vlt.s32 v33, v6  }
0x10e: {  	vm11 =	vlt.f32 v32, v5;
	vm0 =	vmand vm9, vm10  }
0x10f: {  	vm0 =	vmor vm11, vm0  }
0x110: {  	v5 =	vsel vm0, v32, v5  }
0x111: {  	v6 =	vsel vm0, v33, v6;
	[tilespmem:$0x6080] =	vst v5  }
0x112: {  	[tilespmem:$0x6100] =	vst v6  }
0x113: {  	v35 =	vld.idx.msk [tilespmem:v34+s12+$0x0], $0xffff  }
0x114: {  	v36 =	vld.idx.msk [tilespmem:v34+s13+$0x0], $0xffff;
	_ =	sdelay $0x4  }
0x115: {  	vm12 =	veq.f32 v35, v5;
	vm13 =	vlt.s32 v36, v6  }
0x116: {  	vm14 =	vlt.f32 v35, v5;
	vm0 =	vmand vm12, vm13  }
0x117: {  	vm0 =	vmor vm14, vm0  }
0x118: {  	v6 =	vsel vm0, v36, v6  }
0x119: {  	vm0 =	vlt.s32 v6, $0x3FF;
	vm15 =	vlt.s32 v6, $0x3FE  }
0x11a: {  	v5 =	vnsel vm0, $0x3FF, v6;
	v6 =	vnsel vm15, $0x3FE, v6  }
0x11b: {  	v37 =	vshll.u32 v5, $0x3;
	v10 =	vadd.s32 $0x1, v6  }
0x11c: {  	v38 =	vand.u32 $0x7F, v5;
	v7 =	vand.u32 $0xFFFFFC00, v37;
	v39 =	vshll.u32 v10, $0x3  }
0x11d: {  	v40 =	vand.u32 $0x7F, v10;
	v6 =	vor.u32 v38, v7;
	v8 =	vand.u32 $0xFFFFFC00, v39  }
0x11e: {  	v41 =	vor.u32 $0x80, v6;
	v7 =	vor.u32 v8, v40  }
0x11f: {  	v7 =	vor.u32 $0x80, v7;
	_ =	sdelay $0x3  }
0x120: {  	v8 =	vld.idx.msk [tilespmem:v41+s2+$0x0], $0xffff  }
0x121: {  	v9 =	vld.idx.msk [tilespmem:v7+s2+$0x0], $0xffff;
	_ =	sdelay $0x4  }
0x122: {  	vm15 =	vle.f32 v8, v9  }
0x123: {  	v7 =	vsel vm15, v5, v10  }
0x124: {  	vm4 =	vlt.s32 v7, $0x3FE  }
0x125: {  	v10 =	vnsel vm4, $0x3FE, v7  }
0x126: {  	v11 =	vshll.u32 v7, $0x3;
	v10 =	vadd.s32 $0x1, v10  }
0x127: {  	v12 =	vand.u32 $0x7F, v7;
	v11 =	vand.u32 $0xFFFFFC00, v11;
	v13 =	vshll.u32 v10, $0x3  }
0x128: {  	v11 =	vor.u32 v11, v12;
	v42 =	vand.u32 $0x7F, v10;
	v13 =	vand.u32 $0xFFFFFC00, v13  }
0x129: {  	v11 =	vor.u32 $0x100, v11;
	v12 =	vor.u32 v13, v42  }
0x12a: {  	v12 =	vor.u32 $0x100, v12;
	_ =	sdelay $0x3  }
0x12b: {  	v11 =	vld.idx.msk [tilespmem:v11+s2+$0x0], $0xffff  }
0x12c: {  	v13 =	vld.idx.msk [tilespmem:v12+s2+$0x0], $0xffff;
	_ =	sdelay $0x4  }
0x12d: {  	vm0 =	vle.f32 v11, v13  }
0x12e: {  	v10 =	vsel vm0, v7, v10  }
0x12f: {  	vm5 =	vlt.s32 v10, $0x3FE  }
0x130: {  	v43 =	vnsel vm5, $0x3FE, v10  }
0x131: {  	v14 =	vshll.u32 v10, $0x3;
	v12 =	vadd.s32 $0x1, v43  }
0x132: {  	v15 =	vand.u32 $0x7F, v10;
	v14 =	vand.u32 $0xFFFFFC00, v14;
	v16 =	vshll.u32 v12, $0x3  }
0x133: {  	v14 =	vor.u32 v14, v15;
	v44 =	vand.u32 $0x7F, v12;
	v16 =	vand.u32 $0xFFFFFC00, v16  }
0x134: {  	v14 =	vor.u32 $0x180, v14;
	v15 =	vor.u32 v16, v44  }
0x135: {  	v16 =	vor.u32 $0x180, v15;
	_ =	sdelay $0x3  }
0x136: {  	v15 =	vld.idx.msk [tilespmem:v14+s2+$0x0], $0xffff  }
0x137: {  	v16 =	vld.idx.msk [tilespmem:v16+s2+$0x0], $0xffff;
	_ =	sdelay $0x4  }
0x138: {  	vm1 =	vle.f32 v15, v16  }
0x139: {  	v12 =	vsel vm1, v10, v12  }
0x13a: {  	vm6 =	vlt.s32 v12, $0x3FE  }
0x13b: {  	v45 =	vnsel vm6, $0x3FE, v12  }
0x13c: {  	v17 =	vshll.u32 v12, $0x3;
	v14 =	vadd.s32 $0x1, v45  }
0x13d: {  	v18 =	vand.u32 $0x7F, v12;
	v17 =	vand.u32 $0xFFFFFC00, v17;
	v19 =	vshll.u32 v14, $0x3  }
0x13e: {  	v17 =	vor.u32 v17, v18;
	v46 =	vand.u32 $0x7F, v14;
	v19 =	vand.u32 $0xFFFFFC00, v19  }
0x13f: {  	v17 =	vor.u32 $0x200, v17;
	v18 =	vor.u32 v19, v46  }
0x140: {  	v18 =	vor.u32 $0x200, v18;
	_ =	sdelay $0x3  }
0x141: {  	v20 =	vld.idx.msk [tilespmem:v17+s2+$0x0], $0xffff  }
0x142: {  	v21 =	vld.idx.msk [tilespmem:v18+s2+$0x0], $0xffff;
	_ =	sdelay $0x4  }
0x143: {  	vm3 =	vle.f32 v20, v21  }
0x144: {  	v14 =	vsel vm3, v12, v14  }
0x145: {  	vm7 =	vlt.s32 v14, $0x3FE  }
0x146: {  	v47 =	vnsel vm7, $0x3FE, v14  }
0x147: {  	v48 =	vshll.u32 v14, $0x3;
	v17 =	vadd.s32 $0x1, v47  }
0x148: {  	v49 =	vand.u32 $0x7F, v14;
	v18 =	vand.u32 $0xFFFFFC00, v48;
	v22 =	vshll.u32 v17, $0x3  }
0x149: {  	v18 =	vor.u32 v18, v49;
	v50 =	vand.u32 $0x7F, v17;
	v22 =	vand.u32 $0xFFFFFC00, v22  }
0x14a: {  	v18 =	vor.u32 $0x280, v18;
	v19 =	vor.u32 v22, v50  }
0x14b: {  	v19 =	vor.u32 $0x280, v19;
	_ =	sdelay $0x3  }
0x14c: {  	v18 =	vld.idx.msk [tilespmem:v18+s2+$0x0], $0xffff  }
0x14d: {  	v19 =	vld.idx.msk [tilespmem:v19+s2+$0x0], $0xffff;
	_ =	sdelay $0x4  }
0x14e: {  	vm2 =	vle.f32 v18, v19  }
0x14f: {  	v17 =	vsel vm2, v14, v17  }
0x150: {  	vm8 =	vlt.s32 v17, $0x3FE  }
0x151: {  	v51 =	vnsel vm8, $0x3FE, v17  }
0x152: {  	v23 =	vshll.u32 v17, $0x3;
	v22 =	vadd.s32 $0x1, v51  }
0x153: {  	v24 =	vand.u32 $0x7F, v17;
	v23 =	vand.u32 $0xFFFFFC00, v23;
	v25 =	vshll.u32 v22, $0x3  }
0x154: {  	v23 =	vor.u32 v23, v24;
	v52 =	vand.u32 $0x7F, v22;
	v25 =	vand.u32 $0xFFFFFC00, v25  }
0x155: {  	v23 =	vor.u32 $0x300, v23;
	v24 =	vor.u32 v25, v52  }
0x156: {  	v24 =	vor.u32 $0x300, v24;
	_ =	sdelay $0x3  }
0x157: {  	v23 =	vld.idx.msk [tilespmem:v23+s2+$0x0], $0xffff  }
0x158: {  	v24 =	vld.idx.msk [tilespmem:v24+s2+$0x0], $0xffff;
	_ =	sdelay $0x4  }
0x159: {  	vm4 =	vle.f32 v23, v24  }
0x15a: {  	v22 =	vsel vm4, v17, v22  }
0x15b: {  	vm9 =	vlt.s32 v22, $0x3FE  }
0x15c: {  	v53 =	vnsel vm9, $0x3FE, v22  }
0x15d: {  	v26 =	vshll.u32 v22, $0x3;
	v25 =	vadd.s32 $0x1, v53  }
0x15e: {  	v27 =	vand.u32 $0x7F, v22;
	v26 =	vand.u32 $0xFFFFFC00, v26;
	v28 =	vshll.u32 v25, $0x3  }
0x15f: {  	v26 =	vor.u32 v26, v27;
	v54 =	vand.u32 $0x7F, v25;
	v28 =	vand.u32 $0xFFFFFC00, v28  }
0x160: {  	v26 =	vor.u32 $0x380, v26;
	v27 =	vor.u32 v28, v54  }
0x161: {  	v27 =	vor.u32 $0x380, v27;
	_ =	sdelay $0x3  }
0x162: {  	v26 =	vld.idx.msk [tilespmem:v26+s2+$0x0], $0xffff  }
0x163: {  	v27 =	vld.idx.msk [tilespmem:v27+s2+$0x0], $0xffff;
	_ =	sdelay $0x4  }
0x164: {  	vm5 =	vle.f32 v26, v27  }
0x165: {  	v25 =	vsel vm5, v22, v25  }
0x166: {  	vm10 =	vlt.s32 v25, $0x3FE  }
0x167: {  	v55 =	vnsel vm10, $0x3FE, v25  }
0x168: {  	v29 =	vshll.u32 v25, $0x3;
	v28 =	vadd.s32 $0x1, v55  }
0x169: {  	v30 =	vand.u32 $0x7F, v25;
	v29 =	vand.u32 $0xFFFFFC00, v29;
	v31 =	vshll.u32 v28, $0x3  }
0x16a: {  	v29 =	vor.u32 v30, v29;
	v56 =	vand.u32 $0x7F, v28;
	v31 =	vand.u32 $0xFFFFFC00, v31  }
0x16b: {  	v29 =	vadd.s32 $0x2400, v29;
	v30 =	vor.u32 v56, v31  }
0x16c: {  	v30 =	vadd.s32 $0x2400, v30;
	_ =	sdelay $0x3  }
0x16d: {  	v29 =	vld.idx.msk [tilespmem:v29+s2+$0x0], $0xffff  }
0x16e: {  	v30 =	vld.idx.msk [tilespmem:v30+s2+$0x0], $0xffff;
	_ =	sdelay $0x4  }
0x16f: {  	vm6 =	vle.f32 v29, v30  }
0x170: {  	v28 =	vsel vm6, v25, v28  }
0x171: {  	vm11 =	vlt.s32 v28, $0x3FE  }
0x172: {  	v57 =	vnsel vm11, $0x3FE, v28  }
0x173: {  	v32 =	vshll.u32 v28, $0x3;
	v31 =	vadd.s32 $0x1, v57  }
0x174: {  	v33 =	vand.u32 $0x7F, v28;
	v32 =	vand.u32 $0xFFFFFC00, v32;
	v34 =	vshll.u32 v31, $0x3  }
0x175: {  	v32 =	vor.u32 v33, v32;
	v58 =	vand.u32 $0x7F, v31;
	v34 =	vand.u32 $0xFFFFFC00, v34  }
0x176: {  	v32 =	vadd.s32 $0x2480, v32;
	v33 =	vor.u32 v58, v34  }
0x177: {  	v33 =	vadd.s32 $0x2480, v33;
	_ =	sdelay $0x3  }
0x178: {  	v32 =	vld.idx.msk [tilespmem:v32+s2+$0x0], $0xffff  }
0x179: {  	v33 =	vld.idx.msk [tilespmem:v33+s2+$0x0], $0xffff;
	_ =	sdelay $0x4  }
0x17a: {  	vm7 =	vle.f32 v32, v33  }
0x17b: {  	v31 =	vsel vm7, v28, v31  }
0x17c: {  	vm12 =	vlt.s32 v31, $0x3FE  }
0x17d: {  	v59 =	vnsel vm12, $0x3FE, v31  }
0x17e: {  	v35 =	vshll.u32 v31, $0x3;
	v34 =	vadd.s32 $0x1, v59  }
0x17f: {  	v36 =	vand.u32 $0x7F, v31;
	v35 =	vand.u32 $0xFFFFFC00, v35;
	v37 =	vshll.u32 v34, $0x3  }
0x180: {  	v35 =	vor.u32 v36, v35;
	v60 =	vand.u32 $0x7F, v34;
	v37 =	vand.u32 $0xFFFFFC00, v37  }
0x181: {  	v35 =	vadd.s32 $0x2500, v35;
	v36 =	vor.u32 v60, v37  }
0x182: {  	v36 =	vadd.s32 $0x2500, v36;
	_ =	sdelay $0x3  }
0x183: {  	v35 =	vld.idx.msk [tilespmem:v35+s2+$0x0], $0xffff  }
0x184: {  	v36 =	vld.idx.msk [tilespmem:v36+s2+$0x0], $0xffff;
	_ =	sdelay $0x4  }
0x185: {  	vm8 =	vle.f32 v35, v36  }
0x186: {  	v34 =	vsel vm8, v31, v34  }
0x187: {  	vm13 =	vlt.s32 v34, $0x3FE  }
0x188: {  	v61 =	vnsel vm13, $0x3FE, v34  }
0x189: {  	v38 =	vshll.u32 v34, $0x3;
	v37 =	vadd.s32 $0x1, v61  }
0x18a: {  	v39 =	vand.u32 $0x7F, v34;
	v38 =	vand.u32 $0xFFFFFC00, v38;
	v40 =	vshll.u32 v37, $0x3  }
0x18b: {  	v38 =	vor.u32 v39, v38;
	v62 =	vand.u32 $0x7F, v37;
	v40 =	vand.u32 $0xFFFFFC00, v40  }
0x18c: {  	v38 =	vadd.s32 $0x2580, v38;
	v39 =	vor.u32 v62, v40  }
0x18d: {  	v39 =	vadd.s32 $0x2580, v39;
	_ =	sdelay $0x3  }
0x18e: {  	v38 =	vld.idx.msk [tilespmem:v38+s2+$0x0], $0xffff  }
0x18f: {  	v39 =	vld.idx.msk [tilespmem:v39+s2+$0x0], $0xffff;
	_ =	sdelay $0x4  }
0x190: {  	vm9 =	vle.f32 v38, v39  }
0x191: {  	v37 =	vsel vm9, v34, v37  }
0x192: {  	vm14 =	vlt.s32 v37, $0x3FE  }
0x193: {  	v63 =	vnsel vm14, $0x3FE, v37  }
0x194: {  	v41 =	vshll.u32 v37, $0x3;
	v40 =	vadd.s32 $0x1, v63  }
0x195: {  	v42 =	vand.u32 $0x7F, v37;
	v41 =	vand.u32 $0xFFFFFC00, v41;
	v43 =	vshll.u32 v40, $0x3  }
0x196: {  	v41 =	vor.u32 v42, v41;
	v0 =	vand.u32 $0x7F, v40;
	v43 =	vand.u32 $0xFFFFFC00, v43  }
0x197: {  	v41 =	vadd.s32 $0x2600, v41;
	v42 =	vor.u32 v0, v43  }
0x198: {  	v42 =	vadd.s32 $0x2600, v42;
	_ =	sdelay $0x3  }
0x199: {  	v41 =	vld.idx.msk [tilespmem:v41+s2+$0x0], $0xffff  }
0x19a: {  	v42 =	vld.idx.msk [tilespmem:v42+s2+$0x0], $0xffff;
	_ =	sdelay $0x4  }
0x19b: {  	vm10 =	vle.f32 v41, v42  }
0x19c: {  	v40 =	vsel vm10, v37, v40  }
0x19d: {  	vm12 =	vlt.s32 v40, $0x3FE  }
0x19e: {  	v1 =	vnsel vm12, $0x3FE, v40  }
0x19f: {  	v44 =	vshll.u32 v40, $0x3;
	v43 =	vadd.s32 $0x1, v1  }
0x1a0: {  	v45 =	vand.u32 $0x7F, v40;
	v44 =	vand.u32 $0xFFFFFC00, v44;
	v46 =	vshll.u32 v43, $0x3  }
0x1a1: {  	v44 =	vor.u32 v45, v44;
	v2 =	vand.u32 $0x7F, v43;
	v46 =	vand.u32 $0xFFFFFC00, v46  }
0x1a2: {  	v44 =	vadd.s32 $0x2680, v44;
	v45 =	vor.u32 v2, v46  }
0x1a3: {  	v45 =	vadd.s32 $0x2680, v45;
	_ =	sdelay $0x3  }
0x1a4: {  	v44 =	vld.idx.msk [tilespmem:v44+s2+$0x0], $0xffff  }
0x1a5: {  	v45 =	vld.idx.msk [tilespmem:v45+s2+$0x0], $0xffff;
	_ =	sdelay $0x4  }
0x1a6: {  	vm11 =	vle.f32 v44, v45  }
0x1a7: {  	v43 =	vsel vm11, v40, v43  }
0x1a8: {  	vm12 =	vlt.s32 v43, $0x3FE  }
0x1a9: {  	v3 =	vnsel vm12, $0x3FE, v43  }
0x1aa: {  	v47 =	vshll.u32 v43, $0x3;
	v46 =	vadd.s32 $0x1, v3  }
0x1ab: {  	v48 =	vand.u32 $0x7F, v43;
	v47 =	vand.u32 $0xFFFFFC00, v47;
	v49 =	vshll.u32 v46, $0x3  }
0x1ac: {  	v47 =	vor.u32 v48, v47;
	v4 =	vand.u32 $0x7F, v46;
	v49 =	vand.u32 $0xFFFFFC00, v49  }
0x1ad: {  	v47 =	vadd.s32 $0x2700, v47;
	v48 =	vor.u32 v4, v49  }
0x1ae: {  	v48 =	vadd.s32 $0x2700, v48;
	_ =	sdelay $0x3  }
0x1af: {  	v47 =	vld.idx.msk [tilespmem:v47+s2+$0x0], $0xffff  }
0x1b0: {  	v48 =	vld.idx.msk [tilespmem:v48+s2+$0x0], $0xffff;
	_ =	sdelay $0x3  }
0x1b1: {  	v26 =	vsel vm5, v26, v27;
	v27 =	vld [tilespmem:$0x1FF20]  }
0x1b2: {  	v29 =	vsel vm6, v29, v30;
	v30 =	vld [tilespmem:$0x1FF30];
	vm12 =	vle.f32 v47, v48  }
0x1b3: {  	v58 =	vld [tilespmem:$0x1FEE0];
	v53 =	vsel vm12, v43, v46  }
0x1b4: {  	v8 =	vsel vm15, v8, v9;
	v32 =	vsel vm7, v32, v33;
	v33 =	vld [tilespmem:$0x1FF40];
	vm13 =	vlt.s32 v53, $0x3FE  }
0x1b5: {  	v52 =	vsel vm0, v11, v13;
	v23 =	vsel vm4, v23, v24;
	v57 =	vld [tilespmem:$0x1FED0];
	v56 =	vnsel vm13, $0x3FE, v53  }
0x1b6: {  	v6 =	vld.idx.msk [tilespmem:v6+s2+$0x0], $0xffff;
	v54 =	vsel vm1, v15, v16;
	v55 =	vsel vm3, v20, v21;
	v59 =	vadd.s32 $0x1, v56  }
0x1b7: {  	v20 =	vsel vm2, v18, v19;
	v21 =	vld [tilespmem:$0x1FF00];
	vm4 =	vnez.u8 v27;
	v16 =	vshll.u32 v59, $0x3  }
0x1b8: {  	vm5 =	vnez.u8 v30;
	v62 =	vand.u32 $0x7F, v59;
	v16 =	vand.u32 $0xFFFFFC00, v16  }
0x1b9: {  	vm15 =	vnez.u8 v58;
	vm6 =	vnez.u8 v33;
	v63 =	vor.u32 v62, v16;
	v16 =	vld [tilespmem:$0x1FEF0]  }
0x1ba: {  	v35 =	vsel vm8, v35, v36;
	v38 =	vsel vm9, v38, v39;
	vm14 =	vnez.u8 v57  }
0x1bb: {  	v24 =	vld [tilespmem:$0x1FF10];
	v5 =	vsel vm14, v5, v7;
	v6 =	vsel vm14, v6, v8;
	v60 =	vshll.u32 v53, $0x3  }
0x1bc: {  	v36 =	vld [tilespmem:$0x1FF50];
	vm14 =	vnez.u8 v21;
	v61 =	vand.u32 $0x7F, v53;
	v8 =	vand.u32 $0xFFFFFC00, v60  }
0x1bd: {  	v39 =	vld [tilespmem:$0x1FF60];
	v5 =	vsel vm15, v5, v10;
	v6 =	vsel vm15, v6, v52;
	v8 =	vor.u32 v61, v8  }
0x1be: {  	v41 =	vsel vm10, v41, v42;
	v42 =	vld [tilespmem:$0x1FF70];
	v8 =	vadd.s32 $0x2780, v8;
	vm13 =	vnez.u8 v16  }
0x1bf: {  	v44 =	vsel vm11, v44, v45;
	v45 =	vld [tilespmem:$0x1FF80];
	v9 =	vadd.s32 $0x2780, v63;
	v5 =	vsel vm13, v5, v12  }
0x1c0: {  	v50 =	vld [tilespmem:$0x1FFB0];
	vm15 =	vnez.u8 v24;
	v6 =	vsel vm13, v6, v54;
	v5 =	vsel vm14, v5, v14  }
0x1c1: {  	vm7 =	vnez.u8 v36;
	v46 =	vld [tilespmem:$0x1FF90];
	v6 =	vsel vm14, v6, v55;
	v5 =	vsel vm15, v5, v17  }
0x1c2: {  	vm8 =	vnez.u8 v39;
	v49 =	vld [tilespmem:$0x1FFA0];
	v6 =	vsel vm15, v6, v20;
	v5 =	vsel vm4, v5, v22  }
0x1c3: {  	vm9 =	vnez.u8 v42;
	v8 =	vld.idx.msk [tilespmem:v8+s2+$0x0], $0xffff;
	v6 =	vsel vm4, v6, v23;
	v5 =	vsel vm5, v5, v25  }
0x1c4: {  	vm10 =	vnez.u8 v45;
	v9 =	vld.idx.msk [tilespmem:v9+s2+$0x0], $0xffff;
	v6 =	vsel vm5, v6, v26;
	v5 =	vsel vm6, v5, v28  }
0x1c5: {  	v48 =	vsel vm12, v47, v48;
	v6 =	vsel vm6, v6, v29;
	v5 =	vsel vm7, v5, v31  }
0x1c6: {  	vm11 =	vnez.u8 v46;
	v6 =	vsel vm7, v6, v32;
	v5 =	vsel vm8, v5, v34  }
0x1c7: {  	vm14 =	vnez.u8 v49;
	v6 =	vsel vm8, v6, v35;
	v5 =	vsel vm9, v5, v37  }
0x1c8: {  	vm15 =	vnez.u8 v50;
	v6 =	vsel vm9, v6, v38;
	v5 =	vsel vm10, v5, v40  }
0x1c9: {  	vm13 =	vle.f32 v8, v9;
	v6 =	vsel vm10, v6, v41;
	v5 =	vsel vm11, v5, v43  }
0x1ca: {  	v7 =	vsel vm13, v53, v59;
	v6 =	vsel vm11, v6, v44;
	v5 =	vsel vm14, v5, v53  }
0x1cb: {  	v8 =	vsel vm13, v8, v9;
	v6 =	vsel vm14, v6, v48;
	v5 =	vsel vm15, v5, v7  }
0x1cc: {  	v6 =	vsel vm15, v6, v8;
	[tilespmem:$0x5800] =	vst v5  }
0x1cd: {  	[tilespmem:$0x6180] =	vst v6  }
0x1ce: {  	[hbm4b:s6+s2] =	stream.linear.scatter [tilespmem:s14], [sflag:$0x4], $0x80, $0x38;
	[tilespmem:$0x6200] =	vst v63  }
0x1cf: {  	_ =	swait.ge [sflag:s15], $0x80  }
0x1d0: {  	[sflag:s15] =	ssyncset.done $0x0  }
0x1d1: {  	[sflag:s15] =	ssyncadd.s32 $0xFFFFFF80  }
0x1d2: {  	v51 =	vld.msk [tilespmem:s16+$0x0], $0xffff  }
0x1d3: {  	v52 =	vimm.s32 $0x1;
	_ =	sdelay $0x3  }
0x1d4: {  	[tilespmem:$0x5880] =	vst v51  }
0x1d5: {  	v5 =	vld.idx.msk [tilespmem:v52+s16+$0x0], $0xffff  }
0x1d6: {  	v53 =	vimm.s32 $0x2;
	_ =	sdelay $0x3  }
0x1d7: {  	[tilespmem:$0x5900] =	vst v5  }
0x1d8: {  	v5 =	vld.idx.msk [tilespmem:v53+s16+$0x0], $0xffff  }
0x1d9: {  	v54 =	vimm.s32 $0x3;
	_ =	sdelay $0x3  }
0x1da: {  	[tilespmem:$0x5980] =	vst v5  }
0x1db: {  	v5 =	vld.idx.msk [tilespmem:v54+s16+$0x0], $0xffff  }
0x1dc: {  	v55 =	vimm.s32 $0x4;
	_ =	sdelay $0x3  }
0x1dd: {  	[tilespmem:$0x5A00] =	vst v5  }
0x1de: {  	v5 =	vld.idx.msk [tilespmem:v55+s16+$0x0], $0xffff  }
0x1df: {  	v56 =	vimm.s32 $0x5;
	_ =	sdelay $0x3  }
0x1e0: {  	[tilespmem:$0x5A80] =	vst v5  }
0x1e1: {  	v5 =	vld.idx.msk [tilespmem:v56+s16+$0x0], $0xffff  }
0x1e2: {  	v57 =	vimm.s32 $0x6;
	_ =	sdelay $0x3  }
0x1e3: {  	[tilespmem:$0x5B00] =	vst v5  }
0x1e4: {  	v5 =	vld.idx.msk [tilespmem:v57+s16+$0x0], $0xffff  }
0x1e5: {  	v58 =	vimm.s32 $0x7;
	_ =	sdelay $0x3  }
0x1e6: {  	[tilespmem:$0x5B80] =	vst v5  }
0x1e7: {  	v5 =	vld.idx.msk [tilespmem:v58+s16+$0x0], $0xffff  }
0x1e8: {  	v59 =	vimm.s32 $0x8;
	_ =	sdelay $0x3  }
0x1e9: {  	[tilespmem:$0x5C00] =	vst v5  }
0x1ea: {  	v5 =	vld.idx.msk [tilespmem:v59+s16+$0x0], $0xffff  }
0x1eb: {  	v60 =	vimm.s32 $0x9;
	_ =	sdelay $0x3  }
0x1ec: {  	[tilespmem:$0x5C80] =	vst v5  }
0x1ed: {  	v5 =	vld.idx.msk [tilespmem:v60+s16+$0x0], $0xffff  }
0x1ee: {  	v61 =	vimm.s32 $0xA;
	_ =	sdelay $0x3  }
0x1ef: {  	[tilespmem:$0x5D00] =	vst v5  }
0x1f0: {  	v5 =	vld.idx.msk [tilespmem:v61+s16+$0x0], $0xffff  }
0x1f1: {  	v62 =	vimm.s32 $0xB;
	_ =	sdelay $0x3  }
0x1f2: {  	[tilespmem:$0x5D80] =	vst v5  }
0x1f3: {  	v5 =	vld.idx.msk [tilespmem:v62+s16+$0x0], $0xffff  }
0x1f4: {  	v63 =	vimm.s32 $0xC;
	_ =	sdelay $0x3  }
0x1f5: {  	[tilespmem:$0x5E00] =	vst v5  }
0x1f6: {  	v5 =	vld.idx.msk [tilespmem:v63+s16+$0x0], $0xffff  }
0x1f7: {  	v4 =	vimm.s32 $0xD;
	_ =	sdelay $0x3  }
0x1f8: {  	[tilespmem:$0x5E80] =	vst v5  }
0x1f9: {  	v5 =	vld.idx.msk [tilespmem:v4+s16+$0x0], $0xffff;
	_ =	sdelay $0x4  }
0x1fa: {  	[tilespmem:$0x5F00] =	vst v5;
	v5 =	vimm.s32 $0xE;
	_ =	sdelay $0x4  }
0x1fb: {  	v5 =	vld.idx.msk [tilespmem:v5+s16+$0x0], $0xffff  }
0x1fc: {  	v6 =	vimm.s32 $0xF;
	_ =	sdelay $0x3  }
0x1fd: {  	[tilespmem:$0x5F80] =	vst v5  }
0x1fe: {  	v5 =	vld.idx.msk [tilespmem:v6+s16+$0x0], $0xffff;
	_ =	sdelay $0x4  }
0x1ff: {  	[tilespmem:$0x6000] =	vst v5  }
0x200: {  	[hbm4b:s7+s2] =	stream.linear.scatter [tilespmem:s17], [sflag:$0x4], $0x800, $0x38;
	[tilespmem:$0x6200] =	vst v63  }
0x201: {  	_ =	swait.ge [sflag:s15], $0x800  }
0x202: {  	[sflag:s15] =	ssyncset.done $0x0  }
0x203: {  	[sflag:s15] =	ssyncadd.s32 $0xFFFFF800  }
0x204: {  	[tilespmem:s19], [sflag:$0x3] =	stream.indirect.gather [hbm4b:s3+s18], $0x80, s14, s18, $0xb8;
	[tilespmem:$0x6200] =	vst v63  }
0x205: {  	_ =	swait.ge [sflag:s20], $0x800  }
0x206: {  	[sflag:s20] =	ssyncset.done $0x0  }
0x207: {  	[sflag:s20] =	ssyncadd.s32 $0xFFFFF800  }
0x208: {  	_ =	swait.ge [sflag:s21], $0x800  }
0x209: {  	[sflag:s21] =	ssyncset.done $0x0  }
0x20a: {  	[sflag:s21] =	ssyncadd.s32 $0xFFFFF800  }
0x20b: {  	v8 =	vld [tilespmem:$0x4800]  }
0x20c: {  	v6 =	vld [tilespmem:$0x5000]  }
0x20d: {  	v11 =	vld [tilespmem:$0x4810]  }
0x20e: {  	v16 =	vld [tilespmem:$0x5010]  }
0x20f: {  	v17 =	vld [tilespmem:$0x4820]  }
0x210: {  	v18 =	vld [tilespmem:$0x5020]  }
0x211: {  	v19 =	vld [tilespmem:$0x4830]  }
0x212: {  	v20 =	vld [tilespmem:$0x5030]  }
0x213: {  	v21 =	vld [tilespmem:$0x4880]  }
0x214: {  	v22 =	vld [tilespmem:$0x5080]  }
0x215: {  	v23 =	vld [tilespmem:$0x4890]  }
0x216: {  	v24 =	vld [tilespmem:$0x5090]  }
0x217: {  	v25 =	vld [tilespmem:$0x48A0]  }
0x218: {  	v26 =	vld [tilespmem:$0x50A0]  }
0x219: {  	v27 =	vld [tilespmem:$0x48B0]  }
0x21a: {  	v28 =	vld [tilespmem:$0x50B0]  }
0x21b: {  	v29 =	vld [tilespmem:$0x4900]  }
0x21c: {  	v30 =	vld [tilespmem:$0x5100]  }
0x21d: {  	v31 =	vld [tilespmem:$0x4910]  }
0x21e: {  	v32 =	vld [tilespmem:$0x5110]  }
0x21f: {  	v33 =	vld [tilespmem:$0x4920]  }
0x220: {  	v34 =	vld [tilespmem:$0x5120]  }
0x221: {  	v35 =	vld [tilespmem:$0x4930]  }
0x222: {  	v36 =	vld [tilespmem:$0x5130]  }
0x223: {  	v37 =	vld [tilespmem:$0x4980]  }
0x224: {  	v38 =	vld [tilespmem:$0x5180]  }
0x225: {  	v39 =	vld [tilespmem:$0x4990]  }
0x226: {  	v40 =	vld [tilespmem:$0x5190]  }
0x227: {  	v41 =	vld [tilespmem:$0x49A0]  }
0x228: {  	v42 =	vld [tilespmem:$0x51A0]  }
0x229: {  	v43 =	vld [tilespmem:$0x49B0]  }
0x22a: {  	v44 =	vld [tilespmem:$0x51B0]  }
0x22b: {  	v45 =	vld [tilespmem:$0x4A00]  }
0x22c: {  	v46 =	vld [tilespmem:$0x5200]  }
0x22d: {  	v47 =	vld [tilespmem:$0x4A10]  }
0x22e: {  	v48 =	vld [tilespmem:$0x5210]  }
0x22f: {  	v49 =	vld [tilespmem:$0x4A20]  }
0x230: {  	v50 =	vld [tilespmem:$0x5220]  }
0x231: {  	v51 =	vld [tilespmem:$0x4A30]  }
0x232: {  	v52 =	vld [tilespmem:$0x5230]  }
0x233: {  	v53 =	vld [tilespmem:$0x4A80]  }
0x234: {  	v54 =	vld [tilespmem:$0x5280]  }
0x235: {  	v55 =	vld [tilespmem:$0x4A90]  }
0x236: {  	v56 =	vld [tilespmem:$0x5290]  }
0x237: {  	v57 =	vld [tilespmem:$0x4AA0]  }
0x238: {  	v58 =	vld [tilespmem:$0x52A0]  }
0x239: {  	v60 =	vld [tilespmem:$0x4AB0]  }
0x23a: {  	v3 =	vld [tilespmem:$0x52B0]  }
0x23b: {  	v2 =	vld [tilespmem:$0x4B00]  }
0x23c: {  	v13 =	vld [tilespmem:$0x5300]  }
0x23d: {  	v4 =	vld [tilespmem:$0x4B10]  }
0x23e: {  	v15 =	vld [tilespmem:$0x5310]  }
0x23f: {  	v59 =	vld [tilespmem:$0x4B20]  }
0x240: {  	v61 =	vld [tilespmem:$0x5320]  }
0x241: {  	v62 =	vld [tilespmem:$0x4B30]  }
0x242: {  	v63 =	vld [tilespmem:$0x5330]  }
0x243: {  	v1 =	vld [tilespmem:$0x4B80]  }
0x244: {  	v7 =	vld [tilespmem:$0x5380]  }
0x245: {  	v10 =	vld [tilespmem:$0x53A0]  }
0x246: {  	v9 =	vld [tilespmem:$0x5390]  }
0x247: {  	v14 =	vld [tilespmem:$0x4B90]  }
0x248: {  	v5 =	vld [tilespmem:$0x53B0]  }
0x249: {  	v12 =	vld [tilespmem:$0x4BA0]  }
0x24a: {  	[tilespmem:$0x1FA90] =	vst v10;
	v10 =	vld [tilespmem:$0x4BB0]  }
0x24b: {  	[tilespmem:$0x1FA80] =	vst v9;
	v9 =	vld [tilespmem:$0x4C00]  }
0x24c: {  	[tilespmem:$0x1FA70] =	vst v7;
	v7 =	vld [tilespmem:$0x5400]  }
0x24d: {  	[tilespmem:$0x1FAA0] =	vst v5;
	v5 =	vld [tilespmem:$0x5410];
	v0 =	vsub.f32 v6, v8  }
0x24e: {  	v6 =	vld [tilespmem:$0x5420];
	v16 =	vsub.f32 v16, v11;
	v20 =	vsub.f32 v20, v19  }
0x24f: {  	v0 =	vadd.f32 v0, v8;
	v8 =	vsub.f32 v18, v17;
	v18 =	vld [tilespmem:$0x5430]  }
0x250: {  	v30 =	vsub.f32 v30, v29;
	v11 =	vadd.f32 v16, v11;
	v16 =	vld [tilespmem:$0x4C80]  }
0x251: {  	[tilespmem:$0x4800] =	vst v0;
	v0 =	vadd.f32 v8, v17;
	v8 =	vsub.f32 v22, v21;
	v22 =	vld [tilespmem:$0x5480]  }
0x252: {  	v29 =	vadd.f32 v30, v29;
	v30 =	vsub.f32 v34, v33;
	[tilespmem:$0x4810] =	vst v11;
	v11 =	vld [tilespmem:$0x4C90]  }
0x253: {  	v34 =	vsub.f32 v38, v37;
	v17 =	vadd.f32 v20, v19;
	v20 =	vld [tilespmem:$0x5490]  }
0x254: {  	v38 =	vsub.f32 v42, v41;
	v42 =	vsub.f32 v46, v45;
	[tilespmem:$0x4900] =	vst v29;
	v29 =	vld [tilespmem:$0x5510]  }
0x255: {  	v46 =	vsub.f32 v50, v49;
	v33 =	vadd.f32 v30, v33;
	v30 =	vld [tilespmem:$0x4D20]  }
0x256: {  	v50 =	vsub.f32 v54, v53;
	v37 =	vadd.f32 v34, v37;
	v34 =	vld [tilespmem:$0x4D80]  }
0x257: {  	v41 =	vadd.f32 v38, v41;
	v38 =	vsub.f32 v13, v2;
	v13 =	vld [tilespmem:$0x55A0]  }
0x258: {  	v49 =	vadd.f32 v46, v49;
	v46 =	vld [tilespmem:$0x1FA80]  }
0x259: {  	v53 =	vadd.f32 v50, v53;
	v50 =	vld [tilespmem:$0x1FAA0]  }
0x25a: {  	[tilespmem:$0x1FAB0] =	vst v7;
	v7 =	vld [tilespmem:$0x4C10]  }
0x25b: {  	[tilespmem:$0x1FAC0] =	vst v5;
	v5 =	vld [tilespmem:$0x4C20]  }
0x25c: {  	v3 =	vsub.f32 v3, v60;
	v19 =	vsub.f32 v24, v23;
	[tilespmem:$0x1FAD0] =	vst v6;
	v6 =	vld [tilespmem:$0x4C30]  }
0x25d: {  	v26 =	vsub.f32 v26, v25;
	[tilespmem:$0x4830] =	vst v17;
	v17 =	vld [tilespmem:$0x4CA0]  }
0x25e: {  	v3 =	vadd.f32 v3, v60;
	v19 =	vadd.f32 v19, v23;
	v23 =	vld [tilespmem:$0x54A0]  }
0x25f: {  	[tilespmem:$0x4820] =	vst v0;
	v0 =	vadd.f32 v26, v25;
	v25 =	vld [tilespmem:$0x54B0]  }
0x260: {  	[tilespmem:$0x4AB0] =	vst v3;
	v26 =	vld [tilespmem:$0x4D00]  }
0x261: {  	[tilespmem:$0x4920] =	vst v33;
	v33 =	vld [tilespmem:$0x5530]  }
0x262: {  	v45 =	vadd.f32 v42, v45;
	[tilespmem:$0x4980] =	vst v37;
	v37 =	vld [tilespmem:$0x5590]  }
0x263: {  	v15 =	vsub.f32 v15, v4;
	v24 =	vadd.f32 v8, v21;
	[tilespmem:$0x49A0] =	vst v41;
	v21 =	vld [tilespmem:$0x4DA0]  }
0x264: {  	v54 =	vsub.f32 v58, v57;
	[tilespmem:$0x4A00] =	vst v45;
	v8 =	vld [tilespmem:$0x55B0]  }
0x265: {  	[tilespmem:$0x4A20] =	vst v49;
	v41 =	vadd.f32 v15, v4;
	v15 =	vld [tilespmem:$0x4E00]  }
0x266: {  	v28 =	vsub.f32 v28, v27;
	v58 =	vadd.f32 v54, v57;
	[tilespmem:$0x4A80] =	vst v53;
	v54 =	vld [tilespmem:$0x1FAC0]  }
0x267: {  	v42 =	vsub.f32 v63, v62;
	[tilespmem:$0x4880] =	vst v24;
	v24 =	vld [tilespmem:$0x4CB0]  }
0x268: {  	[tilespmem:$0x4890] =	vst v19;
	v19 =	vadd.f32 v28, v27;
	v27 =	vld [tilespmem:$0x5500]  }
0x269: {  	v45 =	vadd.f32 v42, v62;
	v28 =	vsub.f32 v32, v31;
	[tilespmem:$0x4B10] =	vst v41;
	v41 =	vld [tilespmem:$0x56A0]  }
0x26a: {  	[tilespmem:$0x4AA0] =	vst v58;
	v32 =	vsub.f32 v36, v35;
	v4 =	vsub.f32 v46, v14;
	v46 =	vld [tilespmem:$0x56B0]  }
0x26b: {  	[tilespmem:$0x48A0] =	vst v0;
	v36 =	vsub.f32 v40, v39;
	v31 =	vadd.f32 v28, v31;
	v28 =	vld [tilespmem:$0x4D10]  }
0x26c: {  	v40 =	vsub.f32 v44, v43;
	[tilespmem:$0x4B30] =	vst v45;
	v35 =	vadd.f32 v32, v35;
	v32 =	vld [tilespmem:$0x4D30]  }
0x26d: {  	v44 =	vsub.f32 v48, v47;
	[tilespmem:$0x48B0] =	vst v19;
	v39 =	vadd.f32 v36, v39;
	v36 =	vld [tilespmem:$0x4D90]  }
0x26e: {  	v48 =	vsub.f32 v52, v51;
	v52 =	vsub.f32 v56, v55;
	v19 =	vld [tilespmem:$0x4DB0];
	[tilespmem:$0x4910] =	vst v31  }
0x26f: {  	v43 =	vadd.f32 v40, v43;
	v47 =	vadd.f32 v44, v47;
	v44 =	vld [tilespmem:$0x1FA70];
	[tilespmem:$0x4930] =	vst v35  }
0x270: {  	v51 =	vadd.f32 v48, v51;
	v48 =	vld [tilespmem:$0x1FA90];
	[tilespmem:$0x4990] =	vst v39  }
0x271: {  	v60 =	vsub.f32 v22, v16;
	v56 =	vadd.f32 v52, v55;
	v52 =	vld [tilespmem:$0x1FAB0];
	[tilespmem:$0x49B0] =	vst v43  }
0x272: {  	v62 =	vsub.f32 v20, v11;
	v58 =	vsub.f32 v18, v6;
	v18 =	vld [tilespmem:$0x4EB0];
	[tilespmem:$0x4A10] =	vst v47  }
0x273: {  	v40 =	vsub.f32 v61, v59;
	v49 =	vadd.f32 v4, v14;
	v14 =	vld [tilespmem:$0x4E20];
	[tilespmem:$0x4A30] =	vst v51  }
0x274: {  	v4 =	vsub.f32 v50, v10;
	v63 =	vadd.f32 v60, v16;
	v16 =	vld [tilespmem:$0x5690];
	[tilespmem:$0x4A90] =	vst v56  }
0x275: {  	v20 =	vsub.f32 v23, v17;
	v22 =	vadd.f32 v62, v11;
	v11 =	vld [tilespmem:$0x4EA0];
	[tilespmem:$0x4B90] =	vst v49  }
0x276: {  	v60 =	vld [tilespmem:$0x4F20];
	v39 =	vadd.f32 v38, v2;
	v43 =	vadd.f32 v40, v59;
	[tilespmem:$0x4C80] =	vst v63  }
0x277: {  	v31 =	vld [tilespmem:$0x5520];
	v61 =	vadd.f32 v58, v6;
	v53 =	vadd.f32 v4, v10;
	[tilespmem:$0x4C90] =	vst v22  }
0x278: {  	v35 =	vld [tilespmem:$0x5580];
	v4 =	vsub.f32 v54, v7;
	v23 =	vsub.f32 v25, v24;
	[tilespmem:$0x4B00] =	vst v39  }
0x279: {  	v38 =	vld [tilespmem:$0x5600];
	v25 =	vadd.f32 v20, v17;
	v40 =	vsub.f32 v27, v26;
	[tilespmem:$0x4B20] =	vst v43  }
0x27a: {  	v56 =	vld [tilespmem:$0x1FAD0];
	[tilespmem:$0x4C30] =	vst v61;
	v2 =	vsub.f32 v44, v1;
	v57 =	vadd.f32 v4, v7  }
0x27b: {  	v6 =	vld [tilespmem:$0x4E90];
	[tilespmem:$0x4BB0] =	vst v53;
	v42 =	vadd.f32 v23, v24;
	v43 =	vsub.f32 v29, v28  }
0x27c: {  	v10 =	vld [tilespmem:$0x4E30];
	[tilespmem:$0x4CA0] =	vst v25;
	v44 =	vadd.f32 v40, v26;
	v53 =	vsub.f32 v37, v36  }
0x27d: {  	v22 =	vld [tilespmem:$0x4F00];
	v47 =	vadd.f32 v2, v1;
	v1 =	vsub.f32 v48, v12;
	[tilespmem:$0x4C10] =	vst v57  }
0x27e: {  	v54 =	vld [tilespmem:$0x4F10];
	v45 =	vsub.f32 v31, v30;
	[tilespmem:$0x4CB0] =	vst v42;
	v48 =	vsub.f32 v33, v32  }
0x27f: {  	v63 =	vld [tilespmem:$0x5720];
	[tilespmem:$0x4D00] =	vst v44;
	v50 =	vsub.f32 v35, v34;
	v58 =	vadd.f32 v53, v36  }
0x280: {  	v39 =	vld [tilespmem:$0x4E10];
	v62 =	vsub.f32 v38, v15;
	[tilespmem:$0x4B80] =	vst v47;
	v51 =	vadd.f32 v1, v12  }
0x281: {  	v7 =	vld [tilespmem:$0x4E80];
	v35 =	vsub.f32 v16, v6;
	v47 =	vadd.f32 v43, v28;
	[tilespmem:$0x4D90] =	vst v58  }
0x282: {  	v25 =	vld [tilespmem:$0x4F30];
	v38 =	vsub.f32 v41, v11;
	v49 =	vadd.f32 v45, v30;
	[tilespmem:$0x4BA0] =	vst v51  }
0x283: {  	v2 =	vld [tilespmem:$0x5610];
	v1 =	vsub.f32 v52, v9;
	v52 =	vadd.f32 v48, v32;
	[tilespmem:$0x4D10] =	vst v47  }
0x284: {  	v57 =	vld [tilespmem:$0x5710];
	v41 =	vsub.f32 v46, v18;
	v26 =	vadd.f32 v62, v15;
	[tilespmem:$0x4D20] =	vst v49  }
0x285: {  	v33 =	vld [tilespmem:$0x5780];
	v40 =	vadd.f32 v35, v6;
	[tilespmem:$0x4D30] =	vst v52  }
0x286: {  	v36 =	vld [tilespmem:$0x4F90];
	v43 =	vadd.f32 v38, v11;
	v46 =	vadd.f32 v41, v18;
	[tilespmem:$0x4E00] =	vst v26  }
0x287: {  	v12 =	vld [tilespmem:$0x5620];
	v55 =	vadd.f32 v1, v9;
	v1 =	vsub.f32 v56, v5;
	[tilespmem:$0x4E90] =	vst v40  }
0x288: {  	v28 =	vld [tilespmem:$0x5730];
	v56 =	vsub.f32 v13, v21;
	[tilespmem:$0x4EA0] =	vst v43  }
0x289: {  	v42 =	vld [tilespmem:$0x4FA0];
	[tilespmem:$0x4EB0] =	vst v46;
	v2 =	vsub.f32 v2, v39;
	v59 =	vadd.f32 v1, v5  }
0x28a: {  	v30 =	vld [tilespmem:$0x4F80];
	v47 =	vsub.f32 v57, v54;
	[tilespmem:$0x4C00] =	vst v55;
	v55 =	vadd.f32 v50, v34  }
0x28b: {  	v9 =	vld [tilespmem:$0x5630];
	v61 =	vadd.f32 v56, v21;
	v50 =	vsub.f32 v63, v60;
	[tilespmem:$0x4C20] =	vst v59  }
0x28c: {  	v51 =	vld [tilespmem:$0x5700];
	v27 =	vsub.f32 v12, v14;
	v2 =	vadd.f32 v2, v39;
	[tilespmem:$0x4D80] =	vst v55  }
0x28d: {  	v45 =	vld [tilespmem:$0x57A0];
	v52 =	vadd.f32 v47, v54;
	v53 =	vsub.f32 v28, v25;
	[tilespmem:$0x4DA0] =	vst v61  }
0x28e: {  	v48 =	vld [tilespmem:$0x4FB0];
	v59 =	vsub.f32 v8, v19;
	v54 =	vadd.f32 v50, v60;
	[tilespmem:$0x4E10] =	vst v2  }
0x28f: {  	v5 =	vld [tilespmem:$0x5680];
	v55 =	vsub.f32 v33, v30;
	v31 =	vadd.f32 v27, v14;
	[tilespmem:$0x4F10] =	vst v52  }
0x290: {  	v39 =	vld [tilespmem:$0x5790];
	v29 =	vsub.f32 v9, v10;
	v56 =	vadd.f32 v53, v25;
	[tilespmem:$0x4F20] =	vst v54  }
0x291: {  	v44 =	vsub.f32 v51, v22;
	v51 =	vld [tilespmem:$0x57B0];
	v19 =	vadd.f32 v59, v19;
	[tilespmem:$0x4E20] =	vst v31  }
0x292: {  	v58 =	vadd.f32 v55, v30;
	[tilespmem:$0x4F30] =	vst v56  }
0x293: {  	v59 =	vsub.f32 v45, v42;
	v34 =	vadd.f32 v29, v10;
	[tilespmem:$0x4DB0] =	vst v19  }
0x294: {  	v32 =	vsub.f32 v5, v7;
	v49 =	vadd.f32 v44, v22;
	[tilespmem:$0x4F80] =	vst v58  }
0x295: {  	v57 =	vsub.f32 v39, v36;
	v62 =	vadd.f32 v59, v42;
	[tilespmem:$0x4E30] =	vst v34  }
0x296: {  	v37 =	vadd.f32 v32, v7;
	[tilespmem:$0x4F00] =	vst v49;
	v61 =	vsub.f32 v51, v48  }
0x297: {  	v60 =	vadd.f32 v57, v36;
	[tilespmem:$0x4FA0] =	vst v62  }
0x298: {  	[tilespmem:$0x4E80] =	vst v37;
	v63 =	vadd.f32 v61, v48  }
0x299: {  	p0 =	sne.s32 s9, $0x1;
	[tilespmem:$0x4F90] =	vst v60  }
.Ltmp0:
0x29a: {  	[tilespmem:$0x4FB0] =	vst v63;
	(pc) =	sbr.rel @p0 .LBB2_1-.Ltmp0, $4  }
0x29b: {  	[hbm4b:s8+s2] =	stream.linear.scatter [tilespmem:s10], [sflag:$0x4], $0x800, $0x38;
	[tilespmem:$0x6200] =	vst v63  }
0x29c: {  	_ =	swait.ge [sflag:s15], $0x800  }
0x29d: {  	[sflag:s15] =	ssyncset.done $0x0  }
0x29e: {  	s9 =	sadd.s32 $0xFFFFFFFF, s9;
	[sflag:s15] =	ssyncadd.s32 $0xFFFFF800  }
0x29f: {  	_ =	sfence.sel $0x180000  }
0x2a0: {  	[bflag:$0x0] =	sbarrier.arrive $0xFFFF  }
0x2a1: {  	p0 =	sne.s32 s0, $0x0;
	_ =	strace $0x90000047  }
0x2a2: {  	s0 =	sadd.s32 @!p0 $0x100000, s1;
	[bflag:$0x2] =	sbarrier.arrive $0xFFFF  }
0x2a3: {  	[sflag:s0] =	ssyncadd.tile.s32 @!p0 $0x1;
	_ =	shalt  }
.Lfunc_end2:
_tile_overlayer_lowered:
.L_overlay_start_2:
0x2a4: {  	(tag) =	ssettag $0x2  }
0x2a5: {  	s0 =	rddreg [dreg:$0x0];
	s2 =	stileid.u32  }
0x2a6: {  	s1 =	rddreg [dreg:$0x1];
	p0 =	sne.s32 s2, $0x0  }
0x2a7: {  	s3 =	rddreg [dreg:$0x2];
	[bflag:$0x3] =	sbarrier.arrive $0xFFFF;
	s2 =	simm.s32 @!p0 $0x1C04  }
0x2a8: {  	[timem:s3], [sflag:s2] =	dma.local @!p0 [hbm:s0], s1  }
0x2a9: {  	s0 =	simm.s32 @!p0 $0x4  }
0x2aa: {  	_ =	swait.ge @!p0 [sflag:s0], s1  }
0x2ab: {  	s1 =	ssub.s32 @!p0 $0x0, s1;
	[sflag:s0] =	ssyncset.done @!p0 $0x0  }
0x2ac: {  	[sflag:s0] =	ssyncadd.s32 @!p0 s1  }
0x2ad: {  	[bflag:$0x3] =	sbarrier.arrive $0xFFFF  }
0x2ae: {  	_ =	shalt  }

</sc_bundles>
